<compile_context>
chip_gen: v7x
topology: tpu7x:2x2x1
jax: 0.10.2.dev20260603
libtpu: 0.0.44.dev20260713+nightly
codegen_flags: <defaults>
</compile_context>

<pallas_src>
import functools

import jax
import jax.numpy as jnp
from jax import lax
from jax.experimental import pallas as pl
from jax.experimental.pallas import tpu as pltpu
from jax.experimental.pallas import tpu_sc as plsc

D = 1024
E = 8
K = 2
T = 2048
DFF = 4 * D

M = 512
HM = 256
F = 1024
FC = DFF // F
DC = 256
DCN = D // DC
NF = FC + DCN
NT = (T * K) // M + E
R = NT * M

TB = 256

NC = 2
NS = 16
NW = NC * NS
LANES = 16

def _sc_mesh():
    return plsc.VectorSubcoreMesh(
        core_axis_name="c", subcore_axis_name="s",
        num_cores=NC, num_subcores=NS)


def _router_body(x_ref, g_ref, b_ref, wr_ref, xn_ref, p_ref):
    x = x_ref[...]
    mu = jnp.mean(x, axis=1, keepdims=True)
    var = jnp.mean((x - mu) ** 2, axis=1, keepdims=True)
    xn = (x - mu) * lax.rsqrt(var + 1e-5) * g_ref[...] + b_ref[...]
    xn_ref[...] = xn.astype(jnp.bfloat16)
    logits = lax.dot_general(
        xn, wr_ref[...], (((1,), (1,)), ((), ())),
        preferred_element_type=jnp.float32,
    )
    z = logits * (1.0 / 1.5)
    z = z - jnp.max(z, axis=1, keepdims=True)
    ez = jnp.exp(z)
    p_ref[...] = ez / jnp.sum(ez, axis=1, keepdims=True)


def _router(x2d, ln_g, ln_b, Wr):
    return pl.pallas_call(
        _router_body,
        grid=(T // TB,),
        in_specs=[
            pl.BlockSpec((TB, D), lambda t: (t, 0)),
            pl.BlockSpec((1, D), lambda t: (0, 0)),
            pl.BlockSpec((1, D), lambda t: (0, 0)),
            pl.BlockSpec((E, D), lambda t: (0, 0)),
        ],
        out_specs=[
            pl.BlockSpec((TB, D), lambda t: (t, 0)),
            pl.BlockSpec((TB, E), lambda t: (t, 0)),
        ],
        out_shape=[
            jax.ShapeDtypeStruct((T, D), jnp.bfloat16),
            jax.ShapeDtypeStruct((T, E), jnp.float32),
        ],
    )(x2d, ln_g.reshape(1, D), ln_b.reshape(1, D), Wr)


def _dispatch_metadata(probs):
    w, idx = lax.top_k(probs, K)
    flat_e = idx.reshape(-1)

    onehot = (flat_e[:, None] == jnp.arange(E)[None, :]).astype(jnp.int32)
    csum = jnp.cumsum(onehot, axis=0)
    counts = csum[-1]
    rank = jnp.take_along_axis(csum - onehot, flat_e[:, None], axis=1)[:, 0]

    tiles_e = (counts + M - 1) // M
    tile_start = jnp.concatenate([jnp.zeros((1,), jnp.int32),
                                  jnp.cumsum(tiles_e).astype(jnp.int32)])
    pad_start = tile_start[:E] * M

    row_of_flat = (pad_start[flat_e] + rank).astype(jnp.int32)
    r01 = row_of_flat.reshape(T, K)

    n_act = tile_start[E]
    raw_tile_e = jnp.searchsorted(
        tile_start[1:], jnp.arange(NT, dtype=jnp.int32), side="right"
    ).astype(jnp.int32)
    active = (jnp.arange(NT, dtype=jnp.int32) < n_act).astype(jnp.int32)
    last_e = raw_tile_e[jnp.maximum(n_act - 1, 0)]
    tile_e = jnp.where(active == 1, jnp.minimum(raw_tile_e, E - 1), last_e)
    blk = jnp.where(active == 1, jnp.arange(NT, dtype=jnp.int32),
                    jnp.maximum(n_act - 1, 0)).astype(jnp.int32)
    local = jnp.arange(NT, dtype=jnp.int32) - tile_start[
        jnp.minimum(raw_tile_e, E - 1)]
    used = jnp.clip(counts[jnp.minimum(raw_tile_e, E - 1)] - local * M, 0, M)
    n_half = jnp.where(active == 1, (used + HM - 1) // HM, 0).astype(jnp.int32)

    wh = w.astype(jnp.bfloat16)
    wl = (w - wh.astype(jnp.float32)).astype(jnp.bfloat16)
    w0cat = jnp.stack([wh[:, 0], wl[:, 0]], axis=1).reshape(1, T, 2)
    w1cat = jnp.stack([wh[:, 1], wl[:, 1]], axis=1).reshape(1, T, 2)
    return (w0cat, w1cat, r01[:, 0], r01[:, 1], tile_e, active, blk, n_half)


def _mm_body(te_ref, act_ref, blk_ref, nh_ref, xnb_ref, r0_ref, r1_ref,
             w0_ref, w1c_ref, wm1_ref, wm2_ref, ys_ref, xg_ref, h_ref,
             wrow_ref):
    t = pl.program_id(0)
    f = pl.program_id(1)

    for hb in range(M // HM):
        rs = pl.ds(hb * HM, HM)
        on = nh_ref[t] > hb

        @pl.when(jnp.logical_and(on, f == 0))
        def _(rs=rs, hb=hb):
            rid = (lax.broadcasted_iota(jnp.int32, (HM, T), 0)
                   + t * M + hb * HM)
            oh0 = (rid == r0_ref[0]).astype(jnp.bfloat16)
            oh1 = (rid == r1_ref[0]).astype(jnp.bfloat16)
            xg = lax.dot_general(oh0 + oh1, xnb_ref[...],
                                 (((1,), (0,)), ((), ())),
                                 preferred_element_type=jnp.float32)
            xg_ref[rs, :] = xg
            a = lax.dot_general(oh0, w0_ref[0], (((1,), (0,)), ((), ())),
                                preferred_element_type=jnp.float32)
            b = lax.dot_general(oh1, w1c_ref[0], (((1,), (0,)), ((), ())),
                                preferred_element_type=jnp.float32)
            wrow_ref[rs, :] = jnp.sum(a + b, axis=1, keepdims=True)

        @pl.when(jnp.logical_and(on, f < FC))
        def _(rs=rs):
            x = xg_ref[rs, :]
            h = lax.dot_general(x, wm1_ref[0], (((1,), (1,)), ((), ())),
                                preferred_element_type=jnp.float32)
            h_ref[f, rs, :] = h * lax.logistic(h)

        @pl.when(jnp.logical_and(on, f >= FC))
        def _(rs=rs):
            w2 = wm2_ref[0]
            acc = jnp.zeros((HM, DC), jnp.float32)
            for f4 in range(FC):
                acc += lax.dot_general(h_ref[f4, rs, :],
                                       w2[:, f4 * F:(f4 + 1) * F],
                                       (((1,), (1,)), ((), ())),
                                       preferred_element_type=jnp.float32)
            ys_ref[rs, :] = acc * wrow_ref[rs, :]


def _grouped_ffn(xnb, r0, r1, w0cat, w1cat, W1, W2, tile_e, active, blk,
                 n_half):
    grid_spec = pltpu.PrefetchScalarGridSpec(
        num_scalar_prefetch=4,
        grid=(NT, NF),
        in_specs=[
            pl.BlockSpec((T, D), lambda t, f, te, act, blk, nh: (0, 0)),
            pl.BlockSpec((1, 1, T), lambda t, f, te, act, blk, nh: (0, 0, 0)),
            pl.BlockSpec((1, 1, T), lambda t, f, te, act, blk, nh: (0, 0, 0)),
            pl.BlockSpec((1, T, 2), lambda t, f, te, act, blk, nh: (0, 0, 0)),
            pl.BlockSpec((1, T, 2), lambda t, f, te, act, blk, nh: (0, 0, 0)),
            pl.BlockSpec(
                (1, F, D),
                lambda t, f, te, act, blk, nh:
                    (te[t], jnp.where(act[t] == 1,
                                      jnp.minimum(f, FC - 1), FC - 1), 0)),
            pl.BlockSpec(
                (1, DC, DFF),
                lambda t, f, te, act, blk, nh:
                    (te[t], jnp.where(act[t] == 1,
                                      jnp.maximum(f - FC, 0), DCN - 1), 0)),
        ],
        out_specs=pl.BlockSpec(
            (M, DC),
            lambda t, f, te, act, blk, nh:
                (blk[t], jnp.where(act[t] == 1,
                                   jnp.maximum(f - FC, 0), DCN - 1))),
        scratch_shapes=[pltpu.VMEM((M, D), jnp.float32),
                        pltpu.VMEM((FC, M, F), jnp.float32),
                        pltpu.VMEM((M, 1), jnp.float32)],
    )
    return pl.pallas_call(
        _mm_body,
        grid_spec=grid_spec,
        out_shape=jax.ShapeDtypeStruct((R, D), jnp.float32),
        compiler_params=pltpu.CompilerParams(
            dimension_semantics=("arbitrary", "arbitrary")),
    )(tile_e, active, blk, n_half, xnb, r0.reshape(1, 1, T),
      r1.reshape(1, 1, T), w0cat, w1cat, W1, W2)


CCH = 16


def _combine_body(ys_hbm, r0_hbm, r1_hbm, x_hbm, out_hbm,
                  i0_v, i1_v, a_v, b_v, c_v, sem0, sem1):
    wid = lax.axis_index("s") * NC + lax.axis_index("c")
    per_w = T // NW

    def chunk(i, _):
        base = wid * per_w + i * CCH
        pltpu.sync_copy(r0_hbm.at[pl.ds(base, CCH)], i0_v)
        pltpu.sync_copy(r1_hbm.at[pl.ds(base, CCH)], i1_v)
        cp0 = pltpu.async_copy(ys_hbm.at[i0_v], a_v, sem0)
        cp1 = pltpu.async_copy(ys_hbm.at[i1_v], b_v, sem1)
        pltpu.sync_copy(x_hbm.at[pl.ds(base, CCH)], c_v)
        cp0.wait()
        cp1.wait()

        def row(r, _):
            for j in range(D // LANES):
                s = pl.ds(j * LANES, LANES)
                c_v[r, s] = c_v[r, s] + a_v[r, s] + b_v[r, s]
            return _

        lax.fori_loop(0, CCH, row, None)
        pltpu.sync_copy(c_v, out_hbm.at[pl.ds(base, CCH)])
        return _

    lax.fori_loop(0, per_w // CCH, chunk, None)


def _sc_combine(ys, r0, r1, x2d):
    k = functools.partial(
        pl.kernel,
        out_type=jax.ShapeDtypeStruct((T, D), jnp.float32),
        mesh=_sc_mesh(),
        scratch_types=[
            pltpu.VMEM((CCH,), jnp.int32),
            pltpu.VMEM((CCH,), jnp.int32),
            pltpu.VMEM((CCH, D), jnp.float32),
            pltpu.VMEM((CCH, D), jnp.float32),
            pltpu.VMEM((CCH, D), jnp.float32),
            pltpu.SemaphoreType.DMA,
            pltpu.SemaphoreType.DMA,
        ],
    )(_combine_body)
    return k(ys, r0, r1, x2d)


def kernel(x, ln_g, ln_b, Wr, W1, W2):
    x2d = x.reshape(T, D)
    xnb, probs = _router(x2d, ln_g, ln_b, Wr)
    (w0cat, w1cat, r0, r1, tile_e, active, blk,
     n_half) = _dispatch_metadata(probs)
    ys = _grouped_ffn(xnb, r0, r1, w0cat, w1cat, W1, W2, tile_e, active, blk,
                      n_half)
    out = _sc_combine(ys, r0, r1, x2d)
    return out.reshape(1, T, D)

# --- scband reference (transcript-rebuilt; emitter-appended) ---
"""Pipeline reference for scband-mo-ev2-29703993819797 (READ-ONLY COPY).

The authoritative reference and input builder live on the scoring server;
editing this copy changes nothing except your own understanding.
"""

import jax, jax.numpy as jnp
import numpy as np

D = 1024
E = 8
K = 2
B = 1
T = 2048
DFF = 4 * D


def setup_inputs(seed: int = 0) -> dict:
    key = jax.random.key(seed)
    ks = jax.random.split(key, 4)
    x = jax.random.normal(ks[0], (B, T, D), dtype=jnp.float32)
    ln_g = jnp.ones((D,), dtype=jnp.float32)
    ln_b = jnp.zeros((D,), dtype=jnp.float32)
    Wr = jax.random.normal(ks[1], (E, D), dtype=jnp.float32) * (1.0 / np.sqrt(D))
    W1 = jax.random.normal(ks[2], (E, DFF, D), dtype=jnp.float32) * (1.0 / np.sqrt(D))
    W2 = jax.random.normal(ks[3], (E, D, DFF), dtype=jnp.float32) * (1.0 / np.sqrt(DFF))
    return {"x": x, "ln_g": ln_g, "ln_b": ln_b, "Wr": Wr, "W1": W1, "W2": W2}


def reference(x, ln_g, ln_b, Wr, W1, W2):
    res = x
    mu = jnp.mean(x, axis=-1, keepdims=True)
    var = jnp.mean((x - mu) ** 2, axis=-1, keepdims=True)
    xn = (x - mu) / jnp.sqrt(var + 1e-5) * ln_g + ln_b
    # router: nn.Linear(d, E, bias=False) -> logits = xn @ Wr.T
    logits = jnp.einsum('btd,ed->bte', xn, Wr)
    probs = jax.nn.softmax(logits / 1.5, axis=-1)
    w, idx = jax.lax.top_k(probs, K)  # [B,T,K]
    out = jnp.zeros_like(x)
    for e in range(E):
        # combined routing weight for expert e across the top-k slots
        we = jnp.sum(w * (idx == e).astype(w.dtype), axis=-1)  # [B,T]
        h = jax.nn.silu(jnp.einsum('btd,fd->btf', xn, W1[e]))
        ye = jnp.einsum('btf,df->btd', h, W2[e])
        out = out + we[..., None] * ye
    return out + res

if __name__ == "__main__":
    import jax
    _d = setup_inputs()
    print(jax.jit(kernel)(*tuple(_d.values())))

</pallas_src>

<mosaic_0001>
#map = affine_map<(d0, d1) -> (0, 0)>
#map1 = affine_map<(d0, d1) -> (0)>
module attributes {stable_mosaic.version = 14 : i64} {
  func.func @_combine_body(%arg0: i32, %arg1: i32, %arg2: memref<8192x1024xf32, #tpu.memory_space<hbm>>, %arg3: memref<2048xi32, #tpu.memory_space<hbm>>, %arg4: memref<2048xi32, #tpu.memory_space<hbm>>, %arg5: memref<2048x1024xf32, #tpu.memory_space<hbm>>, %arg6: memref<2048x1024xf32, #tpu.memory_space<hbm>>, %arg7: memref<16xi32, #tpu.memory_space<vmem>>, %arg8: memref<16xi32, #tpu.memory_space<vmem>>, %arg9: memref<16x1024xf32, #tpu.memory_space<vmem>>, %arg10: memref<16x1024xf32, #tpu.memory_space<vmem>>, %arg11: memref<16x1024xf32, #tpu.memory_space<vmem>>, %arg12: memref<!tpu.dma_semaphore, #tpu.memory_space<semaphore_mem>>, %arg13: memref<!tpu.dma_semaphore, #tpu.memory_space<semaphore_mem>>) attributes {dimension_semantics = [#tpu.dimension_semantics<core_parallel>, #tpu.dimension_semantics<subcore_parallel>], iteration_bounds = array<i64: 2, 16>, scalar_prefetch = 0 : i64, scratch_operands = 7 : i64, tpu.core_type = #tpu.core_type<sc_vector_subcore>, window_params = [{transform_indices = #map}, {transform_indices = #map1}, {transform_indices = #map1}, {transform_indices = #map}, {transform_indices = #map}]} {
    %mul3A = arith.constant 2 : i32
    %mul3A_0 = arith.muli %arg1, %mul3A : i32
    %add3A = arith.addi %mul3A_0, %arg0 : i32
    %scan3A = arith.constant 0 : i32
    %scan3A_1 = arith.constant 4 : i32
    %scan3A_2 = arith.addi %scan3A, %scan3A_1 : i32
    %scan3A_3 = arith.constant 1 : i32
    scf.for %scan3A_5 = %scan3A to %scan3A_2 step %scan3A_3  : i32 {
      %mul3A_6 = arith.constant 64 : i32
      %mul3A_7 = arith.muli %add3A, %mul3A_6 : i32
      %mul3A_8 = arith.constant 16 : i32
      %mul3A_9 = arith.muli %scan3A_5, %mul3A_8 : i32
      %add3A_10 = arith.addi %mul3A_7, %mul3A_9 : i32
      "tpu.region"() ({
        %run_scoped3A = tpu.sem_alloc : memref<!tpu.dma_semaphore, #tpu.memory_space<semaphore_mem>>
        %dma_start3A_26 = tpu.memref_slice %arg3[%add3A_10] : memref<2048xi32, #tpu.memory_space<hbm>> -> memref<16xi32, #tpu.memory_space<hbm>>
        %dma_start3A_27 = tpu.memref_slice %arg3[%add3A_10] : memref<2048xi32, #tpu.memory_space<hbm>> -> memref<16xi32, #tpu.memory_space<hbm>>
        tpu.enqueue_dma source(%dma_start3A_27 : memref<16xi32, #tpu.memory_space<hbm>>) target(%arg7 : memref<16xi32, #tpu.memory_space<vmem>>) target_semaphore(%run_scoped3A : memref<!tpu.dma_semaphore, #tpu.memory_space<semaphore_mem>>)
        %dma_wait3A_28 = tpu.memref_slice %arg3[%add3A_10] : memref<2048xi32, #tpu.memory_space<hbm>> -> memref<16xi32, #tpu.memory_space<hbm>>
        %dma_wait3A_29 = tpu.memref_slice %arg3[%add3A_10] : memref<2048xi32, #tpu.memory_space<hbm>> -> memref<16xi32, #tpu.memory_space<hbm>>
        tpu.wait_dma2 semaphore(%run_scoped3A : memref<!tpu.dma_semaphore, #tpu.memory_space<semaphore_mem>>) src(%dma_wait3A_29 : memref<16xi32, #tpu.memory_space<hbm>>) dst(%arg7 : memref<16xi32, #tpu.memory_space<vmem>>)
        tpu.yield
      }) : () -> ()
      "tpu.region"() ({
        %run_scoped3A = tpu.sem_alloc : memref<!tpu.dma_semaphore, #tpu.memory_space<semaphore_mem>>
        %dma_start3A_26 = tpu.memref_slice %arg4[%add3A_10] : memref<2048xi32, #tpu.memory_space<hbm>> -> memref<16xi32, #tpu.memory_space<hbm>>
        %dma_start3A_27 = tpu.memref_slice %arg4[%add3A_10] : memref<2048xi32, #tpu.memory_space<hbm>> -> memref<16xi32, #tpu.memory_space<hbm>>
        tpu.enqueue_dma source(%dma_start3A_27 : memref<16xi32, #tpu.memory_space<hbm>>) target(%arg8 : memref<16xi32, #tpu.memory_space<vmem>>) target_semaphore(%run_scoped3A : memref<!tpu.dma_semaphore, #tpu.memory_space<semaphore_mem>>)
        %dma_wait3A_28 = tpu.memref_slice %arg4[%add3A_10] : memref<2048xi32, #tpu.memory_space<hbm>> -> memref<16xi32, #tpu.memory_space<hbm>>
        %dma_wait3A_29 = tpu.memref_slice %arg4[%add3A_10] : memref<2048xi32, #tpu.memory_space<hbm>> -> memref<16xi32, #tpu.memory_space<hbm>>
        tpu.wait_dma2 semaphore(%run_scoped3A : memref<!tpu.dma_semaphore, #tpu.memory_space<semaphore_mem>>) src(%dma_wait3A_29 : memref<16xi32, #tpu.memory_space<hbm>>) dst(%arg8 : memref<16xi32, #tpu.memory_space<vmem>>)
        tpu.yield
      }) : () -> ()
      %dma_start3A = arith.constant 0 : i32
      %dma_start3A_11 = arith.constant 0 : i32
      %dma_start3A_12 = tpu.memref_slice %arg2[%dma_start3A, %dma_start3A_11] : memref<8192x1024xf32, #tpu.memory_space<hbm>> -> memref<8192x1024xf32, #tpu.memory_space<hbm>>
      tpu.enqueue_indirect_dma source(%dma_start3A_12 : memref<8192x1024xf32, #tpu.memory_space<hbm>>) target(%arg9 : memref<16x1024xf32, #tpu.memory_space<vmem>>) offsets(%arg7 : memref<16xi32, #tpu.memory_space<vmem>>) semaphore(%arg12 : memref<!tpu.dma_semaphore, #tpu.memory_space<semaphore_mem>>)
      %dma_start3A_13 = arith.constant 0 : i32
      %dma_start3A_14 = arith.constant 0 : i32
      %dma_start3A_15 = tpu.memref_slice %arg2[%dma_start3A_13, %dma_start3A_14] : memref<8192x1024xf32, #tpu.memory_space<hbm>> -> memref<8192x1024xf32, #tpu.memory_space<hbm>>
      tpu.enqueue_indirect_dma source(%dma_start3A_15 : memref<8192x1024xf32, #tpu.memory_space<hbm>>) target(%arg10 : memref<16x1024xf32, #tpu.memory_space<vmem>>) offsets(%arg8 : memref<16xi32, #tpu.memory_space<vmem>>) semaphore(%arg13 : memref<!tpu.dma_semaphore, #tpu.memory_space<semaphore_mem>>)
      "tpu.region"() ({
        %run_scoped3A = tpu.sem_alloc : memref<!tpu.dma_semaphore, #tpu.memory_space<semaphore_mem>>
        %dma_start3A_26 = arith.constant 0 : i32
        %dma_start3A_27 = tpu.memref_slice %arg5[%add3A_10, %dma_start3A_26] : memref<2048x1024xf32, #tpu.memory_space<hbm>> -> memref<16x1024xf32, #tpu.memory_space<hbm>>
        %dma_start3A_28 = arith.constant 0 : i32
        %dma_start3A_29 = tpu.memref_slice %arg5[%add3A_10, %dma_start3A_28] : memref<2048x1024xf32, #tpu.memory_space<hbm>> -> memref<16x1024xf32, #tpu.memory_space<hbm>>
        tpu.enqueue_dma source(%dma_start3A_29 : memref<16x1024xf32, #tpu.memory_space<hbm>>) target(%arg11 : memref<16x1024xf32, #tpu.memory_space<vmem>>) target_semaphore(%run_scoped3A : memref<!tpu.dma_semaphore, #tpu.memory_space<semaphore_mem>>)
        %dma_wait3A_30 = arith.constant 0 : i32
        %dma_wait3A_31 = tpu.memref_slice %arg5[%add3A_10, %dma_wait3A_30] : memref<2048x1024xf32, #tpu.memory_space<hbm>> -> memref<16x1024xf32, #tpu.memory_space<hbm>>
        %dma_wait3A_32 = arith.constant 0 : i32
        %dma_wait3A_33 = tpu.memref_slice %arg5[%add3A_10, %dma_wait3A_32] : memref<2048x1024xf32, #tpu.memory_space<hbm>> -> memref<16x1024xf32, #tpu.memory_space<hbm>>
        tpu.wait_dma2 semaphore(%run_scoped3A : memref<!tpu.dma_semaphore, #tpu.memory_space<semaphore_mem>>) src(%dma_wait3A_33 : memref<16x1024xf32, #tpu.memory_space<hbm>>) dst(%arg11 : memref<16x1024xf32, #tpu.memory_space<vmem>>)
        tpu.yield
      }) : () -> ()
      %dma_wait3A = arith.constant 0 : i32
      %dma_wait3A_16 = arith.constant 0 : i32
      %dma_wait3A_17 = tpu.memref_slice %arg2[%dma_wait3A, %dma_wait3A_16] : memref<8192x1024xf32, #tpu.memory_space<hbm>> -> memref<8192x1024xf32, #tpu.memory_space<hbm>>
      tpu.wait_indirect_dma semaphore(%arg12 : memref<!tpu.dma_semaphore, #tpu.memory_space<semaphore_mem>>) src(%dma_wait3A_17 : memref<8192x1024xf32, #tpu.memory_space<hbm>>) dst(%arg9 : memref<16x1024xf32, #tpu.memory_space<vmem>>)
      %dma_wait3A_18 = arith.constant 0 : i32
      %dma_wait3A_19 = arith.constant 0 : i32
      %dma_wait3A_20 = tpu.memref_slice %arg2[%dma_wait3A_18, %dma_wait3A_19] : memref<8192x1024xf32, #tpu.memory_space<hbm>> -> memref<8192x1024xf32, #tpu.memory_space<hbm>>
      tpu.wait_indirect_dma semaphore(%arg13 : memref<!tpu.dma_semaphore, #tpu.memory_space<semaphore_mem>>) src(%dma_wait3A_20 : memref<8192x1024xf32, #tpu.memory_space<hbm>>) dst(%arg10 : memref<16x1024xf32, #tpu.memory_space<vmem>>)
      %scan3A_21 = arith.constant 0 : i32
      %scan3A_22 = arith.constant 16 : i32
      %scan3A_23 = arith.addi %scan3A_21, %scan3A_22 : i32
      %scan3A_24 = arith.constant 1 : i32
      scf.for %scan3A_26 = %scan3A_21 to %scan3A_23 step %scan3A_24  : i32 {
        %get3A = arith.index_cast %scan3A_26 : i32 to index
        %get3A_27 = arith.constant 0 : index
        %get3A_28 = tpu.vector_load %arg11[%get3A, %get3A_27] {strides = array<i32>} : memref<16x1024xf32, #tpu.memory_space<vmem>>, vector<1x16xf32>,
        %get3A_29 = vector.shape_cast %get3A_28 : vector<1x16xf32> to vector<16xf32>
        %get3A_30 = arith.index_cast %scan3A_26 : i32 to index
        %get3A_31 = arith.constant 0 : index
        %get3A_32 = tpu.vector_load %arg9[%get3A_30, %get3A_31] {strides = array<i32>} : memref<16x1024xf32, #tpu.memory_space<vmem>>, vector<1x16xf32>,
        %get3A_33 = vector.shape_cast %get3A_32 : vector<1x16xf32> to vector<16xf32>
        %add3A_34 = arith.addf %get3A_29, %get3A_33 : vector<16xf32>
        %get3A_35 = arith.index_cast %scan3A_26 : i32 to index
        %get3A_36 = arith.constant 0 : index
        %get3A_37 = tpu.vector_load %arg10[%get3A_35, %get3A_36] {strides = array<i32>} : memref<16x1024xf32, #tpu.memory_space<vmem>>, vector<1x16xf32>,
        %get3A_38 = vector.shape_cast %get3A_37 : vector<1x16xf32> to vector<16xf32>
        %add3A_39 = arith.addf %add3A_34, %get3A_38 : vector<16xf32>
        %swap3A = arith.index_cast %scan3A_26 : i32 to index
        %swap3A_40 = arith.constant 0 : index
        %swap3A_41 = tpu.vector_load %arg11[%swap3A, %swap3A_40] {strides = array<i32>} : memref<16x1024xf32, #tpu.memory_space<vmem>>, vector<1x16xf32>,
        %swap3A_42 = vector.shape_cast %swap3A_41 : vector<1x16xf32> to vector<16xf32>
        %swap3A_43 = vector.shape_cast %add3A_39 : vector<16xf32> to vector<1x16xf32>
        tpu.vector_store %arg11[%swap3A, %swap3A_40], %swap3A_43 {strides = array<i32>} : memref<16x1024xf32, #tpu.memory_space<vmem>>, vector<1x16xf32>,
        %get3A_44 = arith.index_cast %scan3A_26 : i32 to index
        %get3A_45 = arith.constant 16 : index
        %get3A_46 = tpu.vector_load %arg11[%get3A_44, %get3A_45] {strides = array<i32>} : memref<16x1024xf32, #tpu.memory_space<vmem>>, vector<1x16xf32>,
        %get3A_47 = vector.shape_cast %get3A_46 : vector<1x16xf32> to vector<16xf32>
        %get3A_48 = arith.index_cast %scan3A_26 : i32 to index
        %get3A_49 = arith.constant 16 : index
        %get3A_50 = tpu.vector_load %arg9[%get3A_48, %get3A_49] {strides = array<i32>} : memref<16x1024xf32, #tpu.memory_space<vmem>>, vector<1x16xf32>,
        %get3A_51 = vector.shape_cast %get3A_50 : vector<1x16xf32> to vector<16xf32>
        %add3A_52 = arith.addf %get3A_47, %get3A_51 : vector<16xf32>
        %get3A_53 = arith.index_cast %scan3A_26 : i32 to index
        %get3A_54 = arith.constant 16 : index
        %get3A_55 = tpu.vector_load %arg10[%get3A_53, %get3A_54] {strides = array<i32>} : memref<16x1024xf32, #tpu.memory_space<vmem>>, vector<1x16xf32>,
        %get3A_56 = vector.shape_cast %get3A_55 : vector<1x16xf32> to vector<16xf32>
        %add3A_57 = arith.addf %add3A_52, %get3A_56 : vector<16xf32>
        %swap3A_58 = arith.index_cast %scan3A_26 : i32 to index
        %swap3A_59 = arith.constant 16 : index
        %swap3A_60 = tpu.vector_load %arg11[%swap3A_58, %swap3A_59] {strides = array<i32>} : memref<16x1024xf32, #tpu.memory_space<vmem>>, vector<1x16xf32>,
        %swap3A_61 = vector.shape_cast %swap3A_60 : vector<1x16xf32> to vector<16xf32>
        %swap3A_62 = vector.shape_cast %add3A_57 : vector<16xf32> to vector<1x16xf32>
        tpu.vector_store %arg11[%swap3A_58, %swap3A_59], %swap3A_62 {strides = array<i32>} : memref<16x1024xf32, #tpu.memory_space<vmem>>, vector<1x16xf32>,
        %get3A_63 = arith.index_cast %scan3A_26 : i32 to index
        %get3A_64 = arith.constant 32 : index
        %get3A_65 = tpu.vector_load %arg11[%get3A_63, %get3A_64] {strides = array<i32>} : memref<16x1024xf32, #tpu.memory_space<vmem>>, vector<1x16xf32>,
        %get3A_66 = vector.shape_cast %get3A_65 : vector<1x16xf32> to vector<16xf32>
        %get3A_67 = arith.index_cast %scan3A_26 : i32 to index
        %get3A_68 = arith.constant 32 : index
        %get3A_69 = tpu.vector_load %arg9[%get3A_67, %get3A_68] {strides = array<i32>} : memref<16x1024xf32, #tpu.memory_space<vmem>>, vector<1x16xf32>,
        %get3A_70 = vector.shape_cast %get3A_69 : vector<1x16xf32> to vector<16xf32>
        %add3A_71 = arith.addf %get3A_66, %get3A_70 : vector<16xf32>
        %get3A_72 = arith.index_cast %scan3A_26 : i32 to index
        %get3A_73 = arith.constant 32 : index
        %get3A_74 = tpu.vector_load %arg10[%get3A_72, %get3A_73] {strides = array<i32>} : memref<16x1024xf32, #tpu.memory_space<vmem>>, vector<1x16xf32>,
        %get3A_75 = vector.shape_cast %get3A_74 : vector<1x16xf32> to vector<16xf32>
        %add3A_76 = arith.addf %add3A_71, %get3A_75 : vector<16xf32>
        %swap3A_77 = arith.index_cast %scan3A_26 : i32 to index
        %swap3A_78 = arith.constant 32 : index
        %swap3A_79 = tpu.vector_load %arg11[%swap3A_77, %swap3A_78] {strides = array<i32>} : memref<16x1024xf32, #tpu.memory_space<vmem>>, vector<1x16xf32>,
        %swap3A_80 = vector.shape_cast %swap3A_79 : vector<1x16xf32> to vector<16xf32>
        %swap3A_81 = vector.shape_cast %add3A_76 : vector<16xf32> to vector<1x16xf32>
        tpu.vector_store %arg11[%swap3A_77, %swap3A_78], %swap3A_81 {strides = array<i32>} : memref<16x1024xf32, #tpu.memory_space<vmem>>, vector<1x16xf32>,
        %get3A_82 = arith.index_cast %scan3A_26 : i32 to index
        %get3A_83 = arith.constant 48 : index
        %get3A_84 = tpu.vector_load %arg11[%get3A_82, %get3A_83] {strides = array<i32>} : memref<16x1024xf32, #tpu.memory_space<vmem>>, vector<1x16xf32>,
        %get3A_85 = vector.shape_cast %get3A_84 : vector<1x16xf32> to vector<16xf32>
        %get3A_86 = arith.index_cast %scan3A_26 : i32 to index
        %get3A_87 = arith.constant 48 : index
        %get3A_88 = tpu.vector_load %arg9[%get3A_86, %get3A_87] {strides = array<i32>} : memref<16x1024xf32, #tpu.memory_space<vmem>>, vector<1x16xf32>,
        %get3A_89 = vector.shape_cast %get3A_88 : vector<1x16xf32> to vector<16xf32>
        %add3A_90 = arith.addf %get3A_85, %get3A_89 : vector<16xf32>
        %get3A_91 = arith.index_cast %scan3A_26 : i32 to index
        %get3A_92 = arith.constant 48 : index
        %get3A_93 = tpu.vector_load %arg10[%get3A_91, %get3A_92] {strides = array<i32>} : memref<16x1024xf32, #tpu.memory_space<vmem>>, vector<1x16xf32>,
        %get3A_94 = vector.shape_cast %get3A_93 : vector<1x16xf32> to vector<16xf32>
        %add3A_95 = arith.addf %add3A_90, %get3A_94 : vector<16xf32>
        %swap3A_96 = arith.index_cast %scan3A_26 : i32 to index
        %swap3A_97 = arith.constant 48 : index
        %swap3A_98 = tpu.vector_load %arg11[%swap3A_96, %swap3A_97] {strides = array<i32>} : memref<16x1024xf32, #tpu.memory_space<vmem>>, vector<1x16xf32>,
        %swap3A_99 = vector.shape_cast %swap3A_98 : vector<1x16xf32> to vector<16xf32>
        %swap3A_100 = vector.shape_cast %add3A_95 : vector<16xf32> to vector<1x16xf32>
        tpu.vector_store %arg11[%swap3A_96, %swap3A_97], %swap3A_100 {strides = array<i32>} : memref<16x1024xf32, #tpu.memory_space<vmem>>, vector<1x16xf32>,
        %get3A_101 = arith.index_cast %scan3A_26 : i32 to index
        %get3A_102 = arith.constant 64 : index
        %get3A_103 = tpu.vector_load %arg11[%get3A_101, %get3A_102] {strides = array<i32>} : memref<16x1024xf32, #tpu.memory_space<vmem>>, vector<1x16xf32>,
        %get3A_104 = vector.shape_cast %get3A_103 : vector<1x16xf32> to vector<16xf32>
        %get3A_105 = arith.index_cast %scan3A_26 : i32 to index
        %get3A_106 = arith.constant 64 : index
        %get3A_107 = tpu.vector_load %arg9[%get3A_105, %get3A_106] {strides = array<i32>} : memref<16x1024xf32, #tpu.memory_space<vmem>>, vector<1x16xf32>,
        %get3A_108 = vector.shape_cast %get3A_107 : vector<1x16xf32> to vector<16xf32>
        %add3A_109 = arith.addf %get3A_104, %get3A_108 : vector<16xf32>
        %get3A_110 = arith.index_cast %scan3A_26 : i32 to index
        %get3A_111 = arith.constant 64 : index
        %get3A_112 = tpu.vector_load %arg10[%get3A_110, %get3A_111] {strides = array<i32>} : memref<16x1024xf32, #tpu.memory_space<vmem>>, vector<1x16xf32>,
        %get3A_113 = vector.shape_cast %get3A_112 : vector<1x16xf32> to vector<16xf32>
        %add3A_114 = arith.addf %add3A_109, %get3A_113 : vector<16xf32>
        %swap3A_115 = arith.index_cast %scan3A_26 : i32 to index
        %swap3A_116 = arith.constant 64 : index
        %swap3A_117 = tpu.vector_load %arg11[%swap3A_115, %swap3A_116] {strides = array<i32>} : memref<16x1024xf32, #tpu.memory_space<vmem>>, vector<1x16xf32>,
        %swap3A_118 = vector.shape_cast %swap3A_117 : vector<1x16xf32> to vector<16xf32>
        %swap3A_119 = vector.shape_cast %add3A_114 : vector<16xf32> to vector<1x16xf32>
        tpu.vector_store %arg11[%swap3A_115, %swap3A_116], %swap3A_119 {strides = array<i32>} : memref<16x1024xf32, #tpu.memory_space<vmem>>, vector<1x16xf32>,
        %get3A_120 = arith.index_cast %scan3A_26 : i32 to index
        %get3A_121 = arith.constant 80 : index
        %get3A_122 = tpu.vector_load %arg11[%get3A_120, %get3A_121] {strides = array<i32>} : memref<16x1024xf32, #tpu.memory_space<vmem>>, vector<1x16xf32>,
        %get3A_123 = vector.shape_cast %get3A_122 : vector<1x16xf32> to vector<16xf32>
        %get3A_124 = arith.index_cast %scan3A_26 : i32 to index
        %get3A_125 = arith.constant 80 : index
        %get3A_126 = tpu.vector_load %arg9[%get3A_124, %get3A_125] {strides = array<i32>} : memref<16x1024xf32, #tpu.memory_space<vmem>>, vector<1x16xf32>,
        %get3A_127 = vector.shape_cast %get3A_126 : vector<1x16xf32> to vector<16xf32>
        %add3A_128 = arith.addf %get3A_123, %get3A_127 : vector<16xf32>
        %get3A_129 = arith.index_cast %scan3A_26 : i32 to index
        %get3A_130 = arith.constant 80 : index
        %get3A_131 = tpu.vector_load %arg10[%get3A_129, %get3A_130] {strides = array<i32>} : memref<16x1024xf32, #tpu.memory_space<vmem>>, vector<1x16xf32>,
        %get3A_132 = vector.shape_cast %get3A_131 : vector<1x16xf32> to vector<16xf32>
        %add3A_133 = arith.addf %add3A_128, %get3A_132 : vector<16xf32>
        %swap3A_134 = arith.index_cast %scan3A_26 : i32 to index
        %swap3A_135 = arith.constant 80 : index
        %swap3A_136 = tpu.vector_load %arg11[%swap3A_134, %swap3A_135] {strides = array<i32>} : memref<16x1024xf32, #tpu.memory_space<vmem>>, vector<1x16xf32>,
        %swap3A_137 = vector.shape_cast %swap3A_136 : vector<1x16xf32> to vector<16xf32>
        %swap3A_138 = vector.shape_cast %add3A_133 : vector<16xf32> to vector<1x16xf32>
        tpu.vector_store %arg11[%swap3A_134, %swap3A_135], %swap3A_138 {strides = array<i32>} : memref<16x1024xf32, #tpu.memory_space<vmem>>, vector<1x16xf32>,
        %get3A_139 = arith.index_cast %scan3A_26 : i32 to index
        %get3A_140 = arith.constant 96 : index
        %get3A_141 = tpu.vector_load %arg11[%get3A_139, %get3A_140] {strides = array<i32>} : memref<16x1024xf32, #tpu.memory_space<vmem>>, vector<1x16xf32>,
        %get3A_142 = vector.shape_cast %get3A_141 : vector<1x16xf32> to vector<16xf32>
        %get3A_143 = arith.index_cast %scan3A_26 : i32 to index
        %get3A_144 = arith.constant 96 : index
        %get3A_145 = tpu.vector_load %arg9[%get3A_143, %get3A_144] {strides = array<i32>} : memref<16x1024xf32, #tpu.memory_space<vmem>>, vector<1x16xf32>,
        %get3A_146 = vector.shape_cast %get3A_145 : vector<1x16xf32> to vector<16xf32>
        %add3A_147 = arith.addf %get3A_142, %get3A_146 : vector<16xf32>
        %get3A_148 = arith.index_cast %scan3A_26 : i32 to index
        %get3A_149 = arith.constant 96 : index
        %get3A_150 = tpu.vector_load %arg10[%get3A_148, %get3A_149] {strides = array<i32>} : memref<16x1024xf32, #tpu.memory_space<vmem>>, vector<1x16xf32>,
        %get3A_151 = vector.shape_cast %get3A_150 : vector<1x16xf32> to vector<16xf32>
        %add3A_152 = arith.addf %add3A_147, %get3A_151 : vector<16xf32>
        %swap3A_153 = arith.index_cast %scan3A_26 : i32 to index
        %swap3A_154 = arith.constant 96 : index
        %swap3A_155 = tpu.vector_load %arg11[%swap3A_153, %swap3A_154] {strides = array<i32>} : memref<16x1024xf32, #tpu.memory_space<vmem>>, vector<1x16xf32>,
        %swap3A_156 = vector.shape_cast %swap3A_155 : vector<1x16xf32> to vector<16xf32>
        %swap3A_157 = vector.shape_cast %add3A_152 : vector<16xf32> to vector<1x16xf32>
        tpu.vector_store %arg11[%swap3A_153, %swap3A_154], %swap3A_157 {strides = array<i32>} : memref<16x1024xf32, #tpu.memory_space<vmem>>, vector<1x16xf32>,
        %get3A_158 = arith.index_cast %scan3A_26 : i32 to index
        %get3A_159 = arith.constant 112 : index
        %get3A_160 = tpu.vector_load %arg11[%get3A_158, %get3A_159] {strides = array<i32>} : memref<16x1024xf32, #tpu.memory_space<vmem>>, vector<1x16xf32>,
        %get3A_161 = vector.shape_cast %get3A_160 : vector<1x16xf32> to vector<16xf32>
        %get3A_162 = arith.index_cast %scan3A_26 : i32 to index
        %get3A_163 = arith.constant 112 : index
        %get3A_164 = tpu.vector_load %arg9[%get3A_162, %get3A_163] {strides = array<i32>} : memref<16x1024xf32, #tpu.memory_space<vmem>>, vector<1x16xf32>,
        %get3A_165 = vector.shape_cast %get3A_164 : vector<1x16xf32> to vector<16xf32>
        %add3A_166 = arith.addf %get3A_161, %get3A_165 : vector<16xf32>
        %get3A_167 = arith.index_cast %scan3A_26 : i32 to index
        %get3A_168 = arith.constant 112 : index
        %get3A_169 = tpu.vector_load %arg10[%get3A_167, %get3A_168] {strides = array<i32>} : memref<16x1024xf32, #tpu.memory_space<vmem>>, vector<1x16xf32>,
        %get3A_170 = vector.shape_cast %get3A_169 : vector<1x16xf32> to vector<16xf32>
        %add3A_171 = arith.addf %add3A_166, %get3A_170 : vector<16xf32>
        %swap3A_172 = arith.index_cast %scan3A_26 : i32 to index
        %swap3A_173 = arith.constant 112 : index
        %swap3A_174 = tpu.vector_load %arg11[%swap3A_172, %swap3A_173] {strides = array<i32>} : memref<16x1024xf32, #tpu.memory_space<vmem>>, vector<1x16xf32>,
        %swap3A_175 = vector.shape_cast %swap3A_174 : vector<1x16xf32> to vector<16xf32>
        %swap3A_176 = vector.shape_cast %add3A_171 : vector<16xf32> to vector<1x16xf32>
        tpu.vector_store %arg11[%swap3A_172, %swap3A_173], %swap3A_176 {strides = array<i32>} : memref<16x1024xf32, #tpu.memory_space<vmem>>, vector<1x16xf32>,
        %get3A_177 = arith.index_cast %scan3A_26 : i32 to index
        %get3A_178 = arith.constant 128 : index
        %get3A_179 = tpu.vector_load %arg11[%get3A_177, %get3A_178] {strides = array<i32>} : memref<16x1024xf32, #tpu.memory_space<vmem>>, vector<1x16xf32>,
        %get3A_180 = vector.shape_cast %get3A_179 : vector<1x16xf32> to vector<16xf32>
        %get3A_181 = arith.index_cast %scan3A_26 : i32 to index
        %get3A_182 = arith.constant 128 : index
        %get3A_183 = tpu.vector_load %arg9[%get3A_181, %get3A_182] {strides = array<i32>} : memref<16x1024xf32, #tpu.memory_space<vmem>>, vector<1x16xf32>,
        %get3A_184 = vector.shape_cast %get3A_183 : vector<1x16xf32> to vector<16xf32>
        %add3A_185 = arith.addf %get3A_180, %get3A_184 : vector<16xf32>
        %get3A_186 = arith.index_cast %scan3A_26 : i32 to index
        %get3A_187 = arith.constant 128 : index
        %get3A_188 = tpu.vector_load %arg10[%get3A_186, %get3A_187] {strides = array<i32>} : memref<16x1024xf32, #tpu.memory_space<vmem>>, vector<1x16xf32>,
        %get3A_189 = vector.shape_cast %get3A_188 : vector<1x16xf32> to vector<16xf32>
        %add3A_190 = arith.addf %add3A_185, %get3A_189 : vector<16xf32>
        %swap3A_191 = arith.index_cast %scan3A_26 : i32 to index
        %swap3A_192 = arith.constant 128 : index
        %swap3A_193 = tpu.vector_load %arg11[%swap3A_191, %swap3A_192] {strides = array<i32>} : memref<16x1024xf32, #tpu.memory_space<vmem>>, vector<1x16xf32>,
        %swap3A_194 = vector.shape_cast %swap3A_193 : vector<1x16xf32> to vector<16xf32>
        %swap3A_195 = vector.shape_cast %add3A_190 : vector<16xf32> to vector<1x16xf32>
        tpu.vector_store %arg11[%swap3A_191, %swap3A_192], %swap3A_195 {strides = array<i32>} : memref<16x1024xf32, #tpu.memory_space<vmem>>, vector<1x16xf32>,
        %get3A_196 = arith.index_cast %scan3A_26 : i32 to index
        %get3A_197 = arith.constant 144 : index
        %get3A_198 = tpu.vector_load %arg11[%get3A_196, %get3A_197] {strides = array<i32>} : memref<16x1024xf32, #tpu.memory_space<vmem>>, vector<1x16xf32>,
        %get3A_199 = vector.shape_cast %get3A_198 : vector<1x16xf32> to vector<16xf32>
        %get3A_200 = arith.index_cast %scan3A_26 : i32 to index
        %get3A_201 = arith.constant 144 : index
        %get3A_202 = tpu.vector_load %arg9[%get3A_200, %get3A_201] {strides = array<i32>} : memref<16x1024xf32, #tpu.memory_space<vmem>>, vector<1x16xf32>,
        %get3A_203 = vector.shape_cast %get3A_202 : vector<1x16xf32> to vector<16xf32>
        %add3A_204 = arith.addf %get3A_199, %get3A_203 : vector<16xf32>
        %get3A_205 = arith.index_cast %scan3A_26 : i32 to index
        %get3A_206 = arith.constant 144 : index
        %get3A_207 = tpu.vector_load %arg10[%get3A_205, %get3A_206] {strides = array<i32>} : memref<16x1024xf32, #tpu.memory_space<vmem>>, vector<1x16xf32>,
        %get3A_208 = vector.shape_cast %get3A_207 : vector<1x16xf32> to vector<16xf32>
        %add3A_209 = arith.addf %add3A_204, %get3A_208 : vector<16xf32>
        %swap3A_210 = arith.index_cast %scan3A_26 : i32 to index
        %swap3A_211 = arith.constant 144 : index
        %swap3A_212 = tpu.vector_load %arg11[%swap3A_210, %swap3A_211] {strides = array<i32>} : memref<16x1024xf32, #tpu.memory_space<vmem>>, vector<1x16xf32>,
        %swap3A_213 = vector.shape_cast %swap3A_212 : vector<1x16xf32> to vector<16xf32>
        %swap3A_214 = vector.shape_cast %add3A_209 : vector<16xf32> to vector<1x16xf32>
        tpu.vector_store %arg11[%swap3A_210, %swap3A_211], %swap3A_214 {strides = array<i32>} : memref<16x1024xf32, #tpu.memory_space<vmem>>, vector<1x16xf32>,
        %get3A_215 = arith.index_cast %scan3A_26 : i32 to index
        %get3A_216 = arith.constant 160 : index
        %get3A_217 = tpu.vector_load %arg11[%get3A_215, %get3A_216] {strides = array<i32>} : memref<16x1024xf32, #tpu.memory_space<vmem>>, vector<1x16xf32>,
        %get3A_218 = vector.shape_cast %get3A_217 : vector<1x16xf32> to vector<16xf32>
        %get3A_219 = arith.index_cast %scan3A_26 : i32 to index
        %get3A_220 = arith.constant 160 : index
        %get3A_221 = tpu.vector_load %arg9[%get3A_219, %get3A_220] {strides = array<i32>} : memref<16x1024xf32, #tpu.memory_space<vmem>>, vector<1x16xf32>,
        %get3A_222 = vector.shape_cast %get3A_221 : vector<1x16xf32> to vector<16xf32>
        %add3A_223 = arith.addf %get3A_218, %get3A_222 : vector<16xf32>
        %get3A_224 = arith.index_cast %scan3A_26 : i32 to index
        %get3A_225 = arith.constant 160 : index
        %get3A_226 = tpu.vector_load %arg10[%get3A_224, %get3A_225] {strides = array<i32>} : memref<16x1024xf32, #tpu.memory_space<vmem>>, vector<1x16xf32>,
        %get3A_227 = vector.shape_cast %get3A_226 : vector<1x16xf32> to vector<16xf32>
        %add3A_228 = arith.addf %add3A_223, %get3A_227 : vector<16xf32>
        %swap3A_229 = arith.index_cast %scan3A_26 : i32 to index
        %swap3A_230 = arith.constant 160 : index
        %swap3A_231 = tpu.vector_load %arg11[%swap3A_229, %swap3A_230] {strides = array<i32>} : memref<16x1024xf32, #tpu.memory_space<vmem>>, vector<1x16xf32>,
        %swap3A_232 = vector.shape_cast %swap3A_231 : vector<1x16xf32> to vector<16xf32>
        %swap3A_233 = vector.shape_cast %add3A_228 : vector<16xf32> to vector<1x16xf32>
        tpu.vector_store %arg11[%swap3A_229, %swap3A_230], %swap3A_233 {strides = array<i32>} : memref<16x1024xf32, #tpu.memory_space<vmem>>, vector<1x16xf32>,
        %get3A_234 = arith.index_cast %scan3A_26 : i32 to index
        %get3A_235 = arith.constant 176 : index
        %get3A_236 = tpu.vector_load %arg11[%get3A_234, %get3A_235] {strides = array<i32>} : memref<16x1024xf32, #tpu.memory_space<vmem>>, vector<1x16xf32>,
        %get3A_237 = vector.shape_cast %get3A_236 : vector<1x16xf32> to vector<16xf32>
        %get3A_238 = arith.index_cast %scan3A_26 : i32 to index
        %get3A_239 = arith.constant 176 : index
        %get3A_240 = tpu.vector_load %arg9[%get3A_238, %get3A_239] {strides = array<i32>} : memref<16x1024xf32, #tpu.memory_space<vmem>>, vector<1x16xf32>,
        %get3A_241 = vector.shape_cast %get3A_240 : vector<1x16xf32> to vector<16xf32>
        %add3A_242 = arith.addf %get3A_237, %get3A_241 : vector<16xf32>
        %get3A_243 = arith.index_cast %scan3A_26 : i32 to index
        %get3A_244 = arith.constant 176 : index
        %get3A_245 = tpu.vector_load %arg10[%get3A_243, %get3A_244] {strides = array<i32>} : memref<16x1024xf32, #tpu.memory_space<vmem>>, vector<1x16xf32>,
        %get3A_246 = vector.shape_cast %get3A_245 : vector<1x16xf32> to vector<16xf32>
        %add3A_247 = arith.addf %add3A_242, %get3A_246 : vector<16xf32>
        %swap3A_248 = arith.index_cast %scan3A_26 : i32 to index
        %swap3A_249 = arith.constant 176 : index
        %swap3A_250 = tpu.vector_load %arg11[%swap3A_248, %swap3A_249] {strides = array<i32>} : memref<16x1024xf32, #tpu.memory_space<vmem>>, vector<1x16xf32>,
        %swap3A_251 = vector.shape_cast %swap3A_250 : vector<1x16xf32> to vector<16xf32>
        %swap3A_252 = vector.shape_cast %add3A_247 : vector<16xf32> to vector<1x16xf32>
        tpu.vector_store %arg11[%swap3A_248, %swap3A_249], %swap3A_252 {strides = array<i32>} : memref<16x1024xf32, #tpu.memory_space<vmem>>, vector<1x16xf32>,
        %get3A_253 = arith.index_cast %scan3A_26 : i32 to index
        %get3A_254 = arith.constant 192 : index
        %get3A_255 = tpu.vector_load %arg11[%get3A_253, %get3A_254] {strides = array<i32>} : memref<16x1024xf32, #tpu.memory_space<vmem>>, vector<1x16xf32>,
        %get3A_256 = vector.shape_cast %get3A_255 : vector<1x16xf32> to vector<16xf32>
        %get3A_257 = arith.index_cast %scan3A_26 : i32 to index
        %get3A_258 = arith.constant 192 : index
        %get3A_259 = tpu.vector_load %arg9[%get3A_257, %get3A_258] {strides = array<i32>} : memref<16x1024xf32, #tpu.memory_space<vmem>>, vector<1x16xf32>,
        %get3A_260 = vector.shape_cast %get3A_259 : vector<1x16xf32> to vector<16xf32>
        %add3A_261 = arith.addf %get3A_256, %get3A_260 : vector<16xf32>
        %get3A_262 = arith.index_cast %scan3A_26 : i32 to index
        %get3A_263 = arith.constant 192 : index
        %get3A_264 = tpu.vector_load %arg10[%get3A_262, %get3A_263] {strides = array<i32>} : memref<16x1024xf32, #tpu.memory_space<vmem>>, vector<1x16xf32>,
        %get3A_265 = vector.shape_cast %get3A_264 : vector<1x16xf32> to vector<16xf32>
        %add3A_266 = arith.addf %add3A_261, %get3A_265 : vector<16xf32>
        %swap3A_267 = arith.index_cast %scan3A_26 : i32 to index
        %swap3A_268 = arith.constant 192 : index
        %swap3A_269 = tpu.vector_load %arg11[%swap3A_267, %swap3A_268] {strides = array<i32>} : memref<16x1024xf32, #tpu.memory_space<vmem>>, vector<1x16xf32>,
        %swap3A_270 = vector.shape_cast %swap3A_269 : vector<1x16xf32> to vector<16xf32>
        %swap3A_271 = vector.shape_cast %add3A_266 : vector<16xf32> to vector<1x16xf32>
        tpu.vector_store %arg11[%swap3A_267, %swap3A_268], %swap3A_271 {strides = array<i32>} : memref<16x1024xf32, #tpu.memory_space<vmem>>, vector<1x16xf32>,
        %get3A_272 = arith.index_cast %scan3A_26 : i32 to index
        %get3A_273 = arith.constant 208 : index
        %get3A_274 = tpu.vector_load %arg11[%get3A_272, %get3A_273] {strides = array<i32>} : memref<16x1024xf32, #tpu.memory_space<vmem>>, vector<1x16xf32>,
        %get3A_275 = vector.shape_cast %get3A_274 : vector<1x16xf32> to vector<16xf32>
        %get3A_276 = arith.index_cast %scan3A_26 : i32 to index
        %get3A_277 = arith.constant 208 : index
        %get3A_278 = tpu.vector_load %arg9[%get3A_276, %get3A_277] {strides = array<i32>} : memref<16x1024xf32, #tpu.memory_space<vmem>>, vector<1x16xf32>,
        %get3A_279 = vector.shape_cast %get3A_278 : vector<1x16xf32> to vector<16xf32>
        %add3A_280 = arith.addf %get3A_275, %get3A_279 : vector<16xf32>
        %get3A_281 = arith.index_cast %scan3A_26 : i32 to index
        %get3A_282 = arith.constant 208 : index
        %get3A_283 = tpu.vector_load %arg10[%get3A_281, %get3A_282] {strides = array<i32>} : memref<16x1024xf32, #tpu.memory_space<vmem>>, vector<1x16xf32>,
        %get3A_284 = vector.shape_cast %get3A_283 : vector<1x16xf32> to vector<16xf32>
        %add3A_285 = arith.addf %add3A_280, %get3A_284 : vector<16xf32>
        %swap3A_286 = arith.index_cast %scan3A_26 : i32 to index
        %swap3A_287 = arith.constant 208 : index
        %swap3A_288 = tpu.vector_load %arg11[%swap3A_286, %swap3A_287] {strides = array<i32>} : memref<16x1024xf32, #tpu.memory_space<vmem>>, vector<1x16xf32>,
        %swap3A_289 = vector.shape_cast %swap3A_288 : vector<1x16xf32> to vector<16xf32>
        %swap3A_290 = vector.shape_cast %add3A_285 : vector<16xf32> to vector<1x16xf32>
        tpu.vector_store %arg11[%swap3A_286, %swap3A_287], %swap3A_290 {strides = array<i32>} : memref<16x1024xf32, #tpu.memory_space<vmem>>, vector<1x16xf32>,
        %get3A_291 = arith.index_cast %scan3A_26 : i32 to index
        %get3A_292 = arith.constant 224 : index
        %get3A_293 = tpu.vector_load %arg11[%get3A_291, %get3A_292] {strides = array<i32>} : memref<16x1024xf32, #tpu.memory_space<vmem>>, vector<1x16xf32>,
        %get3A_294 = vector.shape_cast %get3A_293 : vector<1x16xf32> to vector<16xf32>
        %get3A_295 = arith.index_cast %scan3A_26 : i32 to index
        %get3A_296 = arith.constant 224 : index
        %get3A_297 = tpu.vector_load %arg9[%get3A_295, %get3A_296] {strides = array<i32>} : memref<16x1024xf32, #tpu.memory_space<vmem>>, vector<1x16xf32>,
        %get3A_298 = vector.shape_cast %get3A_297 : vector<1x16xf32> to vector<16xf32>
        %add3A_299 = arith.addf %get3A_294, %get3A_298 : vector<16xf32>
        %get3A_300 = arith.index_cast %scan3A_26 : i32 to index
        %get3A_301 = arith.constant 224 : index
        %get3A_302 = tpu.vector_load %arg10[%get3A_300, %get3A_301] {strides = array<i32>} : memref<16x1024xf32, #tpu.memory_space<vmem>>, vector<1x16xf32>,
        %get3A_303 = vector.shape_cast %get3A_302 : vector<1x16xf32> to vector<16xf32>
        %add3A_304 = arith.addf %add3A_299, %get3A_303 : vector<16xf32>
        %swap3A_305 = arith.index_cast %scan3A_26 : i32 to index
        %swap3A_306 = arith.constant 224 : index
        %swap3A_307 = tpu.vector_load %arg11[%swap3A_305, %swap3A_306] {strides = array<i32>} : memref<16x1024xf32, #tpu.memory_space<vmem>>, vector<1x16xf32>,
        %swap3A_308 = vector.shape_cast %swap3A_307 : vector<1x16xf32> to vector<16xf32>
        %swap3A_309 = vector.shape_cast %add3A_304 : vector<16xf32> to vector<1x16xf32>
        tpu.vector_store %arg11[%swap3A_305, %swap3A_306], %swap3A_309 {strides = array<i32>} : memref<16x1024xf32, #tpu.memory_space<vmem>>, vector<1x16xf32>,
        %get3A_310 = arith.index_cast %scan3A_26 : i32 to index
        %get3A_311 = arith.constant 240 : index
        %get3A_312 = tpu.vector_load %arg11[%get3A_310, %get3A_311] {strides = array<i32>} : memref<16x1024xf32, #tpu.memory_space<vmem>>, vector<1x16xf32>,
        %get3A_313 = vector.shape_cast %get3A_312 : vector<1x16xf32> to vector<16xf32>
        %get3A_314 = arith.index_cast %scan3A_26 : i32 to index
        %get3A_315 = arith.constant 240 : index
        %get3A_316 = tpu.vector_load %arg9[%get3A_314, %get3A_315] {strides = array<i32>} : memref<16x1024xf32, #tpu.memory_space<vmem>>, vector<1x16xf32>,
        %get3A_317 = vector.shape_cast %get3A_316 : vector<1x16xf32> to vector<16xf32>
        %add3A_318 = arith.addf %get3A_313, %get3A_317 : vector<16xf32>
        %get3A_319 = arith.index_cast %scan3A_26 : i32 to index
        %get3A_320 = arith.constant 240 : index
        %get3A_321 = tpu.vector_load %arg10[%get3A_319, %get3A_320] {strides = array<i32>} : memref<16x1024xf32, #tpu.memory_space<vmem>>, vector<1x16xf32>,
        %get3A_322 = vector.shape_cast %get3A_321 : vector<1x16xf32> to vector<16xf32>
        %add3A_323 = arith.addf %add3A_318, %get3A_322 : vector<16xf32>
        %swap3A_324 = arith.index_cast %scan3A_26 : i32 to index
        %swap3A_325 = arith.constant 240 : index
        %swap3A_326 = tpu.vector_load %arg11[%swap3A_324, %swap3A_325] {strides = array<i32>} : memref<16x1024xf32, #tpu.memory_space<vmem>>, vector<1x16xf32>,
        %swap3A_327 = vector.shape_cast %swap3A_326 : vector<1x16xf32> to vector<16xf32>
        %swap3A_328 = vector.shape_cast %add3A_323 : vector<16xf32> to vector<1x16xf32>
        tpu.vector_store %arg11[%swap3A_324, %swap3A_325], %swap3A_328 {strides = array<i32>} : memref<16x1024xf32, #tpu.memory_space<vmem>>, vector<1x16xf32>,
        %get3A_329 = arith.index_cast %scan3A_26 : i32 to index
        %get3A_330 = arith.constant 256 : index
        %get3A_331 = tpu.vector_load %arg11[%get3A_329, %get3A_330] {strides = array<i32>} : memref<16x1024xf32, #tpu.memory_space<vmem>>, vector<1x16xf32>,
        %get3A_332 = vector.shape_cast %get3A_331 : vector<1x16xf32> to vector<16xf32>
        %get3A_333 = arith.index_cast %scan3A_26 : i32 to index
        %get3A_334 = arith.constant 256 : index
        %get3A_335 = tpu.vector_load %arg9[%get3A_333, %get3A_334] {strides = array<i32>} : memref<16x1024xf32, #tpu.memory_space<vmem>>, vector<1x16xf32>,
        %get3A_336 = vector.shape_cast %get3A_335 : vector<1x16xf32> to vector<16xf32>
        %add3A_337 = arith.addf %get3A_332, %get3A_336 : vector<16xf32>
        %get3A_338 = arith.index_cast %scan3A_26 : i32 to index
        %get3A_339 = arith.constant 256 : index
        %get3A_340 = tpu.vector_load %arg10[%get3A_338, %get3A_339] {strides = array<i32>} : memref<16x1024xf32, #tpu.memory_space<vmem>>, vector<1x16xf32>,
        %get3A_341 = vector.shape_cast %get3A_340 : vector<1x16xf32> to vector<16xf32>
        %add3A_342 = arith.addf %add3A_337, %get3A_341 : vector<16xf32>
        %swap3A_343 = arith.index_cast %scan3A_26 : i32 to index
        %swap3A_344 = arith.constant 256 : index
        %swap3A_345 = tpu.vector_load %arg11[%swap3A_343, %swap3A_344] {strides = array<i32>} : memref<16x1024xf32, #tpu.memory_space<vmem>>, vector<1x16xf32>,
        %swap3A_346 = vector.shape_cast %swap3A_345 : vector<1x16xf32> to vector<16xf32>
        %swap3A_347 = vector.shape_cast %add3A_342 : vector<16xf32> to vector<1x16xf32>
        tpu.vector_store %arg11[%swap3A_343, %swap3A_344], %swap3A_347 {strides = array<i32>} : memref<16x1024xf32, #tpu.memory_space<vmem>>, vector<1x16xf32>,
        %get3A_348 = arith.index_cast %scan3A_26 : i32 to index
        %get3A_349 = arith.constant 272 : index
        %get3A_350 = tpu.vector_load %arg11[%get3A_348, %get3A_349] {strides = array<i32>} : memref<16x1024xf32, #tpu.memory_space<vmem>>, vector<1x16xf32>,
        %get3A_351 = vector.shape_cast %get3A_350 : vector<1x16xf32> to vector<16xf32>
        %get3A_352 = arith.index_cast %scan3A_26 : i32 to index
        %get3A_353 = arith.constant 272 : index
        %get3A_354 = tpu.vector_load %arg9[%get3A_352, %get3A_353] {strides = array<i32>} : memref<16x1024xf32, #tpu.memory_space<vmem>>, vector<1x16xf32>,
        %get3A_355 = vector.shape_cast %get3A_354 : vector<1x16xf32> to vector<16xf32>
        %add3A_356 = arith.addf %get3A_351, %get3A_355 : vector<16xf32>
        %get3A_357 = arith.index_cast %scan3A_26 : i32 to index
        %get3A_358 = arith.constant 272 : index
        %get3A_359 = tpu.vector_load %arg10[%get3A_357, %get3A_358] {strides = array<i32>} : memref<16x1024xf32, #tpu.memory_space<vmem>>, vector<1x16xf32>,
        %get3A_360 = vector.shape_cast %get3A_359 : vector<1x16xf32> to vector<16xf32>
        %add3A_361 = arith.addf %add3A_356, %get3A_360 : vector<16xf32>
        %swap3A_362 = arith.index_cast %scan3A_26 : i32 to index
        %swap3A_363 = arith.constant 272 : index
        %swap3A_364 = tpu.vector_load %arg11[%swap3A_362, %swap3A_363] {strides = array<i32>} : memref<16x1024xf32, #tpu.memory_space<vmem>>, vector<1x16xf32>,
        %swap3A_365 = vector.shape_cast %swap3A_364 : vector<1x16xf32> to vector<16xf32>
        %swap3A_366 = vector.shape_cast %add3A_361 : vector<16xf32> to vector<1x16xf32>
        tpu.vector_store %arg11[%swap3A_362, %swap3A_363], %swap3A_366 {strides = array<i32>} : memref<16x1024xf32, #tpu.memory_space<vmem>>, vector<1x16xf32>,
        %get3A_367 = arith.index_cast %scan3A_26 : i32 to index
        %get3A_368 = arith.constant 288 : index
        %get3A_369 = tpu.vector_load %arg11[%get3A_367, %get3A_368] {strides = array<i32>} : memref<16x1024xf32, #tpu.memory_space<vmem>>, vector<1x16xf32>,
        %get3A_370 = vector.shape_cast %get3A_369 : vector<1x16xf32> to vector<16xf32>
        %get3A_371 = arith.index_cast %scan3A_26 : i32 to index
        %get3A_372 = arith.constant 288 : index
        %get3A_373 = tpu.vector_load %arg9[%get3A_371, %get3A_372] {strides = array<i32>} : memref<16x1024xf32, #tpu.memory_space<vmem>>, vector<1x16xf32>,
        %get3A_374 = vector.shape_cast %get3A_373 : vector<1x16xf32> to vector<16xf32>
        %add3A_375 = arith.addf %get3A_370, %get3A_374 : vector<16xf32>
        %get3A_376 = arith.index_cast %scan3A_26 : i32 to index
        %get3A_377 = arith.constant 288 : index
        %get3A_378 = tpu.vector_load %arg10[%get3A_376, %get3A_377] {strides = array<i32>} : memref<16x1024xf32, #tpu.memory_space<vmem>>, vector<1x16xf32>,
        %get3A_379 = vector.shape_cast %get3A_378 : vector<1x16xf32> to vector<16xf32>
        %add3A_380 = arith.addf %add3A_375, %get3A_379 : vector<16xf32>
        %swap3A_381 = arith.index_cast %scan3A_26 : i32 to index
        %swap3A_382 = arith.constant 288 : index
        %swap3A_383 = tpu.vector_load %arg11[%swap3A_381, %swap3A_382] {strides = array<i32>} : memref<16x1024xf32, #tpu.memory_space<vmem>>, vector<1x16xf32>,
        %swap3A_384 = vector.shape_cast %swap3A_383 : vector<1x16xf32> to vector<16xf32>
        %swap3A_385 = vector.shape_cast %add3A_380 : vector<16xf32> to vector<1x16xf32>
        tpu.vector_store %arg11[%swap3A_381, %swap3A_382], %swap3A_385 {strides = array<i32>} : memref<16x1024xf32, #tpu.memory_space<vmem>>, vector<1x16xf32>,
        %get3A_386 = arith.index_cast %scan3A_26 : i32 to index
        %get3A_387 = arith.constant 304 : index
        %get3A_388 = tpu.vector_load %arg11[%get3A_386, %get3A_387] {strides = array<i32>} : memref<16x1024xf32, #tpu.memory_space<vmem>>, vector<1x16xf32>,
        %get3A_389 = vector.shape_cast %get3A_388 : vector<1x16xf32> to vector<16xf32>
        %get3A_390 = arith.index_cast %scan3A_26 : i32 to index
        %get3A_391 = arith.constant 304 : index
        %get3A_392 = tpu.vector_load %arg9[%get3A_390, %get3A_391] {strides = array<i32>} : memref<16x1024xf32, #tpu.memory_space<vmem>>, vector<1x16xf32>,
        %get3A_393 = vector.shape_cast %get3A_392 : vector<1x16xf32> to vector<16xf32>
        %add3A_394 = arith.addf %get3A_389, %get3A_393 : vector<16xf32>
        %get3A_395 = arith.index_cast %scan3A_26 : i32 to index
        %get3A_396 = arith.constant 304 : index
        %get3A_397 = tpu.vector_load %arg10[%get3A_395, %get3A_396] {strides = array<i32>} : memref<16x1024xf32, #tpu.memory_space<vmem>>, vector<1x16xf32>,
        %get3A_398 = vector.shape_cast %get3A_397 : vector<1x16xf32> to vector<16xf32>
        %add3A_399 = arith.addf %add3A_394, %get3A_398 : vector<16xf32>
        %swap3A_400 = arith.index_cast %scan3A_26 : i32 to index
        %swap3A_401 = arith.constant 304 : index
        %swap3A_402 = tpu.vector_load %arg11[%swap3A_400, %swap3A_401] {strides = array<i32>} : memref<16x1024xf32, #tpu.memory_space<vmem>>, vector<1x16xf32>,
        %swap3A_403 = vector.shape_cast %swap3A_402 : vector<1x16xf32> to vector<16xf32>
        %swap3A_404 = vector.shape_cast %add3A_399 : vector<16xf32> to vector<1x16xf32>
        tpu.vector_store %arg11[%swap3A_400, %swap3A_401], %swap3A_404 {strides = array<i32>} : memref<16x1024xf32, #tpu.memory_space<vmem>>, vector<1x16xf32>,
        %get3A_405 = arith.index_cast %scan3A_26 : i32 to index
        %get3A_406 = arith.constant 320 : index
        %get3A_407 = tpu.vector_load %arg11[%get3A_405, %get3A_406] {strides = array<i32>} : memref<16x1024xf32, #tpu.memory_space<vmem>>, vector<1x16xf32>,
        %get3A_408 = vector.shape_cast %get3A_407 : vector<1x16xf32> to vector<16xf32>
        %get3A_409 = arith.index_cast %scan3A_26 : i32 to index
        %get3A_410 = arith.constant 320 : index
        %get3A_411 = tpu.vector_load %arg9[%get3A_409, %get3A_410] {strides = array<i32>} : memref<16x1024xf32, #tpu.memory_space<vmem>>, vector<1x16xf32>,
        %get3A_412 = vector.shape_cast %get3A_411 : vector<1x16xf32> to vector<16xf32>
        %add3A_413 = arith.addf %get3A_408, %get3A_412 : vector<16xf32>
        %get3A_414 = arith.index_cast %scan3A_26 : i32 to index
        %get3A_415 = arith.constant 320 : index
        %get3A_416 = tpu.vector_load %arg10[%get3A_414, %get3A_415] {strides = array<i32>} : memref<16x1024xf32, #tpu.memory_space<vmem>>, vector<1x16xf32>,
        %get3A_417 = vector.shape_cast %get3A_416 : vector<1x16xf32> to vector<16xf32>
        %add3A_418 = arith.addf %add3A_413, %get3A_417 : vector<16xf32>
        %swap3A_419 = arith.index_cast %scan3A_26 : i32 to index
        %swap3A_420 = arith.constant 320 : index
        %swap3A_421 = tpu.vector_load %arg11[%swap3A_419, %swap3A_420] {strides = array<i32>} : memref<16x1024xf32, #tpu.memory_space<vmem>>, vector<1x16xf32>,
        %swap3A_422 = vector.shape_cast %swap3A_421 : vector<1x16xf32> to vector<16xf32>
        %swap3A_423 = vector.shape_cast %add3A_418 : vector<16xf32> to vector<1x16xf32>
        tpu.vector_store %arg11[%swap3A_419, %swap3A_420], %swap3A_423 {strides = array<i32>} : memref<16x1024xf32, #tpu.memory_space<vmem>>, vector<1x16xf32>,
        %get3A_424 = arith.index_cast %scan3A_26 : i32 to index
        %get3A_425 = arith.constant 336 : index
        %get3A_426 = tpu.vector_load %arg11[%get3A_424, %get3A_425] {strides = array<i32>} : memref<16x1024xf32, #tpu.memory_space<vmem>>, vector<1x16xf32>,
        %get3A_427 = vector.shape_cast %get3A_426 : vector<1x16xf32> to vector<16xf32>
        %get3A_428 = arith.index_cast %scan3A_26 : i32 to index
        %get3A_429 = arith.constant 336 : index
        %get3A_430 = tpu.vector_load %arg9[%get3A_428, %get3A_429] {strides = array<i32>} : memref<16x1024xf32, #tpu.memory_space<vmem>>, vector<1x16xf32>,
        %get3A_431 = vector.shape_cast %get3A_430 : vector<1x16xf32> to vector<16xf32>
        %add3A_432 = arith.addf %get3A_427, %get3A_431 : vector<16xf32>
        %get3A_433 = arith.index_cast %scan3A_26 : i32 to index
        %get3A_434 = arith.constant 336 : index
        %get3A_435 = tpu.vector_load %arg10[%get3A_433, %get3A_434] {strides = array<i32>} : memref<16x1024xf32, #tpu.memory_space<vmem>>, vector<1x16xf32>,
        %get3A_436 = vector.shape_cast %get3A_435 : vector<1x16xf32> to vector<16xf32>
        %add3A_437 = arith.addf %add3A_432, %get3A_436 : vector<16xf32>
        %swap3A_438 = arith.index_cast %scan3A_26 : i32 to index
        %swap3A_439 = arith.constant 336 : index
        %swap3A_440 = tpu.vector_load %arg11[%swap3A_438, %swap3A_439] {strides = array<i32>} : memref<16x1024xf32, #tpu.memory_space<vmem>>, vector<1x16xf32>,
        %swap3A_441 = vector.shape_cast %swap3A_440 : vector<1x16xf32> to vector<16xf32>
        %swap3A_442 = vector.shape_cast %add3A_437 : vector<16xf32> to vector<1x16xf32>
        tpu.vector_store %arg11[%swap3A_438, %swap3A_439], %swap3A_442 {strides = array<i32>} : memref<16x1024xf32, #tpu.memory_space<vmem>>, vector<1x16xf32>,
        %get3A_443 = arith.index_cast %scan3A_26 : i32 to index
        %get3A_444 = arith.constant 352 : index
        %get3A_445 = tpu.vector_load %arg11[%get3A_443, %get3A_444] {strides = array<i32>} : memref<16x1024xf32, #tpu.memory_space<vmem>>, vector<1x16xf32>,
        %get3A_446 = vector.shape_cast %get3A_445 : vector<1x16xf32> to vector<16xf32>
        %get3A_447 = arith.index_cast %scan3A_26 : i32 to index
        %get3A_448 = arith.constant 352 : index
        %get3A_449 = tpu.vector_load %arg9[%get3A_447, %get3A_448] {strides = array<i32>} : memref<16x1024xf32, #tpu.memory_space<vmem>>, vector<1x16xf32>,
        %get3A_450 = vector.shape_cast %get3A_449 : vector<1x16xf32> to vector<16xf32>
        %add3A_451 = arith.addf %get3A_446, %get3A_450 : vector<16xf32>
        %get3A_452 = arith.index_cast %scan3A_26 : i32 to index
        %get3A_453 = arith.constant 352 : index
        %get3A_454 = tpu.vector_load %arg10[%get3A_452, %get3A_453] {strides = array<i32>} : memref<16x1024xf32, #tpu.memory_space<vmem>>, vector<1x16xf32>,
        %get3A_455 = vector.shape_cast %get3A_454 : vector<1x16xf32> to vector<16xf32>
        %add3A_456 = arith.addf %add3A_451, %get3A_455 : vector<16xf32>
        %swap3A_457 = arith.index_cast %scan3A_26 : i32 to index
        %swap3A_458 = arith.constant 352 : index
        %swap3A_459 = tpu.vector_load %arg11[%swap3A_457, %swap3A_458] {strides = array<i32>} : memref<16x1024xf32, #tpu.memory_space<vmem>>, vector<1x16xf32>,
        %swap3A_460 = vector.shape_cast %swap3A_459 : vector<1x16xf32> to vector<16xf32>
        %swap3A_461 = vector.shape_cast %add3A_456 : vector<16xf32> to vector<1x16xf32>
        tpu.vector_store %arg11[%swap3A_457, %swap3A_458], %swap3A_461 {strides = array<i32>} : memref<16x1024xf32, #tpu.memory_space<vmem>>, vector<1x16xf32>,
        %get3A_462 = arith.index_cast %scan3A_26 : i32 to index
        %get3A_463 = arith.constant 368 : index
        %get3A_464 = tpu.vector_load %arg11[%get3A_462, %get3A_463] {strides = array<i32>} : memref<16x1024xf32, #tpu.memory_space<vmem>>, vector<1x16xf32>,
        %get3A_465 = vector.shape_cast %get3A_464 : vector<1x16xf32> to vector<16xf32>
        %get3A_466 = arith.index_cast %scan3A_26 : i32 to index
        %get3A_467 = arith.constant 368 : index
        %get3A_468 = tpu.vector_load %arg9[%get3A_466, %get3A_467] {strides = array<i32>} : memref<16x1024xf32, #tpu.memory_space<vmem>>, vector<1x16xf32>,
        %get3A_469 = vector.shape_cast %get3A_468 : vector<1x16xf32> to vector<16xf32>
        %add3A_470 = arith.addf %get3A_465, %get3A_469 : vector<16xf32>
        %get3A_471 = arith.index_cast %scan3A_26 : i32 to index
        %get3A_472 = arith.constant 368 : index
        %get3A_473 = tpu.vector_load %arg10[%get3A_471, %get3A_472] {strides = array<i32>} : memref<16x1024xf32, #tpu.memory_space<vmem>>, vector<1x16xf32>,
        %get3A_474 = vector.shape_cast %get3A_473 : vector<1x16xf32> to vector<16xf32>
        %add3A_475 = arith.addf %add3A_470, %get3A_474 : vector<16xf32>
        %swap3A_476 = arith.index_cast %scan3A_26 : i32 to index
        %swap3A_477 = arith.constant 368 : index
        %swap3A_478 = tpu.vector_load %arg11[%swap3A_476, %swap3A_477] {strides = array<i32>} : memref<16x1024xf32, #tpu.memory_space<vmem>>, vector<1x16xf32>,
        %swap3A_479 = vector.shape_cast %swap3A_478 : vector<1x16xf32> to vector<16xf32>
        %swap3A_480 = vector.shape_cast %add3A_475 : vector<16xf32> to vector<1x16xf32>
        tpu.vector_store %arg11[%swap3A_476, %swap3A_477], %swap3A_480 {strides = array<i32>} : memref<16x1024xf32, #tpu.memory_space<vmem>>, vector<1x16xf32>,
        %get3A_481 = arith.index_cast %scan3A_26 : i32 to index
        %get3A_482 = arith.constant 384 : index
        %get3A_483 = tpu.vector_load %arg11[%get3A_481, %get3A_482] {strides = array<i32>} : memref<16x1024xf32, #tpu.memory_space<vmem>>, vector<1x16xf32>,
        %get3A_484 = vector.shape_cast %get3A_483 : vector<1x16xf32> to vector<16xf32>
        %get3A_485 = arith.index_cast %scan3A_26 : i32 to index
        %get3A_486 = arith.constant 384 : index
        %get3A_487 = tpu.vector_load %arg9[%get3A_485, %get3A_486] {strides = array<i32>} : memref<16x1024xf32, #tpu.memory_space<vmem>>, vector<1x16xf32>,
        %get3A_488 = vector.shape_cast %get3A_487 : vector<1x16xf32> to vector<16xf32>
        %add3A_489 = arith.addf %get3A_484, %get3A_488 : vector<16xf32>
        %get3A_490 = arith.index_cast %scan3A_26 : i32 to index
        %get3A_491 = arith.constant 384 : index
        %get3A_492 = tpu.vector_load %arg10[%get3A_490, %get3A_491] {strides = array<i32>} : memref<16x1024xf32, #tpu.memory_space<vmem>>, vector<1x16xf32>,
        %get3A_493 = vector.shape_cast %get3A_492 : vector<1x16xf32> to vector<16xf32>
        %add3A_494 = arith.addf %add3A_489, %get3A_493 : vector<16xf32>
        %swap3A_495 = arith.index_cast %scan3A_26 : i32 to index
        %swap3A_496 = arith.constant 384 : index
        %swap3A_497 = tpu.vector_load %arg11[%swap3A_495, %swap3A_496] {strides = array<i32>} : memref<16x1024xf32, #tpu.memory_space<vmem>>, vector<1x16xf32>,
        %swap3A_498 = vector.shape_cast %swap3A_497 : vector<1x16xf32> to vector<16xf32>
        %swap3A_499 = vector.shape_cast %add3A_494 : vector<16xf32> to vector<1x16xf32>
        tpu.vector_store %arg11[%swap3A_495, %swap3A_496], %swap3A_499 {strides = array<i32>} : memref<16x1024xf32, #tpu.memory_space<vmem>>, vector<1x16xf32>,
        %get3A_500 = arith.index_cast %scan3A_26 : i32 to index
        %get3A_501 = arith.constant 400 : index
        %get3A_502 = tpu.vector_load %arg11[%get3A_500, %get3A_501] {strides = array<i32>} : memref<16x1024xf32, #tpu.memory_space<vmem>>, vector<1x16xf32>,
        %get3A_503 = vector.shape_cast %get3A_502 : vector<1x16xf32> to vector<16xf32>
        %get3A_504 = arith.index_cast %scan3A_26 : i32 to index
        %get3A_505 = arith.constant 400 : index
        %get3A_506 = tpu.vector_load %arg9[%get3A_504, %get3A_505] {strides = array<i32>} : memref<16x1024xf32, #tpu.memory_space<vmem>>, vector<1x16xf32>,
        %get3A_507 = vector.shape_cast %get3A_506 : vector<1x16xf32> to vector<16xf32>
        %add3A_508 = arith.addf %get3A_503, %get3A_507 : vector<16xf32>
        %get3A_509 = arith.index_cast %scan3A_26 : i32 to index
        %get3A_510 = arith.constant 400 : index
        %get3A_511 = tpu.vector_load %arg10[%get3A_509, %get3A_510] {strides = array<i32>} : memref<16x1024xf32, #tpu.memory_space<vmem>>, vector<1x16xf32>,
        %get3A_512 = vector.shape_cast %get3A_511 : vector<1x16xf32> to vector<16xf32>
        %add3A_513 = arith.addf %add3A_508, %get3A_512 : vector<16xf32>
        %swap3A_514 = arith.index_cast %scan3A_26 : i32 to index
        %swap3A_515 = arith.constant 400 : index
        %swap3A_516 = tpu.vector_load %arg11[%swap3A_514, %swap3A_515] {strides = array<i32>} : memref<16x1024xf32, #tpu.memory_space<vmem>>, vector<1x16xf32>,
        %swap3A_517 = vector.shape_cast %swap3A_516 : vector<1x16xf32> to vector<16xf32>
        %swap3A_518 = vector.shape_cast %add3A_513 : vector<16xf32> to vector<1x16xf32>
        tpu.vector_store %arg11[%swap3A_514, %swap3A_515], %swap3A_518 {strides = array<i32>} : memref<16x1024xf32, #tpu.memory_space<vmem>>, vector<1x16xf32>,
        %get3A_519 = arith.index_cast %scan3A_26 : i32 to index
        %get3A_520 = arith.constant 416 : index
        %get3A_521 = tpu.vector_load %arg11[%get3A_519, %get3A_520] {strides = array<i32>} : memref<16x1024xf32, #tpu.memory_space<vmem>>, vector<1x16xf32>,
        %get3A_522 = vector.shape_cast %get3A_521 : vector<1x16xf32> to vector<16xf32>
        %get3A_523 = arith.index_cast %scan3A_26 : i32 to index
        %get3A_524 = arith.constant 416 : index
        %get3A_525 = tpu.vector_load %arg9[%get3A_523, %get3A_524] {strides = array<i32>} : memref<16x1024xf32, #tpu.memory_space<vmem>>, vector<1x16xf32>,
        %get3A_526 = vector.shape_cast %get3A_525 : vector<1x16xf32> to vector<16xf32>
        %add3A_527 = arith.addf %get3A_522, %get3A_526 : vector<16xf32>
        %get3A_528 = arith.index_cast %scan3A_26 : i32 to index
        %get3A_529 = arith.constant 416 : index
        %get3A_530 = tpu.vector_load %arg10[%get3A_528, %get3A_529] {strides = array<i32>} : memref<16x1024xf32, #tpu.memory_space<vmem>>, vector<1x16xf32>,
        %get3A_531 = vector.shape_cast %get3A_530 : vector<1x16xf32> to vector<16xf32>
        %add3A_532 = arith.addf %add3A_527, %get3A_531 : vector<16xf32>
        %swap3A_533 = arith.index_cast %scan3A_26 : i32 to index
        %swap3A_534 = arith.constant 416 : index
        %swap3A_535 = tpu.vector_load %arg11[%swap3A_533, %swap3A_534] {strides = array<i32>} : memref<16x1024xf32, #tpu.memory_space<vmem>>, vector<1x16xf32>,
        %swap3A_536 = vector.shape_cast %swap3A_535 : vector<1x16xf32> to vector<16xf32>
        %swap3A_537 = vector.shape_cast %add3A_532 : vector<16xf32> to vector<1x16xf32>
        tpu.vector_store %arg11[%swap3A_533, %swap3A_534], %swap3A_537 {strides = array<i32>} : memref<16x1024xf32, #tpu.memory_space<vmem>>, vector<1x16xf32>,
        %get3A_538 = arith.index_cast %scan3A_26 : i32 to index
        %get3A_539 = arith.constant 432 : index
        %get3A_540 = tpu.vector_load %arg11[%get3A_538, %get3A_539] {strides = array<i32>} : memref<16x1024xf32, #tpu.memory_space<vmem>>, vector<1x16xf32>,
        %get3A_541 = vector.shape_cast %get3A_540 : vector<1x16xf32> to vector<16xf32>
        %get3A_542 = arith.index_cast %scan3A_26 : i32 to index
        %get3A_543 = arith.constant 432 : index
        %get3A_544 = tpu.vector_load %arg9[%get3A_542, %get3A_543] {strides = array<i32>} : memref<16x1024xf32, #tpu.memory_space<vmem>>, vector<1x16xf32>,
        %get3A_545 = vector.shape_cast %get3A_544 : vector<1x16xf32> to vector<16xf32>
        %add3A_546 = arith.addf %get3A_541, %get3A_545 : vector<16xf32>
        %get3A_547 = arith.index_cast %scan3A_26 : i32 to index
        %get3A_548 = arith.constant 432 : index
        %get3A_549 = tpu.vector_load %arg10[%get3A_547, %get3A_548] {strides = array<i32>} : memref<16x1024xf32, #tpu.memory_space<vmem>>, vector<1x16xf32>,
        %get3A_550 = vector.shape_cast %get3A_549 : vector<1x16xf32> to vector<16xf32>
        %add3A_551 = arith.addf %add3A_546, %get3A_550 : vector<16xf32>
        %swap3A_552 = arith.index_cast %scan3A_26 : i32 to index
        %swap3A_553 = arith.constant 432 : index
        %swap3A_554 = tpu.vector_load %arg11[%swap3A_552, %swap3A_553] {strides = array<i32>} : memref<16x1024xf32, #tpu.memory_space<vmem>>, vector<1x16xf32>,
        %swap3A_555 = vector.shape_cast %swap3A_554 : vector<1x16xf32> to vector<16xf32>
        %swap3A_556 = vector.shape_cast %add3A_551 : vector<16xf32> to vector<1x16xf32>
        tpu.vector_store %arg11[%swap3A_552, %swap3A_553], %swap3A_556 {strides = array<i32>} : memref<16x1024xf32, #tpu.memory_space<vmem>>, vector<1x16xf32>,
        %get3A_557 = arith.index_cast %scan3A_26 : i32 to index
        %get3A_558 = arith.constant 448 : index
        %get3A_559 = tpu.vector_load %arg11[%get3A_557, %get3A_558] {strides = array<i32>} : memref<16x1024xf32, #tpu.memory_space<vmem>>, vector<1x16xf32>,
        %get3A_560 = vector.shape_cast %get3A_559 : vector<1x16xf32> to vector<16xf32>
        %get3A_561 = arith.index_cast %scan3A_26 : i32 to index
        %get3A_562 = arith.constant 448 : index
        %get3A_563 = tpu.vector_load %arg9[%get3A_561, %get3A_562] {strides = array<i32>} : memref<16x1024xf32, #tpu.memory_space<vmem>>, vector<1x16xf32>,
        %get3A_564 = vector.shape_cast %get3A_563 : vector<1x16xf32> to vector<16xf32>
        %add3A_565 = arith.addf %get3A_560, %get3A_564 : vector<16xf32>
        %get3A_566 = arith.index_cast %scan3A_26 : i32 to index
        %get3A_567 = arith.constant 448 : index
        %get3A_568 = tpu.vector_load %arg10[%get3A_566, %get3A_567] {strides = array<i32>} : memref<16x1024xf32, #tpu.memory_space<vmem>>, vector<1x16xf32>,
        %get3A_569 = vector.shape_cast %get3A_568 : vector<1x16xf32> to vector<16xf32>
        %add3A_570 = arith.addf %add3A_565, %get3A_569 : vector<16xf32>
        %swap3A_571 = arith.index_cast %scan3A_26 : i32 to index
        %swap3A_572 = arith.constant 448 : index
        %swap3A_573 = tpu.vector_load %arg11[%swap3A_571, %swap3A_572] {strides = array<i32>} : memref<16x1024xf32, #tpu.memory_space<vmem>>, vector<1x16xf32>,
        %swap3A_574 = vector.shape_cast %swap3A_573 : vector<1x16xf32> to vector<16xf32>
        %swap3A_575 = vector.shape_cast %add3A_570 : vector<16xf32> to vector<1x16xf32>
        tpu.vector_store %arg11[%swap3A_571, %swap3A_572], %swap3A_575 {strides = array<i32>} : memref<16x1024xf32, #tpu.memory_space<vmem>>, vector<1x16xf32>,
        %get3A_576 = arith.index_cast %scan3A_26 : i32 to index
        %get3A_577 = arith.constant 464 : index
        %get3A_578 = tpu.vector_load %arg11[%get3A_576, %get3A_577] {strides = array<i32>} : memref<16x1024xf32, #tpu.memory_space<vmem>>, vector<1x16xf32>,
        %get3A_579 = vector.shape_cast %get3A_578 : vector<1x16xf32> to vector<16xf32>
        %get3A_580 = arith.index_cast %scan3A_26 : i32 to index
        %get3A_581 = arith.constant 464 : index
        %get3A_582 = tpu.vector_load %arg9[%get3A_580, %get3A_581] {strides = array<i32>} : memref<16x1024xf32, #tpu.memory_space<vmem>>, vector<1x16xf32>,
        %get3A_583 = vector.shape_cast %get3A_582 : vector<1x16xf32> to vector<16xf32>
        %add3A_584 = arith.addf %get3A_579, %get3A_583 : vector<16xf32>
        %get3A_585 = arith.index_cast %scan3A_26 : i32 to index
        %get3A_586 = arith.constant 464 : index
        %get3A_587 = tpu.vector_load %arg10[%get3A_585, %get3A_586] {strides = array<i32>} : memref<16x1024xf32, #tpu.memory_space<vmem>>, vector<1x16xf32>,
        %get3A_588 = vector.shape_cast %get3A_587 : vector<1x16xf32> to vector<16xf32>
        %add3A_589 = arith.addf %add3A_584, %get3A_588 : vector<16xf32>
        %swap3A_590 = arith.index_cast %scan3A_26 : i32 to index
        %swap3A_591 = arith.constant 464 : index
        %swap3A_592 = tpu.vector_load %arg11[%swap3A_590, %swap3A_591] {strides = array<i32>} : memref<16x1024xf32, #tpu.memory_space<vmem>>, vector<1x16xf32>,
        %swap3A_593 = vector.shape_cast %swap3A_592 : vector<1x16xf32> to vector<16xf32>
        %swap3A_594 = vector.shape_cast %add3A_589 : vector<16xf32> to vector<1x16xf32>
        tpu.vector_store %arg11[%swap3A_590, %swap3A_591], %swap3A_594 {strides = array<i32>} : memref<16x1024xf32, #tpu.memory_space<vmem>>, vector<1x16xf32>,
        %get3A_595 = arith.index_cast %scan3A_26 : i32 to index
        %get3A_596 = arith.constant 480 : index
        %get3A_597 = tpu.vector_load %arg11[%get3A_595, %get3A_596] {strides = array<i32>} : memref<16x1024xf32, #tpu.memory_space<vmem>>, vector<1x16xf32>,
        %get3A_598 = vector.shape_cast %get3A_597 : vector<1x16xf32> to vector<16xf32>
        %get3A_599 = arith.index_cast %scan3A_26 : i32 to index
        %get3A_600 = arith.constant 480 : index
        %get3A_601 = tpu.vector_load %arg9[%get3A_599, %get3A_600] {strides = array<i32>} : memref<16x1024xf32, #tpu.memory_space<vmem>>, vector<1x16xf32>,
        %get3A_602 = vector.shape_cast %get3A_601 : vector<1x16xf32> to vector<16xf32>
        %add3A_603 = arith.addf %get3A_598, %get3A_602 : vector<16xf32>
        %get3A_604 = arith.index_cast %scan3A_26 : i32 to index
        %get3A_605 = arith.constant 480 : index
        %get3A_606 = tpu.vector_load %arg10[%get3A_604, %get3A_605] {strides = array<i32>} : memref<16x1024xf32, #tpu.memory_space<vmem>>, vector<1x16xf32>,
        %get3A_607 = vector.shape_cast %get3A_606 : vector<1x16xf32> to vector<16xf32>
        %add3A_608 = arith.addf %add3A_603, %get3A_607 : vector<16xf32>
        %swap3A_609 = arith.index_cast %scan3A_26 : i32 to index
        %swap3A_610 = arith.constant 480 : index
        %swap3A_611 = tpu.vector_load %arg11[%swap3A_609, %swap3A_610] {strides = array<i32>} : memref<16x1024xf32, #tpu.memory_space<vmem>>, vector<1x16xf32>,
        %swap3A_612 = vector.shape_cast %swap3A_611 : vector<1x16xf32> to vector<16xf32>
        %swap3A_613 = vector.shape_cast %add3A_608 : vector<16xf32> to vector<1x16xf32>
        tpu.vector_store %arg11[%swap3A_609, %swap3A_610], %swap3A_613 {strides = array<i32>} : memref<16x1024xf32, #tpu.memory_space<vmem>>, vector<1x16xf32>,
        %get3A_614 = arith.index_cast %scan3A_26 : i32 to index
        %get3A_615 = arith.constant 496 : index
        %get3A_616 = tpu.vector_load %arg11[%get3A_614, %get3A_615] {strides = array<i32>} : memref<16x1024xf32, #tpu.memory_space<vmem>>, vector<1x16xf32>,
        %get3A_617 = vector.shape_cast %get3A_616 : vector<1x16xf32> to vector<16xf32>
        %get3A_618 = arith.index_cast %scan3A_26 : i32 to index
        %get3A_619 = arith.constant 496 : index
        %get3A_620 = tpu.vector_load %arg9[%get3A_618, %get3A_619] {strides = array<i32>} : memref<16x1024xf32, #tpu.memory_space<vmem>>, vector<1x16xf32>,
        %get3A_621 = vector.shape_cast %get3A_620 : vector<1x16xf32> to vector<16xf32>
        %add3A_622 = arith.addf %get3A_617, %get3A_621 : vector<16xf32>
        %get3A_623 = arith.index_cast %scan3A_26 : i32 to index
        %get3A_624 = arith.constant 496 : index
        %get3A_625 = tpu.vector_load %arg10[%get3A_623, %get3A_624] {strides = array<i32>} : memref<16x1024xf32, #tpu.memory_space<vmem>>, vector<1x16xf32>,
        %get3A_626 = vector.shape_cast %get3A_625 : vector<1x16xf32> to vector<16xf32>
        %add3A_627 = arith.addf %add3A_622, %get3A_626 : vector<16xf32>
        %swap3A_628 = arith.index_cast %scan3A_26 : i32 to index
        %swap3A_629 = arith.constant 496 : index
        %swap3A_630 = tpu.vector_load %arg11[%swap3A_628, %swap3A_629] {strides = array<i32>} : memref<16x1024xf32, #tpu.memory_space<vmem>>, vector<1x16xf32>,
        %swap3A_631 = vector.shape_cast %swap3A_630 : vector<1x16xf32> to vector<16xf32>
        %swap3A_632 = vector.shape_cast %add3A_627 : vector<16xf32> to vector<1x16xf32>
        tpu.vector_store %arg11[%swap3A_628, %swap3A_629], %swap3A_632 {strides = array<i32>} : memref<16x1024xf32, #tpu.memory_space<vmem>>, vector<1x16xf32>,
        %get3A_633 = arith.index_cast %scan3A_26 : i32 to index
        %get3A_634 = arith.constant 512 : index
        %get3A_635 = tpu.vector_load %arg11[%get3A_633, %get3A_634] {strides = array<i32>} : memref<16x1024xf32, #tpu.memory_space<vmem>>, vector<1x16xf32>,
        %get3A_636 = vector.shape_cast %get3A_635 : vector<1x16xf32> to vector<16xf32>
        %get3A_637 = arith.index_cast %scan3A_26 : i32 to index
        %get3A_638 = arith.constant 512 : index
        %get3A_639 = tpu.vector_load %arg9[%get3A_637, %get3A_638] {strides = array<i32>} : memref<16x1024xf32, #tpu.memory_space<vmem>>, vector<1x16xf32>,
        %get3A_640 = vector.shape_cast %get3A_639 : vector<1x16xf32> to vector<16xf32>
        %add3A_641 = arith.addf %get3A_636, %get3A_640 : vector<16xf32>
        %get3A_642 = arith.index_cast %scan3A_26 : i32 to index
        %get3A_643 = arith.constant 512 : index
        %get3A_644 = tpu.vector_load %arg10[%get3A_642, %get3A_643] {strides = array<i32>} : memref<16x1024xf32, #tpu.memory_space<vmem>>, vector<1x16xf32>,
        %get3A_645 = vector.shape_cast %get3A_644 : vector<1x16xf32> to vector<16xf32>
        %add3A_646 = arith.addf %add3A_641, %get3A_645 : vector<16xf32>
        %swap3A_647 = arith.index_cast %scan3A_26 : i32 to index
        %swap3A_648 = arith.constant 512 : index
        %swap3A_649 = tpu.vector_load %arg11[%swap3A_647, %swap3A_648] {strides = array<i32>} : memref<16x1024xf32, #tpu.memory_space<vmem>>, vector<1x16xf32>,
        %swap3A_650 = vector.shape_cast %swap3A_649 : vector<1x16xf32> to vector<16xf32>
        %swap3A_651 = vector.shape_cast %add3A_646 : vector<16xf32> to vector<1x16xf32>
        tpu.vector_store %arg11[%swap3A_647, %swap3A_648], %swap3A_651 {strides = array<i32>} : memref<16x1024xf32, #tpu.memory_space<vmem>>, vector<1x16xf32>,
        %get3A_652 = arith.index_cast %scan3A_26 : i32 to index
        %get3A_653 = arith.constant 528 : index
        %get3A_654 = tpu.vector_load %arg11[%get3A_652, %get3A_653] {strides = array<i32>} : memref<16x1024xf32, #tpu.memory_space<vmem>>, vector<1x16xf32>,
        %get3A_655 = vector.shape_cast %get3A_654 : vector<1x16xf32> to vector<16xf32>
        %get3A_656 = arith.index_cast %scan3A_26 : i32 to index
        %get3A_657 = arith.constant 528 : index
        %get3A_658 = tpu.vector_load %arg9[%get3A_656, %get3A_657] {strides = array<i32>} : memref<16x1024xf32, #tpu.memory_space<vmem>>, vector<1x16xf32>,
        %get3A_659 = vector.shape_cast %get3A_658 : vector<1x16xf32> to vector<16xf32>
        %add3A_660 = arith.addf %get3A_655, %get3A_659 : vector<16xf32>
        %get3A_661 = arith.index_cast %scan3A_26 : i32 to index
        %get3A_662 = arith.constant 528 : index
        %get3A_663 = tpu.vector_load %arg10[%get3A_661, %get3A_662] {strides = array<i32>} : memref<16x1024xf32, #tpu.memory_space<vmem>>, vector<1x16xf32>,
        %get3A_664 = vector.shape_cast %get3A_663 : vector<1x16xf32> to vector<16xf32>
        %add3A_665 = arith.addf %add3A_660, %get3A_664 : vector<16xf32>
        %swap3A_666 = arith.index_cast %scan3A_26 : i32 to index
        %swap3A_667 = arith.constant 528 : index
        %swap3A_668 = tpu.vector_load %arg11[%swap3A_666, %swap3A_667] {strides = array<i32>} : memref<16x1024xf32, #tpu.memory_space<vmem>>, vector<1x16xf32>,
        %swap3A_669 = vector.shape_cast %swap3A_668 : vector<1x16xf32> to vector<16xf32>
        %swap3A_670 = vector.shape_cast %add3A_665 : vector<16xf32> to vector<1x16xf32>
        tpu.vector_store %arg11[%swap3A_666, %swap3A_667], %swap3A_670 {strides = array<i32>} : memref<16x1024xf32, #tpu.memory_space<vmem>>, vector<1x16xf32>,
        %get3A_671 = arith.index_cast %scan3A_26 : i32 to index
        %get3A_672 = arith.constant 544 : index
        %get3A_673 = tpu.vector_load %arg11[%get3A_671, %get3A_672] {strides = array<i32>} : memref<16x1024xf32, #tpu.memory_space<vmem>>, vector<1x16xf32>,
        %get3A_674 = vector.shape_cast %get3A_673 : vector<1x16xf32> to vector<16xf32>
        %get3A_675 = arith.index_cast %scan3A_26 : i32 to index
        %get3A_676 = arith.constant 544 : index
        %get3A_677 = tpu.vector_load %arg9[%get3A_675, %get3A_676] {strides = array<i32>} : memref<16x1024xf32, #tpu.memory_space<vmem>>, vector<1x16xf32>,
        %get3A_678 = vector.shape_cast %get3A_677 : vector<1x16xf32> to vector<16xf32>
        %add3A_679 = arith.addf %get3A_674, %get3A_678 : vector<16xf32>
        %get3A_680 = arith.index_cast %scan3A_26 : i32 to index
        %get3A_681 = arith.constant 544 : index
        %get3A_682 = tpu.vector_load %arg10[%get3A_680, %get3A_681] {strides = array<i32>} : memref<16x1024xf32, #tpu.memory_space<vmem>>, vector<1x16xf32>,
        %get3A_683 = vector.shape_cast %get3A_682 : vector<1x16xf32> to vector<16xf32>
        %add3A_684 = arith.addf %add3A_679, %get3A_683 : vector<16xf32>
        %swap3A_685 = arith.index_cast %scan3A_26 : i32 to index
        %swap3A_686 = arith.constant 544 : index
        %swap3A_687 = tpu.vector_load %arg11[%swap3A_685, %swap3A_686] {strides = array<i32>} : memref<16x1024xf32, #tpu.memory_space<vmem>>, vector<1x16xf32>,
        %swap3A_688 = vector.shape_cast %swap3A_687 : vector<1x16xf32> to vector<16xf32>
        %swap3A_689 = vector.shape_cast %add3A_684 : vector<16xf32> to vector<1x16xf32>
        tpu.vector_store %arg11[%swap3A_685, %swap3A_686], %swap3A_689 {strides = array<i32>} : memref<16x1024xf32, #tpu.memory_space<vmem>>, vector<1x16xf32>,
        %get3A_690 = arith.index_cast %scan3A_26 : i32 to index
        %get3A_691 = arith.constant 560 : index
        %get3A_692 = tpu.vector_load %arg11[%get3A_690, %get3A_691] {strides = array<i32>} : memref<16x1024xf32, #tpu.memory_space<vmem>>, vector<1x16xf32>,
        %get3A_693 = vector.shape_cast %get3A_692 : vector<1x16xf32> to vector<16xf32>
        %get3A_694 = arith.index_cast %scan3A_26 : i32 to index
        %get3A_695 = arith.constant 560 : index
        %get3A_696 = tpu.vector_load %arg9[%get3A_694, %get3A_695] {strides = array<i32>} : memref<16x1024xf32, #tpu.memory_space<vmem>>, vector<1x16xf32>,
        %get3A_697 = vector.shape_cast %get3A_696 : vector<1x16xf32> to vector<16xf32>
        %add3A_698 = arith.addf %get3A_693, %get3A_697 : vector<16xf32>
        %get3A_699 = arith.index_cast %scan3A_26 : i32 to index
        %get3A_700 = arith.constant 560 : index
        %get3A_701 = tpu.vector_load %arg10[%get3A_699, %get3A_700] {strides = array<i32>} : memref<16x1024xf32, #tpu.memory_space<vmem>>, vector<1x16xf32>,
        %get3A_702 = vector.shape_cast %get3A_701 : vector<1x16xf32> to vector<16xf32>
        %add3A_703 = arith.addf %add3A_698, %get3A_702 : vector<16xf32>
        %swap3A_704 = arith.index_cast %scan3A_26 : i32 to index
        %swap3A_705 = arith.constant 560 : index
        %swap3A_706 = tpu.vector_load %arg11[%swap3A_704, %swap3A_705] {strides = array<i32>} : memref<16x1024xf32, #tpu.memory_space<vmem>>, vector<1x16xf32>,
        %swap3A_707 = vector.shape_cast %swap3A_706 : vector<1x16xf32> to vector<16xf32>
        %swap3A_708 = vector.shape_cast %add3A_703 : vector<16xf32> to vector<1x16xf32>
        tpu.vector_store %arg11[%swap3A_704, %swap3A_705], %swap3A_708 {strides = array<i32>} : memref<16x1024xf32, #tpu.memory_space<vmem>>, vector<1x16xf32>,
        %get3A_709 = arith.index_cast %scan3A_26 : i32 to index
        %get3A_710 = arith.constant 576 : index
        %get3A_711 = tpu.vector_load %arg11[%get3A_709, %get3A_710] {strides = array<i32>} : memref<16x1024xf32, #tpu.memory_space<vmem>>, vector<1x16xf32>,
        %get3A_712 = vector.shape_cast %get3A_711 : vector<1x16xf32> to vector<16xf32>
        %get3A_713 = arith.index_cast %scan3A_26 : i32 to index
        %get3A_714 = arith.constant 576 : index
        %get3A_715 = tpu.vector_load %arg9[%get3A_713, %get3A_714] {strides = array<i32>} : memref<16x1024xf32, #tpu.memory_space<vmem>>, vector<1x16xf32>,
        %get3A_716 = vector.shape_cast %get3A_715 : vector<1x16xf32> to vector<16xf32>
        %add3A_717 = arith.addf %get3A_712, %get3A_716 : vector<16xf32>
        %get3A_718 = arith.index_cast %scan3A_26 : i32 to index
        %get3A_719 = arith.constant 576 : index
        %get3A_720 = tpu.vector_load %arg10[%get3A_718, %get3A_719] {strides = array<i32>} : memref<16x1024xf32, #tpu.memory_space<vmem>>, vector<1x16xf32>,
        %get3A_721 = vector.shape_cast %get3A_720 : vector<1x16xf32> to vector<16xf32>
        %add3A_722 = arith.addf %add3A_717, %get3A_721 : vector<16xf32>
        %swap3A_723 = arith.index_cast %scan3A_26 : i32 to index
        %swap3A_724 = arith.constant 576 : index
        %swap3A_725 = tpu.vector_load %arg11[%swap3A_723, %swap3A_724] {strides = array<i32>} : memref<16x1024xf32, #tpu.memory_space<vmem>>, vector<1x16xf32>,
        %swap3A_726 = vector.shape_cast %swap3A_725 : vector<1x16xf32> to vector<16xf32>
        %swap3A_727 = vector.shape_cast %add3A_722 : vector<16xf32> to vector<1x16xf32>
        tpu.vector_store %arg11[%swap3A_723, %swap3A_724], %swap3A_727 {strides = array<i32>} : memref<16x1024xf32, #tpu.memory_space<vmem>>, vector<1x16xf32>,
        %get3A_728 = arith.index_cast %scan3A_26 : i32 to index
        %get3A_729 = arith.constant 592 : index
        %get3A_730 = tpu.vector_load %arg11[%get3A_728, %get3A_729] {strides = array<i32>} : memref<16x1024xf32, #tpu.memory_space<vmem>>, vector<1x16xf32>,
        %get3A_731 = vector.shape_cast %get3A_730 : vector<1x16xf32> to vector<16xf32>
        %get3A_732 = arith.index_cast %scan3A_26 : i32 to index
        %get3A_733 = arith.constant 592 : index
        %get3A_734 = tpu.vector_load %arg9[%get3A_732, %get3A_733] {strides = array<i32>} : memref<16x1024xf32, #tpu.memory_space<vmem>>, vector<1x16xf32>,
        %get3A_735 = vector.shape_cast %get3A_734 : vector<1x16xf32> to vector<16xf32>
        %add3A_736 = arith.addf %get3A_731, %get3A_735 : vector<16xf32>
        %get3A_737 = arith.index_cast %scan3A_26 : i32 to index
        %get3A_738 = arith.constant 592 : index
        %get3A_739 = tpu.vector_load %arg10[%get3A_737, %get3A_738] {strides = array<i32>} : memref<16x1024xf32, #tpu.memory_space<vmem>>, vector<1x16xf32>,
        %get3A_740 = vector.shape_cast %get3A_739 : vector<1x16xf32> to vector<16xf32>
        %add3A_741 = arith.addf %add3A_736, %get3A_740 : vector<16xf32>
        %swap3A_742 = arith.index_cast %scan3A_26 : i32 to index
        %swap3A_743 = arith.constant 592 : index
        %swap3A_744 = tpu.vector_load %arg11[%swap3A_742, %swap3A_743] {strides = array<i32>} : memref<16x1024xf32, #tpu.memory_space<vmem>>, vector<1x16xf32>,
        %swap3A_745 = vector.shape_cast %swap3A_744 : vector<1x16xf32> to vector<16xf32>
        %swap3A_746 = vector.shape_cast %add3A_741 : vector<16xf32> to vector<1x16xf32>
        tpu.vector_store %arg11[%swap3A_742, %swap3A_743], %swap3A_746 {strides = array<i32>} : memref<16x1024xf32, #tpu.memory_space<vmem>>, vector<1x16xf32>,
        %get3A_747 = arith.index_cast %scan3A_26 : i32 to index
        %get3A_748 = arith.constant 608 : index
        %get3A_749 = tpu.vector_load %arg11[%get3A_747, %get3A_748] {strides = array<i32>} : memref<16x1024xf32, #tpu.memory_space<vmem>>, vector<1x16xf32>,
        %get3A_750 = vector.shape_cast %get3A_749 : vector<1x16xf32> to vector<16xf32>
        %get3A_751 = arith.index_cast %scan3A_26 : i32 to index
        %get3A_752 = arith.constant 608 : index
        %get3A_753 = tpu.vector_load %arg9[%get3A_751, %get3A_752] {strides = array<i32>} : memref<16x1024xf32, #tpu.memory_space<vmem>>, vector<1x16xf32>,
        %get3A_754 = vector.shape_cast %get3A_753 : vector<1x16xf32> to vector<16xf32>
        %add3A_755 = arith.addf %get3A_750, %get3A_754 : vector<16xf32>
        %get3A_756 = arith.index_cast %scan3A_26 : i32 to index
        %get3A_757 = arith.constant 608 : index
        %get3A_758 = tpu.vector_load %arg10[%get3A_756, %get3A_757] {strides = array<i32>} : memref<16x1024xf32, #tpu.memory_space<vmem>>, vector<1x16xf32>,
        %get3A_759 = vector.shape_cast %get3A_758 : vector<1x16xf32> to vector<16xf32>
        %add3A_760 = arith.addf %add3A_755, %get3A_759 : vector<16xf32>
        %swap3A_761 = arith.index_cast %scan3A_26 : i32 to index
        %swap3A_762 = arith.constant 608 : index
        %swap3A_763 = tpu.vector_load %arg11[%swap3A_761, %swap3A_762] {strides = array<i32>} : memref<16x1024xf32, #tpu.memory_space<vmem>>, vector<1x16xf32>,
        %swap3A_764 = vector.shape_cast %swap3A_763 : vector<1x16xf32> to vector<16xf32>
        %swap3A_765 = vector.shape_cast %add3A_760 : vector<16xf32> to vector<1x16xf32>
        tpu.vector_store %arg11[%swap3A_761, %swap3A_762], %swap3A_765 {strides = array<i32>} : memref<16x1024xf32, #tpu.memory_space<vmem>>, vector<1x16xf32>,
        %get3A_766 = arith.index_cast %scan3A_26 : i32 to index
        %get3A_767 = arith.constant 624 : index
        %get3A_768 = tpu.vector_load %arg11[%get3A_766, %get3A_767] {strides = array<i32>} : memref<16x1024xf32, #tpu.memory_space<vmem>>, vector<1x16xf32>,
        %get3A_769 = vector.shape_cast %get3A_768 : vector<1x16xf32> to vector<16xf32>
        %get3A_770 = arith.index_cast %scan3A_26 : i32 to index
        %get3A_771 = arith.constant 624 : index
        %get3A_772 = tpu.vector_load %arg9[%get3A_770, %get3A_771] {strides = array<i32>} : memref<16x1024xf32, #tpu.memory_space<vmem>>, vector<1x16xf32>,
        %get3A_773 = vector.shape_cast %get3A_772 : vector<1x16xf32> to vector<16xf32>
        %add3A_774 = arith.addf %get3A_769, %get3A_773 : vector<16xf32>
        %get3A_775 = arith.index_cast %scan3A_26 : i32 to index
        %get3A_776 = arith.constant 624 : index
        %get3A_777 = tpu.vector_load %arg10[%get3A_775, %get3A_776] {strides = array<i32>} : memref<16x1024xf32, #tpu.memory_space<vmem>>, vector<1x16xf32>,
        %get3A_778 = vector.shape_cast %get3A_777 : vector<1x16xf32> to vector<16xf32>
        %add3A_779 = arith.addf %add3A_774, %get3A_778 : vector<16xf32>
        %swap3A_780 = arith.index_cast %scan3A_26 : i32 to index
        %swap3A_781 = arith.constant 624 : index
        %swap3A_782 = tpu.vector_load %arg11[%swap3A_780, %swap3A_781] {strides = array<i32>} : memref<16x1024xf32, #tpu.memory_space<vmem>>, vector<1x16xf32>,
        %swap3A_783 = vector.shape_cast %swap3A_782 : vector<1x16xf32> to vector<16xf32>
        %swap3A_784 = vector.shape_cast %add3A_779 : vector<16xf32> to vector<1x16xf32>
        tpu.vector_store %arg11[%swap3A_780, %swap3A_781], %swap3A_784 {strides = array<i32>} : memref<16x1024xf32, #tpu.memory_space<vmem>>, vector<1x16xf32>,
        %get3A_785 = arith.index_cast %scan3A_26 : i32 to index
        %get3A_786 = arith.constant 640 : index
        %get3A_787 = tpu.vector_load %arg11[%get3A_785, %get3A_786] {strides = array<i32>} : memref<16x1024xf32, #tpu.memory_space<vmem>>, vector<1x16xf32>,
        %get3A_788 = vector.shape_cast %get3A_787 : vector<1x16xf32> to vector<16xf32>
        %get3A_789 = arith.index_cast %scan3A_26 : i32 to index
        %get3A_790 = arith.constant 640 : index
        %get3A_791 = tpu.vector_load %arg9[%get3A_789, %get3A_790] {strides = array<i32>} : memref<16x1024xf32, #tpu.memory_space<vmem>>, vector<1x16xf32>,
        %get3A_792 = vector.shape_cast %get3A_791 : vector<1x16xf32> to vector<16xf32>
        %add3A_793 = arith.addf %get3A_788, %get3A_792 : vector<16xf32>
        %get3A_794 = arith.index_cast %scan3A_26 : i32 to index
        %get3A_795 = arith.constant 640 : index
        %get3A_796 = tpu.vector_load %arg10[%get3A_794, %get3A_795] {strides = array<i32>} : memref<16x1024xf32, #tpu.memory_space<vmem>>, vector<1x16xf32>,
        %get3A_797 = vector.shape_cast %get3A_796 : vector<1x16xf32> to vector<16xf32>
        %add3A_798 = arith.addf %add3A_793, %get3A_797 : vector<16xf32>
        %swap3A_799 = arith.index_cast %scan3A_26 : i32 to index
        %swap3A_800 = arith.constant 640 : index
        %swap3A_801 = tpu.vector_load %arg11[%swap3A_799, %swap3A_800] {strides = array<i32>} : memref<16x1024xf32, #tpu.memory_space<vmem>>, vector<1x16xf32>,
        %swap3A_802 = vector.shape_cast %swap3A_801 : vector<1x16xf32> to vector<16xf32>
        %swap3A_803 = vector.shape_cast %add3A_798 : vector<16xf32> to vector<1x16xf32>
        tpu.vector_store %arg11[%swap3A_799, %swap3A_800], %swap3A_803 {strides = array<i32>} : memref<16x1024xf32, #tpu.memory_space<vmem>>, vector<1x16xf32>,
        %get3A_804 = arith.index_cast %scan3A_26 : i32 to index
        %get3A_805 = arith.constant 656 : index
        %get3A_806 = tpu.vector_load %arg11[%get3A_804, %get3A_805] {strides = array<i32>} : memref<16x1024xf32, #tpu.memory_space<vmem>>, vector<1x16xf32>,
        %get3A_807 = vector.shape_cast %get3A_806 : vector<1x16xf32> to vector<16xf32>
        %get3A_808 = arith.index_cast %scan3A_26 : i32 to index
        %get3A_809 = arith.constant 656 : index
        %get3A_810 = tpu.vector_load %arg9[%get3A_808, %get3A_809] {strides = array<i32>} : memref<16x1024xf32, #tpu.memory_space<vmem>>, vector<1x16xf32>,
        %get3A_811 = vector.shape_cast %get3A_810 : vector<1x16xf32> to vector<16xf32>
        %add3A_812 = arith.addf %get3A_807, %get3A_811 : vector<16xf32>
        %get3A_813 = arith.index_cast %scan3A_26 : i32 to index
        %get3A_814 = arith.constant 656 : index
        %get3A_815 = tpu.vector_load %arg10[%get3A_813, %get3A_814] {strides = array<i32>} : memref<16x1024xf32, #tpu.memory_space<vmem>>, vector<1x16xf32>,
        %get3A_816 = vector.shape_cast %get3A_815 : vector<1x16xf32> to vector<16xf32>
        %add3A_817 = arith.addf %add3A_812, %get3A_816 : vector<16xf32>
        %swap3A_818 = arith.index_cast %scan3A_26 : i32 to index
        %swap3A_819 = arith.constant 656 : index
        %swap3A_820 = tpu.vector_load %arg11[%swap3A_818, %swap3A_819] {strides = array<i32>} : memref<16x1024xf32, #tpu.memory_space<vmem>>, vector<1x16xf32>,
        %swap3A_821 = vector.shape_cast %swap3A_820 : vector<1x16xf32> to vector<16xf32>
        %swap3A_822 = vector.shape_cast %add3A_817 : vector<16xf32> to vector<1x16xf32>
        tpu.vector_store %arg11[%swap3A_818, %swap3A_819], %swap3A_822 {strides = array<i32>} : memref<16x1024xf32, #tpu.memory_space<vmem>>, vector<1x16xf32>,
        %get3A_823 = arith.index_cast %scan3A_26 : i32 to index
        %get3A_824 = arith.constant 672 : index
        %get3A_825 = tpu.vector_load %arg11[%get3A_823, %get3A_824] {strides = array<i32>} : memref<16x1024xf32, #tpu.memory_space<vmem>>, vector<1x16xf32>,
        %get3A_826 = vector.shape_cast %get3A_825 : vector<1x16xf32> to vector<16xf32>
        %get3A_827 = arith.index_cast %scan3A_26 : i32 to index
        %get3A_828 = arith.constant 672 : index
        %get3A_829 = tpu.vector_load %arg9[%get3A_827, %get3A_828] {strides = array<i32>} : memref<16x1024xf32, #tpu.memory_space<vmem>>, vector<1x16xf32>,
        %get3A_830 = vector.shape_cast %get3A_829 : vector<1x16xf32> to vector<16xf32>
        %add3A_831 = arith.addf %get3A_826, %get3A_830 : vector<16xf32>
        %get3A_832 = arith.index_cast %scan3A_26 : i32 to index
        %get3A_833 = arith.constant 672 : index
        %get3A_834 = tpu.vector_load %arg10[%get3A_832, %get3A_833] {strides = array<i32>} : memref<16x1024xf32, #tpu.memory_space<vmem>>, vector<1x16xf32>,
        %get3A_835 = vector.shape_cast %get3A_834 : vector<1x16xf32> to vector<16xf32>
        %add3A_836 = arith.addf %add3A_831, %get3A_835 : vector<16xf32>
        %swap3A_837 = arith.index_cast %scan3A_26 : i32 to index
        %swap3A_838 = arith.constant 672 : index
        %swap3A_839 = tpu.vector_load %arg11[%swap3A_837, %swap3A_838] {strides = array<i32>} : memref<16x1024xf32, #tpu.memory_space<vmem>>, vector<1x16xf32>,
        %swap3A_840 = vector.shape_cast %swap3A_839 : vector<1x16xf32> to vector<16xf32>
        %swap3A_841 = vector.shape_cast %add3A_836 : vector<16xf32> to vector<1x16xf32>
        tpu.vector_store %arg11[%swap3A_837, %swap3A_838], %swap3A_841 {strides = array<i32>} : memref<16x1024xf32, #tpu.memory_space<vmem>>, vector<1x16xf32>,
        %get3A_842 = arith.index_cast %scan3A_26 : i32 to index
        %get3A_843 = arith.constant 688 : index
        %get3A_844 = tpu.vector_load %arg11[%get3A_842, %get3A_843] {strides = array<i32>} : memref<16x1024xf32, #tpu.memory_space<vmem>>, vector<1x16xf32>,
        %get3A_845 = vector.shape_cast %get3A_844 : vector<1x16xf32> to vector<16xf32>
        %get3A_846 = arith.index_cast %scan3A_26 : i32 to index
        %get3A_847 = arith.constant 688 : index
        %get3A_848 = tpu.vector_load %arg9[%get3A_846, %get3A_847] {strides = array<i32>} : memref<16x1024xf32, #tpu.memory_space<vmem>>, vector<1x16xf32>,
        %get3A_849 = vector.shape_cast %get3A_848 : vector<1x16xf32> to vector<16xf32>
        %add3A_850 = arith.addf %get3A_845, %get3A_849 : vector<16xf32>
        %get3A_851 = arith.index_cast %scan3A_26 : i32 to index
        %get3A_852 = arith.constant 688 : index
        %get3A_853 = tpu.vector_load %arg10[%get3A_851, %get3A_852] {strides = array<i32>} : memref<16x1024xf32, #tpu.memory_space<vmem>>, vector<1x16xf32>,
        %get3A_854 = vector.shape_cast %get3A_853 : vector<1x16xf32> to vector<16xf32>
        %add3A_855 = arith.addf %add3A_850, %get3A_854 : vector<16xf32>
        %swap3A_856 = arith.index_cast %scan3A_26 : i32 to index
        %swap3A_857 = arith.constant 688 : index
        %swap3A_858 = tpu.vector_load %arg11[%swap3A_856, %swap3A_857] {strides = array<i32>} : memref<16x1024xf32, #tpu.memory_space<vmem>>, vector<1x16xf32>,
        %swap3A_859 = vector.shape_cast %swap3A_858 : vector<1x16xf32> to vector<16xf32>
        %swap3A_860 = vector.shape_cast %add3A_855 : vector<16xf32> to vector<1x16xf32>
        tpu.vector_store %arg11[%swap3A_856, %swap3A_857], %swap3A_860 {strides = array<i32>} : memref<16x1024xf32, #tpu.memory_space<vmem>>, vector<1x16xf32>,
        %get3A_861 = arith.index_cast %scan3A_26 : i32 to index
        %get3A_862 = arith.constant 704 : index
        %get3A_863 = tpu.vector_load %arg11[%get3A_861, %get3A_862] {strides = array<i32>} : memref<16x1024xf32, #tpu.memory_space<vmem>>, vector<1x16xf32>,
        %get3A_864 = vector.shape_cast %get3A_863 : vector<1x16xf32> to vector<16xf32>
        %get3A_865 = arith.index_cast %scan3A_26 : i32 to index
        %get3A_866 = arith.constant 704 : index
        %get3A_867 = tpu.vector_load %arg9[%get3A_865, %get3A_866] {strides = array<i32>} : memref<16x1024xf32, #tpu.memory_space<vmem>>, vector<1x16xf32>,
        %get3A_868 = vector.shape_cast %get3A_867 : vector<1x16xf32> to vector<16xf32>
        %add3A_869 = arith.addf %get3A_864, %get3A_868 : vector<16xf32>
        %get3A_870 = arith.index_cast %scan3A_26 : i32 to index
        %get3A_871 = arith.constant 704 : index
        %get3A_872 = tpu.vector_load %arg10[%get3A_870, %get3A_871] {strides = array<i32>} : memref<16x1024xf32, #tpu.memory_space<vmem>>, vector<1x16xf32>,
        %get3A_873 = vector.shape_cast %get3A_872 : vector<1x16xf32> to vector<16xf32>
        %add3A_874 = arith.addf %add3A_869, %get3A_873 : vector<16xf32>
        %swap3A_875 = arith.index_cast %scan3A_26 : i32 to index
        %swap3A_876 = arith.constant 704 : index
        %swap3A_877 = tpu.vector_load %arg11[%swap3A_875, %swap3A_876] {strides = array<i32>} : memref<16x1024xf32, #tpu.memory_space<vmem>>, vector<1x16xf32>,
        %swap3A_878 = vector.shape_cast %swap3A_877 : vector<1x16xf32> to vector<16xf32>
        %swap3A_879 = vector.shape_cast %add3A_874 : vector<16xf32> to vector<1x16xf32>
        tpu.vector_store %arg11[%swap3A_875, %swap3A_876], %swap3A_879 {strides = array<i32>} : memref<16x1024xf32, #tpu.memory_space<vmem>>, vector<1x16xf32>,
        %get3A_880 = arith.index_cast %scan3A_26 : i32 to index
        %get3A_881 = arith.constant 720 : index
        %get3A_882 = tpu.vector_load %arg11[%get3A_880, %get3A_881] {strides = array<i32>} : memref<16x1024xf32, #tpu.memory_space<vmem>>, vector<1x16xf32>,
        %get3A_883 = vector.shape_cast %get3A_882 : vector<1x16xf32> to vector<16xf32>
        %get3A_884 = arith.index_cast %scan3A_26 : i32 to index
        %get3A_885 = arith.constant 720 : index
        %get3A_886 = tpu.vector_load %arg9[%get3A_884, %get3A_885] {strides = array<i32>} : memref<16x1024xf32, #tpu.memory_space<vmem>>, vector<1x16xf32>,
        %get3A_887 = vector.shape_cast %get3A_886 : vector<1x16xf32> to vector<16xf32>
        %add3A_888 = arith.addf %get3A_883, %get3A_887 : vector<16xf32>
        %get3A_889 = arith.index_cast %scan3A_26 : i32 to index
        %get3A_890 = arith.constant 720 : index
        %get3A_891 = tpu.vector_load %arg10[%get3A_889, %get3A_890] {strides = array<i32>} : memref<16x1024xf32, #tpu.memory_space<vmem>>, vector<1x16xf32>,
        %get3A_892 = vector.shape_cast %get3A_891 : vector<1x16xf32> to vector<16xf32>
        %add3A_893 = arith.addf %add3A_888, %get3A_892 : vector<16xf32>
        %swap3A_894 = arith.index_cast %scan3A_26 : i32 to index
        %swap3A_895 = arith.constant 720 : index
        %swap3A_896 = tpu.vector_load %arg11[%swap3A_894, %swap3A_895] {strides = array<i32>} : memref<16x1024xf32, #tpu.memory_space<vmem>>, vector<1x16xf32>,
        %swap3A_897 = vector.shape_cast %swap3A_896 : vector<1x16xf32> to vector<16xf32>
        %swap3A_898 = vector.shape_cast %add3A_893 : vector<16xf32> to vector<1x16xf32>
        tpu.vector_store %arg11[%swap3A_894, %swap3A_895], %swap3A_898 {strides = array<i32>} : memref<16x1024xf32, #tpu.memory_space<vmem>>, vector<1x16xf32>,
        %get3A_899 = arith.index_cast %scan3A_26 : i32 to index
        %get3A_900 = arith.constant 736 : index
        %get3A_901 = tpu.vector_load %arg11[%get3A_899, %get3A_900] {strides = array<i32>} : memref<16x1024xf32, #tpu.memory_space<vmem>>, vector<1x16xf32>,
        %get3A_902 = vector.shape_cast %get3A_901 : vector<1x16xf32> to vector<16xf32>
        %get3A_903 = arith.index_cast %scan3A_26 : i32 to index
        %get3A_904 = arith.constant 736 : index
        %get3A_905 = tpu.vector_load %arg9[%get3A_903, %get3A_904] {strides = array<i32>} : memref<16x1024xf32, #tpu.memory_space<vmem>>, vector<1x16xf32>,
        %get3A_906 = vector.shape_cast %get3A_905 : vector<1x16xf32> to vector<16xf32>
        %add3A_907 = arith.addf %get3A_902, %get3A_906 : vector<16xf32>
        %get3A_908 = arith.index_cast %scan3A_26 : i32 to index
        %get3A_909 = arith.constant 736 : index
        %get3A_910 = tpu.vector_load %arg10[%get3A_908, %get3A_909] {strides = array<i32>} : memref<16x1024xf32, #tpu.memory_space<vmem>>, vector<1x16xf32>,
        %get3A_911 = vector.shape_cast %get3A_910 : vector<1x16xf32> to vector<16xf32>
        %add3A_912 = arith.addf %add3A_907, %get3A_911 : vector<16xf32>
        %swap3A_913 = arith.index_cast %scan3A_26 : i32 to index
        %swap3A_914 = arith.constant 736 : index
        %swap3A_915 = tpu.vector_load %arg11[%swap3A_913, %swap3A_914] {strides = array<i32>} : memref<16x1024xf32, #tpu.memory_space<vmem>>, vector<1x16xf32>,
        %swap3A_916 = vector.shape_cast %swap3A_915 : vector<1x16xf32> to vector<16xf32>
        %swap3A_917 = vector.shape_cast %add3A_912 : vector<16xf32> to vector<1x16xf32>
        tpu.vector_store %arg11[%swap3A_913, %swap3A_914], %swap3A_917 {strides = array<i32>} : memref<16x1024xf32, #tpu.memory_space<vmem>>, vector<1x16xf32>,
        %get3A_918 = arith.index_cast %scan3A_26 : i32 to index
        %get3A_919 = arith.constant 752 : index
        %get3A_920 = tpu.vector_load %arg11[%get3A_918, %get3A_919] {strides = array<i32>} : memref<16x1024xf32, #tpu.memory_space<vmem>>, vector<1x16xf32>,
        %get3A_921 = vector.shape_cast %get3A_920 : vector<1x16xf32> to vector<16xf32>
        %get3A_922 = arith.index_cast %scan3A_26 : i32 to index
        %get3A_923 = arith.constant 752 : index
        %get3A_924 = tpu.vector_load %arg9[%get3A_922, %get3A_923] {strides = array<i32>} : memref<16x1024xf32, #tpu.memory_space<vmem>>, vector<1x16xf32>,
        %get3A_925 = vector.shape_cast %get3A_924 : vector<1x16xf32> to vector<16xf32>
        %add3A_926 = arith.addf %get3A_921, %get3A_925 : vector<16xf32>
        %get3A_927 = arith.index_cast %scan3A_26 : i32 to index
        %get3A_928 = arith.constant 752 : index
        %get3A_929 = tpu.vector_load %arg10[%get3A_927, %get3A_928] {strides = array<i32>} : memref<16x1024xf32, #tpu.memory_space<vmem>>, vector<1x16xf32>,
        %get3A_930 = vector.shape_cast %get3A_929 : vector<1x16xf32> to vector<16xf32>
        %add3A_931 = arith.addf %add3A_926, %get3A_930 : vector<16xf32>
        %swap3A_932 = arith.index_cast %scan3A_26 : i32 to index
        %swap3A_933 = arith.constant 752 : index
        %swap3A_934 = tpu.vector_load %arg11[%swap3A_932, %swap3A_933] {strides = array<i32>} : memref<16x1024xf32, #tpu.memory_space<vmem>>, vector<1x16xf32>,
        %swap3A_935 = vector.shape_cast %swap3A_934 : vector<1x16xf32> to vector<16xf32>
        %swap3A_936 = vector.shape_cast %add3A_931 : vector<16xf32> to vector<1x16xf32>
        tpu.vector_store %arg11[%swap3A_932, %swap3A_933], %swap3A_936 {strides = array<i32>} : memref<16x1024xf32, #tpu.memory_space<vmem>>, vector<1x16xf32>,
        %get3A_937 = arith.index_cast %scan3A_26 : i32 to index
        %get3A_938 = arith.constant 768 : index
        %get3A_939 = tpu.vector_load %arg11[%get3A_937, %get3A_938] {strides = array<i32>} : memref<16x1024xf32, #tpu.memory_space<vmem>>, vector<1x16xf32>,
        %get3A_940 = vector.shape_cast %get3A_939 : vector<1x16xf32> to vector<16xf32>
        %get3A_941 = arith.index_cast %scan3A_26 : i32 to index
        %get3A_942 = arith.constant 768 : index
        %get3A_943 = tpu.vector_load %arg9[%get3A_941, %get3A_942] {strides = array<i32>} : memref<16x1024xf32, #tpu.memory_space<vmem>>, vector<1x16xf32>,
        %get3A_944 = vector.shape_cast %get3A_943 : vector<1x16xf32> to vector<16xf32>
        %add3A_945 = arith.addf %get3A_940, %get3A_944 : vector<16xf32>
        %get3A_946 = arith.index_cast %scan3A_26 : i32 to index
        %get3A_947 = arith.constant 768 : index
        %get3A_948 = tpu.vector_load %arg10[%get3A_946, %get3A_947] {strides = array<i32>} : memref<16x1024xf32, #tpu.memory_space<vmem>>, vector<1x16xf32>,
        %get3A_949 = vector.shape_cast %get3A_948 : vector<1x16xf32> to vector<16xf32>
        %add3A_950 = arith.addf %add3A_945, %get3A_949 : vector<16xf32>
        %swap3A_951 = arith.index_cast %scan3A_26 : i32 to index
        %swap3A_952 = arith.constant 768 : index
        %swap3A_953 = tpu.vector_load %arg11[%swap3A_951, %swap3A_952] {strides = array<i32>} : memref<16x1024xf32, #tpu.memory_space<vmem>>, vector<1x16xf32>,
        %swap3A_954 = vector.shape_cast %swap3A_953 : vector<1x16xf32> to vector<16xf32>
        %swap3A_955 = vector.shape_cast %add3A_950 : vector<16xf32> to vector<1x16xf32>
        tpu.vector_store %arg11[%swap3A_951, %swap3A_952], %swap3A_955 {strides = array<i32>} : memref<16x1024xf32, #tpu.memory_space<vmem>>, vector<1x16xf32>,
        %get3A_956 = arith.index_cast %scan3A_26 : i32 to index
        %get3A_957 = arith.constant 784 : index
        %get3A_958 = tpu.vector_load %arg11[%get3A_956, %get3A_957] {strides = array<i32>} : memref<16x1024xf32, #tpu.memory_space<vmem>>, vector<1x16xf32>,
        %get3A_959 = vector.shape_cast %get3A_958 : vector<1x16xf32> to vector<16xf32>
        %get3A_960 = arith.index_cast %scan3A_26 : i32 to index
        %get3A_961 = arith.constant 784 : index
        %get3A_962 = tpu.vector_load %arg9[%get3A_960, %get3A_961] {strides = array<i32>} : memref<16x1024xf32, #tpu.memory_space<vmem>>, vector<1x16xf32>,
        %get3A_963 = vector.shape_cast %get3A_962 : vector<1x16xf32> to vector<16xf32>
        %add3A_964 = arith.addf %get3A_959, %get3A_963 : vector<16xf32>
        %get3A_965 = arith.index_cast %scan3A_26 : i32 to index
        %get3A_966 = arith.constant 784 : index
        %get3A_967 = tpu.vector_load %arg10[%get3A_965, %get3A_966] {strides = array<i32>} : memref<16x1024xf32, #tpu.memory_space<vmem>>, vector<1x16xf32>,
        %get3A_968 = vector.shape_cast %get3A_967 : vector<1x16xf32> to vector<16xf32>
        %add3A_969 = arith.addf %add3A_964, %get3A_968 : vector<16xf32>
        %swap3A_970 = arith.index_cast %scan3A_26 : i32 to index
        %swap3A_971 = arith.constant 784 : index
        %swap3A_972 = tpu.vector_load %arg11[%swap3A_970, %swap3A_971] {strides = array<i32>} : memref<16x1024xf32, #tpu.memory_space<vmem>>, vector<1x16xf32>,
        %swap3A_973 = vector.shape_cast %swap3A_972 : vector<1x16xf32> to vector<16xf32>
        %swap3A_974 = vector.shape_cast %add3A_969 : vector<16xf32> to vector<1x16xf32>
        tpu.vector_store %arg11[%swap3A_970, %swap3A_971], %swap3A_974 {strides = array<i32>} : memref<16x1024xf32, #tpu.memory_space<vmem>>, vector<1x16xf32>,
        %get3A_975 = arith.index_cast %scan3A_26 : i32 to index
        %get3A_976 = arith.constant 800 : index
        %get3A_977 = tpu.vector_load %arg11[%get3A_975, %get3A_976] {strides = array<i32>} : memref<16x1024xf32, #tpu.memory_space<vmem>>, vector<1x16xf32>,
        %get3A_978 = vector.shape_cast %get3A_977 : vector<1x16xf32> to vector<16xf32>
        %get3A_979 = arith.index_cast %scan3A_26 : i32 to index
        %get3A_980 = arith.constant 800 : index
        %get3A_981 = tpu.vector_load %arg9[%get3A_979, %get3A_980] {strides = array<i32>} : memref<16x1024xf32, #tpu.memory_space<vmem>>, vector<1x16xf32>,
        %get3A_982 = vector.shape_cast %get3A_981 : vector<1x16xf32> to vector<16xf32>
        %add3A_983 = arith.addf %get3A_978, %get3A_982 : vector<16xf32>
        %get3A_984 = arith.index_cast %scan3A_26 : i32 to index
        %get3A_985 = arith.constant 800 : index
        %get3A_986 = tpu.vector_load %arg10[%get3A_984, %get3A_985] {strides = array<i32>} : memref<16x1024xf32, #tpu.memory_space<vmem>>, vector<1x16xf32>,
        %get3A_987 = vector.shape_cast %get3A_986 : vector<1x16xf32> to vector<16xf32>
        %add3A_988 = arith.addf %add3A_983, %get3A_987 : vector<16xf32>
        %swap3A_989 = arith.index_cast %scan3A_26 : i32 to index
        %swap3A_990 = arith.constant 800 : index
        %swap3A_991 = tpu.vector_load %arg11[%swap3A_989, %swap3A_990] {strides = array<i32>} : memref<16x1024xf32, #tpu.memory_space<vmem>>, vector<1x16xf32>,
        %swap3A_992 = vector.shape_cast %swap3A_991 : vector<1x16xf32> to vector<16xf32>
        %swap3A_993 = vector.shape_cast %add3A_988 : vector<16xf32> to vector<1x16xf32>
        tpu.vector_store %arg11[%swap3A_989, %swap3A_990], %swap3A_993 {strides = array<i32>} : memref<16x1024xf32, #tpu.memory_space<vmem>>, vector<1x16xf32>,
        %get3A_994 = arith.index_cast %scan3A_26 : i32 to index
        %get3A_995 = arith.constant 816 : index
        %get3A_996 = tpu.vector_load %arg11[%get3A_994, %get3A_995] {strides = array<i32>} : memref<16x1024xf32, #tpu.memory_space<vmem>>, vector<1x16xf32>,
        %get3A_997 = vector.shape_cast %get3A_996 : vector<1x16xf32> to vector<16xf32>
        %get3A_998 = arith.index_cast %scan3A_26 : i32 to index
        %get3A_999 = arith.constant 816 : index
        %get3A_1000 = tpu.vector_load %arg9[%get3A_998, %get3A_999] {strides = array<i32>} : memref<16x1024xf32, #tpu.memory_space<vmem>>, vector<1x16xf32>,
        %get3A_1001 = vector.shape_cast %get3A_1000 : vector<1x16xf32> to vector<16xf32>
        %add3A_1002 = arith.addf %get3A_997, %get3A_1001 : vector<16xf32>
        %get3A_1003 = arith.index_cast %scan3A_26 : i32 to index
        %get3A_1004 = arith.constant 816 : index
        %get3A_1005 = tpu.vector_load %arg10[%get3A_1003, %get3A_1004] {strides = array<i32>} : memref<16x1024xf32, #tpu.memory_space<vmem>>, vector<1x16xf32>,
        %get3A_1006 = vector.shape_cast %get3A_1005 : vector<1x16xf32> to vector<16xf32>
        %add3A_1007 = arith.addf %add3A_1002, %get3A_1006 : vector<16xf32>
        %swap3A_1008 = arith.index_cast %scan3A_26 : i32 to index
        %swap3A_1009 = arith.constant 816 : index
        %swap3A_1010 = tpu.vector_load %arg11[%swap3A_1008, %swap3A_1009] {strides = array<i32>} : memref<16x1024xf32, #tpu.memory_space<vmem>>, vector<1x16xf32>,
        %swap3A_1011 = vector.shape_cast %swap3A_1010 : vector<1x16xf32> to vector<16xf32>
        %swap3A_1012 = vector.shape_cast %add3A_1007 : vector<16xf32> to vector<1x16xf32>
        tpu.vector_store %arg11[%swap3A_1008, %swap3A_1009], %swap3A_1012 {strides = array<i32>} : memref<16x1024xf32, #tpu.memory_space<vmem>>, vector<1x16xf32>,
        %get3A_1013 = arith.index_cast %scan3A_26 : i32 to index
        %get3A_1014 = arith.constant 832 : index
        %get3A_1015 = tpu.vector_load %arg11[%get3A_1013, %get3A_1014] {strides = array<i32>} : memref<16x1024xf32, #tpu.memory_space<vmem>>, vector<1x16xf32>,
        %get3A_1016 = vector.shape_cast %get3A_1015 : vector<1x16xf32> to vector<16xf32>
        %get3A_1017 = arith.index_cast %scan3A_26 : i32 to index
        %get3A_1018 = arith.constant 832 : index
        %get3A_1019 = tpu.vector_load %arg9[%get3A_1017, %get3A_1018] {strides = array<i32>} : memref<16x1024xf32, #tpu.memory_space<vmem>>, vector<1x16xf32>,
        %get3A_1020 = vector.shape_cast %get3A_1019 : vector<1x16xf32> to vector<16xf32>
        %add3A_1021 = arith.addf %get3A_1016, %get3A_1020 : vector<16xf32>
        %get3A_1022 = arith.index_cast %scan3A_26 : i32 to index
        %get3A_1023 = arith.constant 832 : index
        %get3A_1024 = tpu.vector_load %arg10[%get3A_1022, %get3A_1023] {strides = array<i32>} : memref<16x1024xf32, #tpu.memory_space<vmem>>, vector<1x16xf32>,
        %get3A_1025 = vector.shape_cast %get3A_1024 : vector<1x16xf32> to vector<16xf32>
        %add3A_1026 = arith.addf %add3A_1021, %get3A_1025 : vector<16xf32>
        %swap3A_1027 = arith.index_cast %scan3A_26 : i32 to index
        %swap3A_1028 = arith.constant 832 : index
        %swap3A_1029 = tpu.vector_load %arg11[%swap3A_1027, %swap3A_1028] {strides = array<i32>} : memref<16x1024xf32, #tpu.memory_space<vmem>>, vector<1x16xf32>,
        %swap3A_1030 = vector.shape_cast %swap3A_1029 : vector<1x16xf32> to vector<16xf32>
        %swap3A_1031 = vector.shape_cast %add3A_1026 : vector<16xf32> to vector<1x16xf32>
        tpu.vector_store %arg11[%swap3A_1027, %swap3A_1028], %swap3A_1031 {strides = array<i32>} : memref<16x1024xf32, #tpu.memory_space<vmem>>, vector<1x16xf32>,
        %get3A_1032 = arith.index_cast %scan3A_26 : i32 to index
        %get3A_1033 = arith.constant 848 : index
        %get3A_1034 = tpu.vector_load %arg11[%get3A_1032, %get3A_1033] {strides = array<i32>} : memref<16x1024xf32, #tpu.memory_space<vmem>>, vector<1x16xf32>,
        %get3A_1035 = vector.shape_cast %get3A_1034 : vector<1x16xf32> to vector<16xf32>
        %get3A_1036 = arith.index_cast %scan3A_26 : i32 to index
        %get3A_1037 = arith.constant 848 : index
        %get3A_1038 = tpu.vector_load %arg9[%get3A_1036, %get3A_1037] {strides = array<i32>} : memref<16x1024xf32, #tpu.memory_space<vmem>>, vector<1x16xf32>,
        %get3A_1039 = vector.shape_cast %get3A_1038 : vector<1x16xf32> to vector<16xf32>
        %add3A_1040 = arith.addf %get3A_1035, %get3A_1039 : vector<16xf32>
        %get3A_1041 = arith.index_cast %scan3A_26 : i32 to index
        %get3A_1042 = arith.constant 848 : index
        %get3A_1043 = tpu.vector_load %arg10[%get3A_1041, %get3A_1042] {strides = array<i32>} : memref<16x1024xf32, #tpu.memory_space<vmem>>, vector<1x16xf32>,
        %get3A_1044 = vector.shape_cast %get3A_1043 : vector<1x16xf32> to vector<16xf32>
        %add3A_1045 = arith.addf %add3A_1040, %get3A_1044 : vector<16xf32>
        %swap3A_1046 = arith.index_cast %scan3A_26 : i32 to index
        %swap3A_1047 = arith.constant 848 : index
        %swap3A_1048 = tpu.vector_load %arg11[%swap3A_1046, %swap3A_1047] {strides = array<i32>} : memref<16x1024xf32, #tpu.memory_space<vmem>>, vector<1x16xf32>,
        %swap3A_1049 = vector.shape_cast %swap3A_1048 : vector<1x16xf32> to vector<16xf32>
        %swap3A_1050 = vector.shape_cast %add3A_1045 : vector<16xf32> to vector<1x16xf32>
        tpu.vector_store %arg11[%swap3A_1046, %swap3A_1047], %swap3A_1050 {strides = array<i32>} : memref<16x1024xf32, #tpu.memory_space<vmem>>, vector<1x16xf32>,
        %get3A_1051 = arith.index_cast %scan3A_26 : i32 to index
        %get3A_1052 = arith.constant 864 : index
        %get3A_1053 = tpu.vector_load %arg11[%get3A_1051, %get3A_1052] {strides = array<i32>} : memref<16x1024xf32, #tpu.memory_space<vmem>>, vector<1x16xf32>,
        %get3A_1054 = vector.shape_cast %get3A_1053 : vector<1x16xf32> to vector<16xf32>
        %get3A_1055 = arith.index_cast %scan3A_26 : i32 to index
        %get3A_1056 = arith.constant 864 : index
        %get3A_1057 = tpu.vector_load %arg9[%get3A_1055, %get3A_1056] {strides = array<i32>} : memref<16x1024xf32, #tpu.memory_space<vmem>>, vector<1x16xf32>,
        %get3A_1058 = vector.shape_cast %get3A_1057 : vector<1x16xf32> to vector<16xf32>
        %add3A_1059 = arith.addf %get3A_1054, %get3A_1058 : vector<16xf32>
        %get3A_1060 = arith.index_cast %scan3A_26 : i32 to index
        %get3A_1061 = arith.constant 864 : index
        %get3A_1062 = tpu.vector_load %arg10[%get3A_1060, %get3A_1061] {strides = array<i32>} : memref<16x1024xf32, #tpu.memory_space<vmem>>, vector<1x16xf32>,
        %get3A_1063 = vector.shape_cast %get3A_1062 : vector<1x16xf32> to vector<16xf32>
        %add3A_1064 = arith.addf %add3A_1059, %get3A_1063 : vector<16xf32>
        %swap3A_1065 = arith.index_cast %scan3A_26 : i32 to index
        %swap3A_1066 = arith.constant 864 : index
        %swap3A_1067 = tpu.vector_load %arg11[%swap3A_1065, %swap3A_1066] {strides = array<i32>} : memref<16x1024xf32, #tpu.memory_space<vmem>>, vector<1x16xf32>,
        %swap3A_1068 = vector.shape_cast %swap3A_1067 : vector<1x16xf32> to vector<16xf32>
        %swap3A_1069 = vector.shape_cast %add3A_1064 : vector<16xf32> to vector<1x16xf32>
        tpu.vector_store %arg11[%swap3A_1065, %swap3A_1066], %swap3A_1069 {strides = array<i32>} : memref<16x1024xf32, #tpu.memory_space<vmem>>, vector<1x16xf32>,
        %get3A_1070 = arith.index_cast %scan3A_26 : i32 to index
        %get3A_1071 = arith.constant 880 : index
        %get3A_1072 = tpu.vector_load %arg11[%get3A_1070, %get3A_1071] {strides = array<i32>} : memref<16x1024xf32, #tpu.memory_space<vmem>>, vector<1x16xf32>,
        %get3A_1073 = vector.shape_cast %get3A_1072 : vector<1x16xf32> to vector<16xf32>
        %get3A_1074 = arith.index_cast %scan3A_26 : i32 to index
        %get3A_1075 = arith.constant 880 : index
        %get3A_1076 = tpu.vector_load %arg9[%get3A_1074, %get3A_1075] {strides = array<i32>} : memref<16x1024xf32, #tpu.memory_space<vmem>>, vector<1x16xf32>,
        %get3A_1077 = vector.shape_cast %get3A_1076 : vector<1x16xf32> to vector<16xf32>
        %add3A_1078 = arith.addf %get3A_1073, %get3A_1077 : vector<16xf32>
        %get3A_1079 = arith.index_cast %scan3A_26 : i32 to index
        %get3A_1080 = arith.constant 880 : index
        %get3A_1081 = tpu.vector_load %arg10[%get3A_1079, %get3A_1080] {strides = array<i32>} : memref<16x1024xf32, #tpu.memory_space<vmem>>, vector<1x16xf32>,
        %get3A_1082 = vector.shape_cast %get3A_1081 : vector<1x16xf32> to vector<16xf32>
        %add3A_1083 = arith.addf %add3A_1078, %get3A_1082 : vector<16xf32>
        %swap3A_1084 = arith.index_cast %scan3A_26 : i32 to index
        %swap3A_1085 = arith.constant 880 : index
        %swap3A_1086 = tpu.vector_load %arg11[%swap3A_1084, %swap3A_1085] {strides = array<i32>} : memref<16x1024xf32, #tpu.memory_space<vmem>>, vector<1x16xf32>,
        %swap3A_1087 = vector.shape_cast %swap3A_1086 : vector<1x16xf32> to vector<16xf32>
        %swap3A_1088 = vector.shape_cast %add3A_1083 : vector<16xf32> to vector<1x16xf32>
        tpu.vector_store %arg11[%swap3A_1084, %swap3A_1085], %swap3A_1088 {strides = array<i32>} : memref<16x1024xf32, #tpu.memory_space<vmem>>, vector<1x16xf32>,
        %get3A_1089 = arith.index_cast %scan3A_26 : i32 to index
        %get3A_1090 = arith.constant 896 : index
        %get3A_1091 = tpu.vector_load %arg11[%get3A_1089, %get3A_1090] {strides = array<i32>} : memref<16x1024xf32, #tpu.memory_space<vmem>>, vector<1x16xf32>,
        %get3A_1092 = vector.shape_cast %get3A_1091 : vector<1x16xf32> to vector<16xf32>
        %get3A_1093 = arith.index_cast %scan3A_26 : i32 to index
        %get3A_1094 = arith.constant 896 : index
        %get3A_1095 = tpu.vector_load %arg9[%get3A_1093, %get3A_1094] {strides = array<i32>} : memref<16x1024xf32, #tpu.memory_space<vmem>>, vector<1x16xf32>,
        %get3A_1096 = vector.shape_cast %get3A_1095 : vector<1x16xf32> to vector<16xf32>
        %add3A_1097 = arith.addf %get3A_1092, %get3A_1096 : vector<16xf32>
        %get3A_1098 = arith.index_cast %scan3A_26 : i32 to index
        %get3A_1099 = arith.constant 896 : index
        %get3A_1100 = tpu.vector_load %arg10[%get3A_1098, %get3A_1099] {strides = array<i32>} : memref<16x1024xf32, #tpu.memory_space<vmem>>, vector<1x16xf32>,
        %get3A_1101 = vector.shape_cast %get3A_1100 : vector<1x16xf32> to vector<16xf32>
        %add3A_1102 = arith.addf %add3A_1097, %get3A_1101 : vector<16xf32>
        %swap3A_1103 = arith.index_cast %scan3A_26 : i32 to index
        %swap3A_1104 = arith.constant 896 : index
        %swap3A_1105 = tpu.vector_load %arg11[%swap3A_1103, %swap3A_1104] {strides = array<i32>} : memref<16x1024xf32, #tpu.memory_space<vmem>>, vector<1x16xf32>,
        %swap3A_1106 = vector.shape_cast %swap3A_1105 : vector<1x16xf32> to vector<16xf32>
        %swap3A_1107 = vector.shape_cast %add3A_1102 : vector<16xf32> to vector<1x16xf32>
        tpu.vector_store %arg11[%swap3A_1103, %swap3A_1104], %swap3A_1107 {strides = array<i32>} : memref<16x1024xf32, #tpu.memory_space<vmem>>, vector<1x16xf32>,
        %get3A_1108 = arith.index_cast %scan3A_26 : i32 to index
        %get3A_1109 = arith.constant 912 : index
        %get3A_1110 = tpu.vector_load %arg11[%get3A_1108, %get3A_1109] {strides = array<i32>} : memref<16x1024xf32, #tpu.memory_space<vmem>>, vector<1x16xf32>,
        %get3A_1111 = vector.shape_cast %get3A_1110 : vector<1x16xf32> to vector<16xf32>
        %get3A_1112 = arith.index_cast %scan3A_26 : i32 to index
        %get3A_1113 = arith.constant 912 : index
        %get3A_1114 = tpu.vector_load %arg9[%get3A_1112, %get3A_1113] {strides = array<i32>} : memref<16x1024xf32, #tpu.memory_space<vmem>>, vector<1x16xf32>,
        %get3A_1115 = vector.shape_cast %get3A_1114 : vector<1x16xf32> to vector<16xf32>
        %add3A_1116 = arith.addf %get3A_1111, %get3A_1115 : vector<16xf32>
        %get3A_1117 = arith.index_cast %scan3A_26 : i32 to index
        %get3A_1118 = arith.constant 912 : index
        %get3A_1119 = tpu.vector_load %arg10[%get3A_1117, %get3A_1118] {strides = array<i32>} : memref<16x1024xf32, #tpu.memory_space<vmem>>, vector<1x16xf32>,
        %get3A_1120 = vector.shape_cast %get3A_1119 : vector<1x16xf32> to vector<16xf32>
        %add3A_1121 = arith.addf %add3A_1116, %get3A_1120 : vector<16xf32>
        %swap3A_1122 = arith.index_cast %scan3A_26 : i32 to index
        %swap3A_1123 = arith.constant 912 : index
        %swap3A_1124 = tpu.vector_load %arg11[%swap3A_1122, %swap3A_1123] {strides = array<i32>} : memref<16x1024xf32, #tpu.memory_space<vmem>>, vector<1x16xf32>,
        %swap3A_1125 = vector.shape_cast %swap3A_1124 : vector<1x16xf32> to vector<16xf32>
        %swap3A_1126 = vector.shape_cast %add3A_1121 : vector<16xf32> to vector<1x16xf32>
        tpu.vector_store %arg11[%swap3A_1122, %swap3A_1123], %swap3A_1126 {strides = array<i32>} : memref<16x1024xf32, #tpu.memory_space<vmem>>, vector<1x16xf32>,
        %get3A_1127 = arith.index_cast %scan3A_26 : i32 to index
        %get3A_1128 = arith.constant 928 : index
        %get3A_1129 = tpu.vector_load %arg11[%get3A_1127, %get3A_1128] {strides = array<i32>} : memref<16x1024xf32, #tpu.memory_space<vmem>>, vector<1x16xf32>,
        %get3A_1130 = vector.shape_cast %get3A_1129 : vector<1x16xf32> to vector<16xf32>
        %get3A_1131 = arith.index_cast %scan3A_26 : i32 to index
        %get3A_1132 = arith.constant 928 : index
        %get3A_1133 = tpu.vector_load %arg9[%get3A_1131, %get3A_1132] {strides = array<i32>} : memref<16x1024xf32, #tpu.memory_space<vmem>>, vector<1x16xf32>,
        %get3A_1134 = vector.shape_cast %get3A_1133 : vector<1x16xf32> to vector<16xf32>
        %add3A_1135 = arith.addf %get3A_1130, %get3A_1134 : vector<16xf32>
        %get3A_1136 = arith.index_cast %scan3A_26 : i32 to index
        %get3A_1137 = arith.constant 928 : index
        %get3A_1138 = tpu.vector_load %arg10[%get3A_1136, %get3A_1137] {strides = array<i32>} : memref<16x1024xf32, #tpu.memory_space<vmem>>, vector<1x16xf32>,
        %get3A_1139 = vector.shape_cast %get3A_1138 : vector<1x16xf32> to vector<16xf32>
        %add3A_1140 = arith.addf %add3A_1135, %get3A_1139 : vector<16xf32>
        %swap3A_1141 = arith.index_cast %scan3A_26 : i32 to index
        %swap3A_1142 = arith.constant 928 : index
        %swap3A_1143 = tpu.vector_load %arg11[%swap3A_1141, %swap3A_1142] {strides = array<i32>} : memref<16x1024xf32, #tpu.memory_space<vmem>>, vector<1x16xf32>,
        %swap3A_1144 = vector.shape_cast %swap3A_1143 : vector<1x16xf32> to vector<16xf32>
        %swap3A_1145 = vector.shape_cast %add3A_1140 : vector<16xf32> to vector<1x16xf32>
        tpu.vector_store %arg11[%swap3A_1141, %swap3A_1142], %swap3A_1145 {strides = array<i32>} : memref<16x1024xf32, #tpu.memory_space<vmem>>, vector<1x16xf32>,
        %get3A_1146 = arith.index_cast %scan3A_26 : i32 to index
        %get3A_1147 = arith.constant 944 : index
        %get3A_1148 = tpu.vector_load %arg11[%get3A_1146, %get3A_1147] {strides = array<i32>} : memref<16x1024xf32, #tpu.memory_space<vmem>>, vector<1x16xf32>,
        %get3A_1149 = vector.shape_cast %get3A_1148 : vector<1x16xf32> to vector<16xf32>
        %get3A_1150 = arith.index_cast %scan3A_26 : i32 to index
        %get3A_1151 = arith.constant 944 : index
        %get3A_1152 = tpu.vector_load %arg9[%get3A_1150, %get3A_1151] {strides = array<i32>} : memref<16x1024xf32, #tpu.memory_space<vmem>>, vector<1x16xf32>,
        %get3A_1153 = vector.shape_cast %get3A_1152 : vector<1x16xf32> to vector<16xf32>
        %add3A_1154 = arith.addf %get3A_1149, %get3A_1153 : vector<16xf32>
        %get3A_1155 = arith.index_cast %scan3A_26 : i32 to index
        %get3A_1156 = arith.constant 944 : index
        %get3A_1157 = tpu.vector_load %arg10[%get3A_1155, %get3A_1156] {strides = array<i32>} : memref<16x1024xf32, #tpu.memory_space<vmem>>, vector<1x16xf32>,
        %get3A_1158 = vector.shape_cast %get3A_1157 : vector<1x16xf32> to vector<16xf32>
        %add3A_1159 = arith.addf %add3A_1154, %get3A_1158 : vector<16xf32>
        %swap3A_1160 = arith.index_cast %scan3A_26 : i32 to index
        %swap3A_1161 = arith.constant 944 : index
        %swap3A_1162 = tpu.vector_load %arg11[%swap3A_1160, %swap3A_1161] {strides = array<i32>} : memref<16x1024xf32, #tpu.memory_space<vmem>>, vector<1x16xf32>,
        %swap3A_1163 = vector.shape_cast %swap3A_1162 : vector<1x16xf32> to vector<16xf32>
        %swap3A_1164 = vector.shape_cast %add3A_1159 : vector<16xf32> to vector<1x16xf32>
        tpu.vector_store %arg11[%swap3A_1160, %swap3A_1161], %swap3A_1164 {strides = array<i32>} : memref<16x1024xf32, #tpu.memory_space<vmem>>, vector<1x16xf32>,
        %get3A_1165 = arith.index_cast %scan3A_26 : i32 to index
        %get3A_1166 = arith.constant 960 : index
        %get3A_1167 = tpu.vector_load %arg11[%get3A_1165, %get3A_1166] {strides = array<i32>} : memref<16x1024xf32, #tpu.memory_space<vmem>>, vector<1x16xf32>,
        %get3A_1168 = vector.shape_cast %get3A_1167 : vector<1x16xf32> to vector<16xf32>
        %get3A_1169 = arith.index_cast %scan3A_26 : i32 to index
        %get3A_1170 = arith.constant 960 : index
        %get3A_1171 = tpu.vector_load %arg9[%get3A_1169, %get3A_1170] {strides = array<i32>} : memref<16x1024xf32, #tpu.memory_space<vmem>>, vector<1x16xf32>,
        %get3A_1172 = vector.shape_cast %get3A_1171 : vector<1x16xf32> to vector<16xf32>
        %add3A_1173 = arith.addf %get3A_1168, %get3A_1172 : vector<16xf32>
        %get3A_1174 = arith.index_cast %scan3A_26 : i32 to index
        %get3A_1175 = arith.constant 960 : index
        %get3A_1176 = tpu.vector_load %arg10[%get3A_1174, %get3A_1175] {strides = array<i32>} : memref<16x1024xf32, #tpu.memory_space<vmem>>, vector<1x16xf32>,
        %get3A_1177 = vector.shape_cast %get3A_1176 : vector<1x16xf32> to vector<16xf32>
        %add3A_1178 = arith.addf %add3A_1173, %get3A_1177 : vector<16xf32>
        %swap3A_1179 = arith.index_cast %scan3A_26 : i32 to index
        %swap3A_1180 = arith.constant 960 : index
        %swap3A_1181 = tpu.vector_load %arg11[%swap3A_1179, %swap3A_1180] {strides = array<i32>} : memref<16x1024xf32, #tpu.memory_space<vmem>>, vector<1x16xf32>,
        %swap3A_1182 = vector.shape_cast %swap3A_1181 : vector<1x16xf32> to vector<16xf32>
        %swap3A_1183 = vector.shape_cast %add3A_1178 : vector<16xf32> to vector<1x16xf32>
        tpu.vector_store %arg11[%swap3A_1179, %swap3A_1180], %swap3A_1183 {strides = array<i32>} : memref<16x1024xf32, #tpu.memory_space<vmem>>, vector<1x16xf32>,
        %get3A_1184 = arith.index_cast %scan3A_26 : i32 to index
        %get3A_1185 = arith.constant 976 : index
        %get3A_1186 = tpu.vector_load %arg11[%get3A_1184, %get3A_1185] {strides = array<i32>} : memref<16x1024xf32, #tpu.memory_space<vmem>>, vector<1x16xf32>,
        %get3A_1187 = vector.shape_cast %get3A_1186 : vector<1x16xf32> to vector<16xf32>
        %get3A_1188 = arith.index_cast %scan3A_26 : i32 to index
        %get3A_1189 = arith.constant 976 : index
        %get3A_1190 = tpu.vector_load %arg9[%get3A_1188, %get3A_1189] {strides = array<i32>} : memref<16x1024xf32, #tpu.memory_space<vmem>>, vector<1x16xf32>,
        %get3A_1191 = vector.shape_cast %get3A_1190 : vector<1x16xf32> to vector<16xf32>
        %add3A_1192 = arith.addf %get3A_1187, %get3A_1191 : vector<16xf32>
        %get3A_1193 = arith.index_cast %scan3A_26 : i32 to index
        %get3A_1194 = arith.constant 976 : index
        %get3A_1195 = tpu.vector_load %arg10[%get3A_1193, %get3A_1194] {strides = array<i32>} : memref<16x1024xf32, #tpu.memory_space<vmem>>, vector<1x16xf32>,
        %get3A_1196 = vector.shape_cast %get3A_1195 : vector<1x16xf32> to vector<16xf32>
        %add3A_1197 = arith.addf %add3A_1192, %get3A_1196 : vector<16xf32>
        %swap3A_1198 = arith.index_cast %scan3A_26 : i32 to index
        %swap3A_1199 = arith.constant 976 : index
        %swap3A_1200 = tpu.vector_load %arg11[%swap3A_1198, %swap3A_1199] {strides = array<i32>} : memref<16x1024xf32, #tpu.memory_space<vmem>>, vector<1x16xf32>,
        %swap3A_1201 = vector.shape_cast %swap3A_1200 : vector<1x16xf32> to vector<16xf32>
        %swap3A_1202 = vector.shape_cast %add3A_1197 : vector<16xf32> to vector<1x16xf32>
        tpu.vector_store %arg11[%swap3A_1198, %swap3A_1199], %swap3A_1202 {strides = array<i32>} : memref<16x1024xf32, #tpu.memory_space<vmem>>, vector<1x16xf32>,
        %get3A_1203 = arith.index_cast %scan3A_26 : i32 to index
        %get3A_1204 = arith.constant 992 : index
        %get3A_1205 = tpu.vector_load %arg11[%get3A_1203, %get3A_1204] {strides = array<i32>} : memref<16x1024xf32, #tpu.memory_space<vmem>>, vector<1x16xf32>,
        %get3A_1206 = vector.shape_cast %get3A_1205 : vector<1x16xf32> to vector<16xf32>
        %get3A_1207 = arith.index_cast %scan3A_26 : i32 to index
        %get3A_1208 = arith.constant 992 : index
        %get3A_1209 = tpu.vector_load %arg9[%get3A_1207, %get3A_1208] {strides = array<i32>} : memref<16x1024xf32, #tpu.memory_space<vmem>>, vector<1x16xf32>,
        %get3A_1210 = vector.shape_cast %get3A_1209 : vector<1x16xf32> to vector<16xf32>
        %add3A_1211 = arith.addf %get3A_1206, %get3A_1210 : vector<16xf32>
        %get3A_1212 = arith.index_cast %scan3A_26 : i32 to index
        %get3A_1213 = arith.constant 992 : index
        %get3A_1214 = tpu.vector_load %arg10[%get3A_1212, %get3A_1213] {strides = array<i32>} : memref<16x1024xf32, #tpu.memory_space<vmem>>, vector<1x16xf32>,
        %get3A_1215 = vector.shape_cast %get3A_1214 : vector<1x16xf32> to vector<16xf32>
        %add3A_1216 = arith.addf %add3A_1211, %get3A_1215 : vector<16xf32>
        %swap3A_1217 = arith.index_cast %scan3A_26 : i32 to index
        %swap3A_1218 = arith.constant 992 : index
        %swap3A_1219 = tpu.vector_load %arg11[%swap3A_1217, %swap3A_1218] {strides = array<i32>} : memref<16x1024xf32, #tpu.memory_space<vmem>>, vector<1x16xf32>,
        %swap3A_1220 = vector.shape_cast %swap3A_1219 : vector<1x16xf32> to vector<16xf32>
        %swap3A_1221 = vector.shape_cast %add3A_1216 : vector<16xf32> to vector<1x16xf32>
        tpu.vector_store %arg11[%swap3A_1217, %swap3A_1218], %swap3A_1221 {strides = array<i32>} : memref<16x1024xf32, #tpu.memory_space<vmem>>, vector<1x16xf32>,
        %get3A_1222 = arith.index_cast %scan3A_26 : i32 to index
        %get3A_1223 = arith.constant 1008 : index
        %get3A_1224 = tpu.vector_load %arg11[%get3A_1222, %get3A_1223] {strides = array<i32>} : memref<16x1024xf32, #tpu.memory_space<vmem>>, vector<1x16xf32>,
        %get3A_1225 = vector.shape_cast %get3A_1224 : vector<1x16xf32> to vector<16xf32>
        %get3A_1226 = arith.index_cast %scan3A_26 : i32 to index
        %get3A_1227 = arith.constant 1008 : index
        %get3A_1228 = tpu.vector_load %arg9[%get3A_1226, %get3A_1227] {strides = array<i32>} : memref<16x1024xf32, #tpu.memory_space<vmem>>, vector<1x16xf32>,
        %get3A_1229 = vector.shape_cast %get3A_1228 : vector<1x16xf32> to vector<16xf32>
        %add3A_1230 = arith.addf %get3A_1225, %get3A_1229 : vector<16xf32>
        %get3A_1231 = arith.index_cast %scan3A_26 : i32 to index
        %get3A_1232 = arith.constant 1008 : index
        %get3A_1233 = tpu.vector_load %arg10[%get3A_1231, %get3A_1232] {strides = array<i32>} : memref<16x1024xf32, #tpu.memory_space<vmem>>, vector<1x16xf32>,
        %get3A_1234 = vector.shape_cast %get3A_1233 : vector<1x16xf32> to vector<16xf32>
        %add3A_1235 = arith.addf %add3A_1230, %get3A_1234 : vector<16xf32>
        %swap3A_1236 = arith.index_cast %scan3A_26 : i32 to index
        %swap3A_1237 = arith.constant 1008 : index
        %swap3A_1238 = tpu.vector_load %arg11[%swap3A_1236, %swap3A_1237] {strides = array<i32>} : memref<16x1024xf32, #tpu.memory_space<vmem>>, vector<1x16xf32>,
        %swap3A_1239 = vector.shape_cast %swap3A_1238 : vector<1x16xf32> to vector<16xf32>
        %swap3A_1240 = vector.shape_cast %add3A_1235 : vector<16xf32> to vector<1x16xf32>
        tpu.vector_store %arg11[%swap3A_1236, %swap3A_1237], %swap3A_1240 {strides = array<i32>} : memref<16x1024xf32, #tpu.memory_space<vmem>>, vector<1x16xf32>,
      }
      %scan3A_25 = arith.constant 16 : i32
      "tpu.region"() ({
        %run_scoped3A = tpu.sem_alloc : memref<!tpu.dma_semaphore, #tpu.memory_space<semaphore_mem>>
        %dma_start3A_26 = arith.constant 0 : i32
        %dma_start3A_27 = tpu.memref_slice %arg6[%add3A_10, %dma_start3A_26] : memref<2048x1024xf32, #tpu.memory_space<hbm>> -> memref<16x1024xf32, #tpu.memory_space<hbm>>
        %dma_start3A_28 = arith.constant 0 : i32
        %dma_start3A_29 = tpu.memref_slice %arg6[%add3A_10, %dma_start3A_28] : memref<2048x1024xf32, #tpu.memory_space<hbm>> -> memref<16x1024xf32, #tpu.memory_space<hbm>>
        tpu.enqueue_dma source(%arg11 : memref<16x1024xf32, #tpu.memory_space<vmem>>) target(%dma_start3A_29 : memref<16x1024xf32, #tpu.memory_space<hbm>>) target_semaphore(%run_scoped3A : memref<!tpu.dma_semaphore, #tpu.memory_space<semaphore_mem>>)
        %dma_wait3A_30 = arith.constant 0 : i32
        %dma_wait3A_31 = tpu.memref_slice %arg6[%add3A_10, %dma_wait3A_30] : memref<2048x1024xf32, #tpu.memory_space<hbm>> -> memref<16x1024xf32, #tpu.memory_space<hbm>>
        %dma_wait3A_32 = arith.constant 0 : i32
        %dma_wait3A_33 = tpu.memref_slice %arg6[%add3A_10, %dma_wait3A_32] : memref<2048x1024xf32, #tpu.memory_space<hbm>> -> memref<16x1024xf32, #tpu.memory_space<hbm>>
        tpu.wait_dma2 semaphore(%run_scoped3A : memref<!tpu.dma_semaphore, #tpu.memory_space<semaphore_mem>>) src(%arg11 : memref<16x1024xf32, #tpu.memory_space<vmem>>) dst(%dma_wait3A_33 : memref<16x1024xf32, #tpu.memory_space<hbm>>)
        tpu.yield
      }) : () -> ()
    }
    %scan3A_4 = arith.constant 4 : i32
    return
  }
}

module attributes {stable_mosaic.version = 14 : i64} {
  func.func @_router_body(%arg0: i32, %arg1: memref<256x1024xf32, #tpu.memory_space<vmem>>, %arg2: memref<1x1024xf32, #tpu.memory_space<vmem>>, %arg3: memref<1x1024xf32, #tpu.memory_space<vmem>>, %arg4: memref<8x1024xf32, #tpu.memory_space<vmem>>, %arg5: memref<256x1024xbf16, #tpu.memory_space<vmem>>, %arg6: memref<256x8xf32, #tpu.memory_space<vmem>>) attributes {dimension_semantics = [#tpu.dimension_semantics<arbitrary>], iteration_bounds = array<i64: 8>, scalar_prefetch = 0 : i64, scratch_operands = 0 : i64, tpu.core_type = #tpu.core_type<tc>, window_params = [{transform_indices = @transform_0, window_bounds = array<i64: 256, 1024>}, {pipeline_mode = #tpu.pipeline_mode<synchronous>, transform_indices = @transform_1, window_bounds = array<i64: 1, 1024>}, {pipeline_mode = #tpu.pipeline_mode<synchronous>, transform_indices = @transform_2, window_bounds = array<i64: 1, 1024>}, {pipeline_mode = #tpu.pipeline_mode<synchronous>, transform_indices = @transform_3, window_bounds = array<i64: 8, 1024>}, {transform_indices = @transform_4, window_bounds = array<i64: 256, 1024>}, {transform_indices = @transform_5, window_bounds = array<i64: 256, 8>}]} {
    %get3A = arith.constant 0 : index
    %get3A_0 = arith.constant 0 : index
    %get3A_1 = vector.load %arg1[%get3A, %get3A_0] : memref<256x1024xf32, #tpu.memory_space<vmem>>, vector<256x1024xf32>
    %reduce_sum3A = arith.constant dense<0.000000e+00> : vector<256xf32>
    %reduce_sum3A_2 = vector.multi_reduction <add>, %get3A_1, %reduce_sum3A [1] : vector<256x1024xf32> to vector<256xf32>
    %broadcast_in_dim3A = vector.shape_cast %reduce_sum3A_2 : vector<256xf32> to vector<256x1xf32>
    %div3A = arith.constant 1.024000e+03 : f32
    %div3A_3 = vector.broadcast %div3A : f32 to vector<256x1xf32>
    %div3A_4 = arith.divf %broadcast_in_dim3A, %div3A_3 : vector<256x1xf32>
    %sub3A = vector.broadcast %div3A_4 : vector<256x1xf32> to vector<256x1024xf32>
    %sub3A_5 = arith.subf %get3A_1, %sub3A : vector<256x1024xf32>
    %integer_pow3A = arith.mulf %sub3A_5, %sub3A_5 : vector<256x1024xf32>
    %reduce_sum3A_6 = arith.constant dense<0.000000e+00> : vector<256xf32>
    %reduce_sum3A_7 = vector.multi_reduction <add>, %integer_pow3A, %reduce_sum3A_6 [1] : vector<256x1024xf32> to vector<256xf32>
    %broadcast_in_dim3A_8 = vector.shape_cast %reduce_sum3A_7 : vector<256xf32> to vector<256x1xf32>
    %div3A_9 = arith.constant 1.024000e+03 : f32
    %div3A_10 = vector.broadcast %div3A_9 : f32 to vector<256x1xf32>
    %div3A_11 = arith.divf %broadcast_in_dim3A_8, %div3A_10 : vector<256x1xf32>
    %sub3A_12 = vector.broadcast %div3A_4 : vector<256x1xf32> to vector<256x1024xf32>
    %sub3A_13 = arith.subf %get3A_1, %sub3A_12 : vector<256x1024xf32>
    %add3A = arith.constant 9.99999974E-6 : f32
    %add3A_14 = vector.broadcast %add3A : f32 to vector<256x1xf32>
    %add3A_15 = arith.addf %div3A_11, %add3A_14 : vector<256x1xf32>
    %rsqrt3A = math.rsqrt %add3A_15 : vector<256x1xf32>
    %mul3A = vector.broadcast %rsqrt3A : vector<256x1xf32> to vector<256x1024xf32>
    %mul3A_16 = arith.mulf %sub3A_13, %mul3A : vector<256x1024xf32>
    %get3A_17 = arith.constant 0 : index
    %get3A_18 = arith.constant 0 : index
    %get3A_19 = vector.load %arg2[%get3A_17, %get3A_18] : memref<1x1024xf32, #tpu.memory_space<vmem>>, vector<1x1024xf32>
    %mul3A_20 = vector.broadcast %get3A_19 : vector<1x1024xf32> to vector<256x1024xf32>
    %mul3A_21 = arith.mulf %mul3A_16, %mul3A_20 : vector<256x1024xf32>
    %get3A_22 = arith.constant 0 : index
    %get3A_23 = arith.constant 0 : index
    %get3A_24 = vector.load %arg3[%get3A_22, %get3A_23] : memref<1x1024xf32, #tpu.memory_space<vmem>>, vector<1x1024xf32>
    %add3A_25 = vector.broadcast %get3A_24 : vector<1x1024xf32> to vector<256x1024xf32>
    %add3A_26 = arith.addf %mul3A_21, %add3A_25 : vector<256x1024xf32>
    %convert_element_type3A = arith.truncf %add3A_26 : vector<256x1024xf32> to vector<256x1024xbf16>
    %swap3A = arith.constant 0 : index
    %swap3A_27 = arith.constant 0 : index
    %swap3A_28 = vector.load %arg5[%swap3A, %swap3A_27] : memref<256x1024xbf16, #tpu.memory_space<vmem>>, vector<256x1024xbf16>
    tpu.vector_store %arg5[%swap3A, %swap3A_27], %convert_element_type3A {strides = array<i32>} : memref<256x1024xbf16, #tpu.memory_space<vmem>>, vector<256x1024xbf16>,
    %get3A_29 = arith.constant 0 : index
    %get3A_30 = arith.constant 0 : index
    %get3A_31 = vector.load %arg4[%get3A_29, %get3A_30] : memref<8x1024xf32, #tpu.memory_space<vmem>>, vector<8x1024xf32>
    %dot_general3A = arith.constant dense<0.000000e+00> : vector<256x8xf32>
    %dot_general3A_32 = tpu.matmul %add3A_26, %get3A_31, %dot_general3A {dimension_numbers = #tpu.dot_dimension_numbers<[1], [1], [0], [0], [0, 0, 1, 0], [], []>, transpose_lhs_hint = false} : vector<256x1024xf32>, vector<8x1024xf32>, vector<256x8xf32> -> vector<256x8xf32>
    %mul3A_33 = arith.constant 0.666666686 : f32
    %mul3A_34 = vector.broadcast %mul3A_33 : f32 to vector<256x8xf32>
    %mul3A_35 = arith.mulf %dot_general3A_32, %mul3A_34 : vector<256x8xf32>
    %reduce_max3A = arith.constant dense<0xFF800000> : vector<256xf32>
    %reduce_max3A_36 = vector.multi_reduction <maximumf>, %mul3A_35, %reduce_max3A [1] : vector<256x8xf32> to vector<256xf32>
    %broadcast_in_dim3A_37 = vector.shape_cast %reduce_max3A_36 : vector<256xf32> to vector<256x1xf32>
    %sub3A_38 = vector.broadcast %broadcast_in_dim3A_37 : vector<256x1xf32> to vector<256x8xf32>
    %sub3A_39 = arith.subf %mul3A_35, %sub3A_38 : vector<256x8xf32>
    %exp3A = math.exp %sub3A_39 : vector<256x8xf32>
    %reduce_sum3A_40 = arith.constant dense<0.000000e+00> : vector<256xf32>
    %reduce_sum3A_41 = vector.multi_reduction <add>, %exp3A, %reduce_sum3A_40 [1] : vector<256x8xf32> to vector<256xf32>
    %broadcast_in_dim3A_42 = vector.shape_cast %reduce_sum3A_41 : vector<256xf32> to vector<256x1xf32>
    %div3A_43 = vector.broadcast %broadcast_in_dim3A_42 : vector<256x1xf32> to vector<256x8xf32>
    %div3A_44 = arith.divf %exp3A, %div3A_43 : vector<256x8xf32>
    %swap3A_45 = arith.constant 0 : index
    %swap3A_46 = arith.constant 0 : index
    %swap3A_47 = vector.load %arg6[%swap3A_45, %swap3A_46] : memref<256x8xf32, #tpu.memory_space<vmem>>, vector<256x8xf32>
    tpu.vector_store %arg6[%swap3A_45, %swap3A_46], %div3A_44 {strides = array<i32>} : memref<256x8xf32, #tpu.memory_space<vmem>>, vector<256x8xf32>,
    return
  }
  func.func @transform_0(%arg0: i32) -> (i32, i32) {
    %c0_i32 = arith.constant 0 : i32
    %c0_i32_0 = arith.constant 0 : i32
    return %arg0, %c0_i32 : i32, i32
  }
  func.func @transform_1(%arg0: i32) -> (i32, i32) {
    %c0_i32 = arith.constant 0 : i32
    %c0_i32_0 = arith.constant 0 : i32
    %c0_i32_1 = arith.constant 0 : i32
    return %c0_i32, %c0_i32_0 : i32, i32
  }
  func.func @transform_2(%arg0: i32) -> (i32, i32) {
    %c0_i32 = arith.constant 0 : i32
    %c0_i32_0 = arith.constant 0 : i32
    %c0_i32_1 = arith.constant 0 : i32
    return %c0_i32, %c0_i32_0 : i32, i32
  }
  func.func @transform_3(%arg0: i32) -> (i32, i32) {
    %c0_i32 = arith.constant 0 : i32
    %c0_i32_0 = arith.constant 0 : i32
    %c0_i32_1 = arith.constant 0 : i32
    return %c0_i32, %c0_i32_0 : i32, i32
  }
  func.func @transform_4(%arg0: i32) -> (i32, i32) {
    %c0_i32 = arith.constant 0 : i32
    %c0_i32_0 = arith.constant 0 : i32
    return %arg0, %c0_i32 : i32, i32
  }
  func.func @transform_5(%arg0: i32) -> (i32, i32) {
    %c0_i32 = arith.constant 0 : i32
    %c0_i32_0 = arith.constant 0 : i32
    return %arg0, %c0_i32 : i32, i32
  }
}

module attributes {stable_mosaic.version = 14 : i64} {
  func.func @_mm_body(%arg0: i32, %arg1: i32, %arg2: memref<16xi32, #tpu.memory_space<smem>>, %arg3: memref<16xi32, #tpu.memory_space<smem>>, %arg4: memref<16xi32, #tpu.memory_space<smem>>, %arg5: memref<16xi32, #tpu.memory_space<smem>>, %arg6: memref<2048x1024xbf16, #tpu.memory_space<vmem>>, %arg7: memref<1x1x2048xi32, #tpu.memory_space<vmem>>, %arg8: memref<1x1x2048xi32, #tpu.memory_space<vmem>>, %arg9: memref<1x2048x2xbf16, #tpu.memory_space<vmem>>, %arg10: memref<1x2048x2xbf16, #tpu.memory_space<vmem>>, %arg11: memref<1x1024x1024xf32, #tpu.memory_space<vmem>>, %arg12: memref<1x256x4096xf32, #tpu.memory_space<vmem>>, %arg13: memref<512x256xf32, #tpu.memory_space<vmem>>, %arg14: memref<512x1024xf32, #tpu.memory_space<vmem>>, %arg15: memref<4x512x1024xf32, #tpu.memory_space<vmem>>, %arg16: memref<512x1xf32, #tpu.memory_space<vmem>>) attributes {dimension_semantics = [#tpu.dimension_semantics<arbitrary>, #tpu.dimension_semantics<arbitrary>], iteration_bounds = array<i64: 16, 8>, scalar_prefetch = 4 : i64, scratch_operands = 3 : i64, tpu.core_type = #tpu.core_type<tc>, window_params = [{pipeline_mode = #tpu.pipeline_mode<synchronous>, transform_indices = @transform_0, window_bounds = array<i64: 2048, 1024>}, {pipeline_mode = #tpu.pipeline_mode<synchronous>, transform_indices = @transform_1, window_bounds = array<i64: 1, 1, 2048>}, {pipeline_mode = #tpu.pipeline_mode<synchronous>, transform_indices = @transform_2, window_bounds = array<i64: 1, 1, 2048>}, {pipeline_mode = #tpu.pipeline_mode<synchronous>, transform_indices = @transform_3, window_bounds = array<i64: 1, 2048, 2>}, {pipeline_mode = #tpu.pipeline_mode<synchronous>, transform_indices = @transform_4, window_bounds = array<i64: 1, 2048, 2>}, {transform_indices = @transform_5, window_bounds = array<i64: 1, 1024, 1024>}, {transform_indices = @transform_6, window_bounds = array<i64: 1, 256, 4096>}, {transform_indices = @transform_7, window_bounds = array<i64: 512, 256>}]} {
    %get3A = arith.index_cast %arg0 : i32 to index
    %get3A_0 = memref.load %arg5[%get3A] : memref<16xi32, #tpu.memory_space<smem>>
    %gt3A = arith.constant 0 : i32
    %gt3A_1 = arith.cmpi sgt, %get3A_0, %gt3A : i32
    %eq3A = arith.constant 0 : i32
    %eq3A_2 = arith.cmpi eq, %arg1, %eq3A : i32
    %and3A = arith.andi %gt3A_1, %eq3A_2 : i1
    %convert_element_type3A = arith.extui %and3A : i1 to i32
    %cond3A = arith.constant 0 : i32
    %cond3A_3 = arith.cmpi ne, %convert_element_type3A, %cond3A : i32
    scf.if %cond3A_3 {
      %iota3A = tpu.iota {dimensions = array<i32: 0>} : vector<256x2048xi32>
      %mul3A = arith.constant 512 : i32
      %mul3A_36 = arith.muli %arg0, %mul3A : i32
      %add3A = vector.broadcast %mul3A_36 : i32 to vector<256x2048xi32>
      %add3A_37 = arith.addi %iota3A, %add3A : vector<256x2048xi32>
      %add3A_38 = arith.constant 0 : i32
      %add3A_39 = vector.broadcast %add3A_38 : i32 to vector<256x2048xi32>
      %add3A_40 = arith.addi %add3A_37, %add3A_39 : vector<256x2048xi32>
      %get3A_41 = arith.constant 0 : index
      %get3A_42 = arith.constant 0 : index
      %get3A_43 = arith.constant 0 : index
      %get3A_44 = vector.load %arg7[%get3A_41, %get3A_42, %get3A_43] : memref<1x1x2048xi32, #tpu.memory_space<vmem>>, vector<1x1x2048xi32>
      %get3A_45 = vector.shape_cast %get3A_44 : vector<1x1x2048xi32> to vector<1x2048xi32>
      %eq3A_46 = vector.broadcast %get3A_45 : vector<1x2048xi32> to vector<256x2048xi32>
      %eq3A_47 = arith.cmpi eq, %add3A_40, %eq3A_46 : vector<256x2048xi32>
      %convert_element_type3A_48 = arith.extui %eq3A_47 : vector<256x2048xi1> to vector<256x2048xi32>
      %convert_element_type3A_49 = arith.sitofp %convert_element_type3A_48 : vector<256x2048xi32> to vector<256x2048xf32>
      %convert_element_type3A_50 = arith.truncf %convert_element_type3A_49 : vector<256x2048xf32> to vector<256x2048xbf16>
      %get3A_51 = arith.constant 0 : index
      %get3A_52 = arith.constant 0 : index
      %get3A_53 = arith.constant 0 : index
      %get3A_54 = vector.load %arg8[%get3A_51, %get3A_52, %get3A_53] : memref<1x1x2048xi32, #tpu.memory_space<vmem>>, vector<1x1x2048xi32>
      %get3A_55 = vector.shape_cast %get3A_54 : vector<1x1x2048xi32> to vector<1x2048xi32>
      %eq3A_56 = vector.broadcast %get3A_55 : vector<1x2048xi32> to vector<256x2048xi32>
      %eq3A_57 = arith.cmpi eq, %add3A_40, %eq3A_56 : vector<256x2048xi32>
      %convert_element_type3A_58 = arith.extui %eq3A_57 : vector<256x2048xi1> to vector<256x2048xi32>
      %convert_element_type3A_59 = arith.sitofp %convert_element_type3A_58 : vector<256x2048xi32> to vector<256x2048xf32>
      %convert_element_type3A_60 = arith.truncf %convert_element_type3A_59 : vector<256x2048xf32> to vector<256x2048xbf16>
      %add3A_61 = arith.addf %convert_element_type3A_50, %convert_element_type3A_60 : vector<256x2048xbf16>
      %get3A_62 = arith.constant 0 : index
      %get3A_63 = arith.constant 0 : index
      %get3A_64 = vector.load %arg6[%get3A_62, %get3A_63] : memref<2048x1024xbf16, #tpu.memory_space<vmem>>, vector<2048x1024xbf16>
      %dot_general3A = arith.constant dense<0.000000e+00> : vector<256x1024xf32>
      %dot_general3A_65 = tpu.matmul %add3A_61, %get3A_64, %dot_general3A {dimension_numbers = #tpu.dot_dimension_numbers<[1], [0], [0], [1], [0, 0, 1, 1], [], []>, transpose_lhs_hint = false} : vector<256x2048xbf16>, vector<2048x1024xbf16>, vector<256x1024xf32> -> vector<256x1024xf32>
      %swap3A = arith.constant 0 : index
      %swap3A_66 = arith.constant 0 : index
      %swap3A_67 = vector.load %arg14[%swap3A, %swap3A_66] : memref<512x1024xf32, #tpu.memory_space<vmem>>, vector<256x1024xf32>
      tpu.vector_store %arg14[%swap3A, %swap3A_66], %dot_general3A_65 {strides = array<i32>} : memref<512x1024xf32, #tpu.memory_space<vmem>>, vector<256x1024xf32>,
      %get3A_68 = arith.constant 0 : index
      %get3A_69 = arith.constant 0 : index
      %get3A_70 = arith.constant 0 : index
      %get3A_71 = vector.load %arg9[%get3A_68, %get3A_69, %get3A_70] : memref<1x2048x2xbf16, #tpu.memory_space<vmem>>, vector<1x2048x2xbf16>
      %get3A_72 = vector.shape_cast %get3A_71 : vector<1x2048x2xbf16> to vector<2048x2xbf16>
      %dot_general3A_73 = arith.constant dense<0.000000e+00> : vector<256x2xf32>
      %dot_general3A_74 = tpu.matmul %convert_element_type3A_50, %get3A_72, %dot_general3A_73 {dimension_numbers = #tpu.dot_dimension_numbers<[1], [0], [0], [1], [0, 0, 1, 1], [], []>, transpose_lhs_hint = false} : vector<256x2048xbf16>, vector<2048x2xbf16>, vector<256x2xf32> -> vector<256x2xf32>
      %get3A_75 = arith.constant 0 : index
      %get3A_76 = arith.constant 0 : index
      %get3A_77 = arith.constant 0 : index
      %get3A_78 = vector.load %arg10[%get3A_75, %get3A_76, %get3A_77] : memref<1x2048x2xbf16, #tpu.memory_space<vmem>>, vector<1x2048x2xbf16>
      %get3A_79 = vector.shape_cast %get3A_78 : vector<1x2048x2xbf16> to vector<2048x2xbf16>
      %dot_general3A_80 = arith.constant dense<0.000000e+00> : vector<256x2xf32>
      %dot_general3A_81 = tpu.matmul %convert_element_type3A_60, %get3A_79, %dot_general3A_80 {dimension_numbers = #tpu.dot_dimension_numbers<[1], [0], [0], [1], [0, 0, 1, 1], [], []>, transpose_lhs_hint = false} : vector<256x2048xbf16>, vector<2048x2xbf16>, vector<256x2xf32> -> vector<256x2xf32>
      %add3A_82 = arith.addf %dot_general3A_74, %dot_general3A_81 : vector<256x2xf32>
      %reduce_sum3A = arith.constant dense<0.000000e+00> : vector<256xf32>
      %reduce_sum3A_83 = vector.multi_reduction <add>, %add3A_82, %reduce_sum3A [1] : vector<256x2xf32> to vector<256xf32>
      %broadcast_in_dim3A = vector.shape_cast %reduce_sum3A_83 : vector<256xf32> to vector<256x1xf32>
      %swap3A_84 = arith.constant 0 : index
      %swap3A_85 = arith.constant 0 : index
      %swap3A_86 = vector.load %arg16[%swap3A_84, %swap3A_85] : memref<512x1xf32, #tpu.memory_space<vmem>>, vector<256x1xf32>
      tpu.vector_store %arg16[%swap3A_84, %swap3A_85], %broadcast_in_dim3A {strides = array<i32>} : memref<512x1xf32, #tpu.memory_space<vmem>>, vector<256x1xf32>,
    } else {
    }
    %lt3A = arith.constant 4 : i32
    %lt3A_4 = arith.cmpi slt, %arg1, %lt3A : i32
    %and3A_5 = arith.andi %gt3A_1, %lt3A_4 : i1
    %convert_element_type3A_6 = arith.extui %and3A_5 : i1 to i32
    %cond3A_7 = arith.constant 0 : i32
    %cond3A_8 = arith.cmpi ne, %convert_element_type3A_6, %cond3A_7 : i32
    scf.if %cond3A_8 {
      %get3A_36 = arith.constant 0 : index
      %get3A_37 = arith.constant 0 : index
      %get3A_38 = vector.load %arg14[%get3A_36, %get3A_37] : memref<512x1024xf32, #tpu.memory_space<vmem>>, vector<256x1024xf32>
      %get3A_39 = arith.constant 0 : index
      %get3A_40 = arith.constant 0 : index
      %get3A_41 = arith.constant 0 : index
      %get3A_42 = vector.load %arg11[%get3A_39, %get3A_40, %get3A_41] : memref<1x1024x1024xf32, #tpu.memory_space<vmem>>, vector<1x1024x1024xf32>
      %get3A_43 = vector.shape_cast %get3A_42 : vector<1x1024x1024xf32> to vector<1024x1024xf32>
      %dot_general3A = arith.constant dense<0.000000e+00> : vector<256x1024xf32>
      %dot_general3A_44 = tpu.matmul %get3A_38, %get3A_43, %dot_general3A {dimension_numbers = #tpu.dot_dimension_numbers<[1], [1], [0], [0], [0, 0, 1, 0], [], []>, transpose_lhs_hint = false} : vector<256x1024xf32>, vector<1024x1024xf32>, vector<256x1024xf32> -> vector<256x1024xf32>
      %logistic3A = arith.negf %dot_general3A_44 : vector<256x1024xf32>
      %logistic3A_45 = math.exp %logistic3A : vector<256x1024xf32>
      %logistic3A_46 = arith.constant 1.000000e+00 : f32
      %logistic3A_47 = vector.broadcast %logistic3A_46 : f32 to vector<256x1024xf32>
      %logistic3A_48 = arith.addf %logistic3A_47, %logistic3A_45 : vector<256x1024xf32>
      %logistic3A_49 = arith.divf %logistic3A_47, %logistic3A_48 : vector<256x1024xf32>
      %mul3A = arith.mulf %dot_general3A_44, %logistic3A_49 : vector<256x1024xf32>
      %swap3A = arith.index_cast %arg1 : i32 to index
      %swap3A_50 = arith.constant 0 : index
      %swap3A_51 = arith.constant 0 : index
      %swap3A_52 = vector.load %arg15[%swap3A, %swap3A_50, %swap3A_51] : memref<4x512x1024xf32, #tpu.memory_space<vmem>>, vector<1x256x1024xf32>
      %swap3A_53 = vector.shape_cast %swap3A_52 : vector<1x256x1024xf32> to vector<256x1024xf32>
      %swap3A_54 = vector.shape_cast %mul3A : vector<256x1024xf32> to vector<1x256x1024xf32>
      tpu.vector_store %arg15[%swap3A, %swap3A_50, %swap3A_51], %swap3A_54 {strides = array<i32>} : memref<4x512x1024xf32, #tpu.memory_space<vmem>>, vector<1x256x1024xf32>,
    } else {
    }
    %ge3A = arith.constant 4 : i32
    %ge3A_9 = arith.cmpi sge, %arg1, %ge3A : i32
    %and3A_10 = arith.andi %gt3A_1, %ge3A_9 : i1
    %convert_element_type3A_11 = arith.extui %and3A_10 : i1 to i32
    %cond3A_12 = arith.constant 0 : i32
    %cond3A_13 = arith.cmpi ne, %convert_element_type3A_11, %cond3A_12 : i32
    scf.if %cond3A_13 {
      %get3A_36 = arith.constant 0 : index
      %get3A_37 = arith.constant 0 : index
      %get3A_38 = arith.constant 0 : index
      %get3A_39 = vector.load %arg12[%get3A_36, %get3A_37, %get3A_38] : memref<1x256x4096xf32, #tpu.memory_space<vmem>>, vector<1x256x4096xf32>
      %get3A_40 = vector.shape_cast %get3A_39 : vector<1x256x4096xf32> to vector<256x4096xf32>
      %broadcast_in_dim3A = arith.constant 0.000000e+00 : f32
      %broadcast_in_dim3A_41 = vector.broadcast %broadcast_in_dim3A : f32 to vector<256x256xf32>
      %get3A_42 = arith.constant 0 : index
      %get3A_43 = arith.constant 0 : index
      %get3A_44 = arith.constant 0 : index
      %get3A_45 = vector.load %arg15[%get3A_42, %get3A_43, %get3A_44] : memref<4x512x1024xf32, #tpu.memory_space<vmem>>, vector<1x256x1024xf32>
      %get3A_46 = vector.shape_cast %get3A_45 : vector<1x256x1024xf32> to vector<256x1024xf32>
      %slice3A = vector.extract_strided_slice %get3A_40 {offsets = [0, 0], sizes = [256, 1024], strides = [1, 1]} : vector<256x4096xf32> to vector<256x1024xf32>
      %dot_general3A = arith.constant dense<0.000000e+00> : vector<256x256xf32>
      %dot_general3A_47 = tpu.matmul %get3A_46, %slice3A, %dot_general3A {dimension_numbers = #tpu.dot_dimension_numbers<[1], [1], [0], [0], [0, 0, 1, 0], [], []>, transpose_lhs_hint = false} : vector<256x1024xf32>, vector<256x1024xf32>, vector<256x256xf32> -> vector<256x256xf32>
      %add3A = arith.addf %broadcast_in_dim3A_41, %dot_general3A_47 : vector<256x256xf32>
      %get3A_48 = arith.constant 1 : index
      %get3A_49 = arith.constant 0 : index
      %get3A_50 = arith.constant 0 : index
      %get3A_51 = vector.load %arg15[%get3A_48, %get3A_49, %get3A_50] : memref<4x512x1024xf32, #tpu.memory_space<vmem>>, vector<1x256x1024xf32>
      %get3A_52 = vector.shape_cast %get3A_51 : vector<1x256x1024xf32> to vector<256x1024xf32>
      %slice3A_53 = vector.extract_strided_slice %get3A_40 {offsets = [0, 1024], sizes = [256, 1024], strides = [1, 1]} : vector<256x4096xf32> to vector<256x1024xf32>
      %dot_general3A_54 = arith.constant dense<0.000000e+00> : vector<256x256xf32>
      %dot_general3A_55 = tpu.matmul %get3A_52, %slice3A_53, %dot_general3A_54 {dimension_numbers = #tpu.dot_dimension_numbers<[1], [1], [0], [0], [0, 0, 1, 0], [], []>, transpose_lhs_hint = false} : vector<256x1024xf32>, vector<256x1024xf32>, vector<256x256xf32> -> vector<256x256xf32>
      %add3A_56 = arith.addf %add3A, %dot_general3A_55 : vector<256x256xf32>
      %get3A_57 = arith.constant 2 : index
      %get3A_58 = arith.constant 0 : index
      %get3A_59 = arith.constant 0 : index
      %get3A_60 = vector.load %arg15[%get3A_57, %get3A_58, %get3A_59] : memref<4x512x1024xf32, #tpu.memory_space<vmem>>, vector<1x256x1024xf32>
      %get3A_61 = vector.shape_cast %get3A_60 : vector<1x256x1024xf32> to vector<256x1024xf32>
      %slice3A_62 = vector.extract_strided_slice %get3A_40 {offsets = [0, 2048], sizes = [256, 1024], strides = [1, 1]} : vector<256x4096xf32> to vector<256x1024xf32>
      %dot_general3A_63 = arith.constant dense<0.000000e+00> : vector<256x256xf32>
      %dot_general3A_64 = tpu.matmul %get3A_61, %slice3A_62, %dot_general3A_63 {dimension_numbers = #tpu.dot_dimension_numbers<[1], [1], [0], [0], [0, 0, 1, 0], [], []>, transpose_lhs_hint = false} : vector<256x1024xf32>, vector<256x1024xf32>, vector<256x256xf32> -> vector<256x256xf32>
      %add3A_65 = arith.addf %add3A_56, %dot_general3A_64 : vector<256x256xf32>
      %get3A_66 = arith.constant 3 : index
      %get3A_67 = arith.constant 0 : index
      %get3A_68 = arith.constant 0 : index
      %get3A_69 = vector.load %arg15[%get3A_66, %get3A_67, %get3A_68] : memref<4x512x1024xf32, #tpu.memory_space<vmem>>, vector<1x256x1024xf32>
      %get3A_70 = vector.shape_cast %get3A_69 : vector<1x256x1024xf32> to vector<256x1024xf32>
      %slice3A_71 = vector.extract_strided_slice %get3A_40 {offsets = [0, 3072], sizes = [256, 1024], strides = [1, 1]} : vector<256x4096xf32> to vector<256x1024xf32>
      %dot_general3A_72 = arith.constant dense<0.000000e+00> : vector<256x256xf32>
      %dot_general3A_73 = tpu.matmul %get3A_70, %slice3A_71, %dot_general3A_72 {dimension_numbers = #tpu.dot_dimension_numbers<[1], [1], [0], [0], [0, 0, 1, 0], [], []>, transpose_lhs_hint = false} : vector<256x1024xf32>, vector<256x1024xf32>, vector<256x256xf32> -> vector<256x256xf32>
      %add3A_74 = arith.addf %add3A_65, %dot_general3A_73 : vector<256x256xf32>
      %get3A_75 = arith.constant 0 : index
      %get3A_76 = arith.constant 0 : index
      %get3A_77 = vector.load %arg16[%get3A_75, %get3A_76] : memref<512x1xf32, #tpu.memory_space<vmem>>, vector<256x1xf32>
      %mul3A = vector.broadcast %get3A_77 : vector<256x1xf32> to vector<256x256xf32>
      %mul3A_78 = arith.mulf %add3A_74, %mul3A : vector<256x256xf32>
      %swap3A = arith.constant 0 : index
      %swap3A_79 = arith.constant 0 : index
      %swap3A_80 = vector.load %arg13[%swap3A, %swap3A_79] : memref<512x256xf32, #tpu.memory_space<vmem>>, vector<256x256xf32>
      tpu.vector_store %arg13[%swap3A, %swap3A_79], %mul3A_78 {strides = array<i32>} : memref<512x256xf32, #tpu.memory_space<vmem>>, vector<256x256xf32>,
    } else {
    }
    %get3A_14 = arith.index_cast %arg0 : i32 to index
    %get3A_15 = memref.load %arg5[%get3A_14] : memref<16xi32, #tpu.memory_space<smem>>
    %gt3A_16 = arith.constant 1 : i32
    %gt3A_17 = arith.cmpi sgt, %get3A_15, %gt3A_16 : i32
    %eq3A_18 = arith.constant 0 : i32
    %eq3A_19 = arith.cmpi eq, %arg1, %eq3A_18 : i32
    %and3A_20 = arith.andi %gt3A_17, %eq3A_19 : i1
    %convert_element_type3A_21 = arith.extui %and3A_20 : i1 to i32
    %cond3A_22 = arith.constant 0 : i32
    %cond3A_23 = arith.cmpi ne, %convert_element_type3A_21, %cond3A_22 : i32
    scf.if %cond3A_23 {
      %iota3A = tpu.iota {dimensions = array<i32: 0>} : vector<256x2048xi32>
      %mul3A = arith.constant 512 : i32
      %mul3A_36 = arith.muli %arg0, %mul3A : i32
      %add3A = vector.broadcast %mul3A_36 : i32 to vector<256x2048xi32>
      %add3A_37 = arith.addi %iota3A, %add3A : vector<256x2048xi32>
      %add3A_38 = arith.constant 256 : i32
      %add3A_39 = vector.broadcast %add3A_38 : i32 to vector<256x2048xi32>
      %add3A_40 = arith.addi %add3A_37, %add3A_39 : vector<256x2048xi32>
      %get3A_41 = arith.constant 0 : index
      %get3A_42 = arith.constant 0 : index
      %get3A_43 = arith.constant 0 : index
      %get3A_44 = vector.load %arg7[%get3A_41, %get3A_42, %get3A_43] : memref<1x1x2048xi32, #tpu.memory_space<vmem>>, vector<1x1x2048xi32>
      %get3A_45 = vector.shape_cast %get3A_44 : vector<1x1x2048xi32> to vector<1x2048xi32>
      %eq3A_46 = vector.broadcast %get3A_45 : vector<1x2048xi32> to vector<256x2048xi32>
      %eq3A_47 = arith.cmpi eq, %add3A_40, %eq3A_46 : vector<256x2048xi32>
      %convert_element_type3A_48 = arith.extui %eq3A_47 : vector<256x2048xi1> to vector<256x2048xi32>
      %convert_element_type3A_49 = arith.sitofp %convert_element_type3A_48 : vector<256x2048xi32> to vector<256x2048xf32>
      %convert_element_type3A_50 = arith.truncf %convert_element_type3A_49 : vector<256x2048xf32> to vector<256x2048xbf16>
      %get3A_51 = arith.constant 0 : index
      %get3A_52 = arith.constant 0 : index
      %get3A_53 = arith.constant 0 : index
      %get3A_54 = vector.load %arg8[%get3A_51, %get3A_52, %get3A_53] : memref<1x1x2048xi32, #tpu.memory_space<vmem>>, vector<1x1x2048xi32>
      %get3A_55 = vector.shape_cast %get3A_54 : vector<1x1x2048xi32> to vector<1x2048xi32>
      %eq3A_56 = vector.broadcast %get3A_55 : vector<1x2048xi32> to vector<256x2048xi32>
      %eq3A_57 = arith.cmpi eq, %add3A_40, %eq3A_56 : vector<256x2048xi32>
      %convert_element_type3A_58 = arith.extui %eq3A_57 : vector<256x2048xi1> to vector<256x2048xi32>
      %convert_element_type3A_59 = arith.sitofp %convert_element_type3A_58 : vector<256x2048xi32> to vector<256x2048xf32>
      %convert_element_type3A_60 = arith.truncf %convert_element_type3A_59 : vector<256x2048xf32> to vector<256x2048xbf16>
      %add3A_61 = arith.addf %convert_element_type3A_50, %convert_element_type3A_60 : vector<256x2048xbf16>
      %get3A_62 = arith.constant 0 : index
      %get3A_63 = arith.constant 0 : index
      %get3A_64 = vector.load %arg6[%get3A_62, %get3A_63] : memref<2048x1024xbf16, #tpu.memory_space<vmem>>, vector<2048x1024xbf16>
      %dot_general3A = arith.constant dense<0.000000e+00> : vector<256x1024xf32>
      %dot_general3A_65 = tpu.matmul %add3A_61, %get3A_64, %dot_general3A {dimension_numbers = #tpu.dot_dimension_numbers<[1], [0], [0], [1], [0, 0, 1, 1], [], []>, transpose_lhs_hint = false} : vector<256x2048xbf16>, vector<2048x1024xbf16>, vector<256x1024xf32> -> vector<256x1024xf32>
      %swap3A = arith.constant 256 : index
      %swap3A_66 = arith.constant 0 : index
      %swap3A_67 = vector.load %arg14[%swap3A, %swap3A_66] : memref<512x1024xf32, #tpu.memory_space<vmem>>, vector<256x1024xf32>
      tpu.vector_store %arg14[%swap3A, %swap3A_66], %dot_general3A_65 {strides = array<i32>} : memref<512x1024xf32, #tpu.memory_space<vmem>>, vector<256x1024xf32>,
      %get3A_68 = arith.constant 0 : index
      %get3A_69 = arith.constant 0 : index
      %get3A_70 = arith.constant 0 : index
      %get3A_71 = vector.load %arg9[%get3A_68, %get3A_69, %get3A_70] : memref<1x2048x2xbf16, #tpu.memory_space<vmem>>, vector<1x2048x2xbf16>
      %get3A_72 = vector.shape_cast %get3A_71 : vector<1x2048x2xbf16> to vector<2048x2xbf16>
      %dot_general3A_73 = arith.constant dense<0.000000e+00> : vector<256x2xf32>
      %dot_general3A_74 = tpu.matmul %convert_element_type3A_50, %get3A_72, %dot_general3A_73 {dimension_numbers = #tpu.dot_dimension_numbers<[1], [0], [0], [1], [0, 0, 1, 1], [], []>, transpose_lhs_hint = false} : vector<256x2048xbf16>, vector<2048x2xbf16>, vector<256x2xf32> -> vector<256x2xf32>
      %get3A_75 = arith.constant 0 : index
      %get3A_76 = arith.constant 0 : index
      %get3A_77 = arith.constant 0 : index
      %get3A_78 = vector.load %arg10[%get3A_75, %get3A_76, %get3A_77] : memref<1x2048x2xbf16, #tpu.memory_space<vmem>>, vector<1x2048x2xbf16>
      %get3A_79 = vector.shape_cast %get3A_78 : vector<1x2048x2xbf16> to vector<2048x2xbf16>
      %dot_general3A_80 = arith.constant dense<0.000000e+00> : vector<256x2xf32>
      %dot_general3A_81 = tpu.matmul %convert_element_type3A_60, %get3A_79, %dot_general3A_80 {dimension_numbers = #tpu.dot_dimension_numbers<[1], [0], [0], [1], [0, 0, 1, 1], [], []>, transpose_lhs_hint = false} : vector<256x2048xbf16>, vector<2048x2xbf16>, vector<256x2xf32> -> vector<256x2xf32>
      %add3A_82 = arith.addf %dot_general3A_74, %dot_general3A_81 : vector<256x2xf32>
      %reduce_sum3A = arith.constant dense<0.000000e+00> : vector<256xf32>
      %reduce_sum3A_83 = vector.multi_reduction <add>, %add3A_82, %reduce_sum3A [1] : vector<256x2xf32> to vector<256xf32>
      %broadcast_in_dim3A = vector.shape_cast %reduce_sum3A_83 : vector<256xf32> to vector<256x1xf32>
      %swap3A_84 = arith.constant 256 : index
      %swap3A_85 = arith.constant 0 : index
      %swap3A_86 = vector.load %arg16[%swap3A_84, %swap3A_85] : memref<512x1xf32, #tpu.memory_space<vmem>>, vector<256x1xf32>
      tpu.vector_store %arg16[%swap3A_84, %swap3A_85], %broadcast_in_dim3A {strides = array<i32>} : memref<512x1xf32, #tpu.memory_space<vmem>>, vector<256x1xf32>,
    } else {
    }
    %lt3A_24 = arith.constant 4 : i32
    %lt3A_25 = arith.cmpi slt, %arg1, %lt3A_24 : i32
    %and3A_26 = arith.andi %gt3A_17, %lt3A_25 : i1
    %convert_element_type3A_27 = arith.extui %and3A_26 : i1 to i32
    %cond3A_28 = arith.constant 0 : i32
    %cond3A_29 = arith.cmpi ne, %convert_element_type3A_27, %cond3A_28 : i32
    scf.if %cond3A_29 {
      %get3A_36 = arith.constant 256 : index
      %get3A_37 = arith.constant 0 : index
      %get3A_38 = vector.load %arg14[%get3A_36, %get3A_37] : memref<512x1024xf32, #tpu.memory_space<vmem>>, vector<256x1024xf32>
      %get3A_39 = arith.constant 0 : index
      %get3A_40 = arith.constant 0 : index
      %get3A_41 = arith.constant 0 : index
      %get3A_42 = vector.load %arg11[%get3A_39, %get3A_40, %get3A_41] : memref<1x1024x1024xf32, #tpu.memory_space<vmem>>, vector<1x1024x1024xf32>
      %get3A_43 = vector.shape_cast %get3A_42 : vector<1x1024x1024xf32> to vector<1024x1024xf32>
      %dot_general3A = arith.constant dense<0.000000e+00> : vector<256x1024xf32>
      %dot_general3A_44 = tpu.matmul %get3A_38, %get3A_43, %dot_general3A {dimension_numbers = #tpu.dot_dimension_numbers<[1], [1], [0], [0], [0, 0, 1, 0], [], []>, transpose_lhs_hint = false} : vector<256x1024xf32>, vector<1024x1024xf32>, vector<256x1024xf32> -> vector<256x1024xf32>
      %logistic3A = arith.negf %dot_general3A_44 : vector<256x1024xf32>
      %logistic3A_45 = math.exp %logistic3A : vector<256x1024xf32>
      %logistic3A_46 = arith.constant 1.000000e+00 : f32
      %logistic3A_47 = vector.broadcast %logistic3A_46 : f32 to vector<256x1024xf32>
      %logistic3A_48 = arith.addf %logistic3A_47, %logistic3A_45 : vector<256x1024xf32>
      %logistic3A_49 = arith.divf %logistic3A_47, %logistic3A_48 : vector<256x1024xf32>
      %mul3A = arith.mulf %dot_general3A_44, %logistic3A_49 : vector<256x1024xf32>
      %swap3A = arith.index_cast %arg1 : i32 to index
      %swap3A_50 = arith.constant 256 : index
      %swap3A_51 = arith.constant 0 : index
      %swap3A_52 = vector.load %arg15[%swap3A, %swap3A_50, %swap3A_51] : memref<4x512x1024xf32, #tpu.memory_space<vmem>>, vector<1x256x1024xf32>
      %swap3A_53 = vector.shape_cast %swap3A_52 : vector<1x256x1024xf32> to vector<256x1024xf32>
      %swap3A_54 = vector.shape_cast %mul3A : vector<256x1024xf32> to vector<1x256x1024xf32>
      tpu.vector_store %arg15[%swap3A, %swap3A_50, %swap3A_51], %swap3A_54 {strides = array<i32>} : memref<4x512x1024xf32, #tpu.memory_space<vmem>>, vector<1x256x1024xf32>,
    } else {
    }
    %ge3A_30 = arith.constant 4 : i32
    %ge3A_31 = arith.cmpi sge, %arg1, %ge3A_30 : i32
    %and3A_32 = arith.andi %gt3A_17, %ge3A_31 : i1
    %convert_element_type3A_33 = arith.extui %and3A_32 : i1 to i32
    %cond3A_34 = arith.constant 0 : i32
    %cond3A_35 = arith.cmpi ne, %convert_element_type3A_33, %cond3A_34 : i32
    scf.if %cond3A_35 {
      %get3A_36 = arith.constant 0 : index
      %get3A_37 = arith.constant 0 : index
      %get3A_38 = arith.constant 0 : index
      %get3A_39 = vector.load %arg12[%get3A_36, %get3A_37, %get3A_38] : memref<1x256x4096xf32, #tpu.memory_space<vmem>>, vector<1x256x4096xf32>
      %get3A_40 = vector.shape_cast %get3A_39 : vector<1x256x4096xf32> to vector<256x4096xf32>
      %broadcast_in_dim3A = arith.constant 0.000000e+00 : f32
      %broadcast_in_dim3A_41 = vector.broadcast %broadcast_in_dim3A : f32 to vector<256x256xf32>
      %get3A_42 = arith.constant 0 : index
      %get3A_43 = arith.constant 256 : index
      %get3A_44 = arith.constant 0 : index
      %get3A_45 = vector.load %arg15[%get3A_42, %get3A_43, %get3A_44] : memref<4x512x1024xf32, #tpu.memory_space<vmem>>, vector<1x256x1024xf32>
      %get3A_46 = vector.shape_cast %get3A_45 : vector<1x256x1024xf32> to vector<256x1024xf32>
      %slice3A = vector.extract_strided_slice %get3A_40 {offsets = [0, 0], sizes = [256, 1024], strides = [1, 1]} : vector<256x4096xf32> to vector<256x1024xf32>
      %dot_general3A = arith.constant dense<0.000000e+00> : vector<256x256xf32>
      %dot_general3A_47 = tpu.matmul %get3A_46, %slice3A, %dot_general3A {dimension_numbers = #tpu.dot_dimension_numbers<[1], [1], [0], [0], [0, 0, 1, 0], [], []>, transpose_lhs_hint = false} : vector<256x1024xf32>, vector<256x1024xf32>, vector<256x256xf32> -> vector<256x256xf32>
      %add3A = arith.addf %broadcast_in_dim3A_41, %dot_general3A_47 : vector<256x256xf32>
      %get3A_48 = arith.constant 1 : index
      %get3A_49 = arith.constant 256 : index
      %get3A_50 = arith.constant 0 : index
      %get3A_51 = vector.load %arg15[%get3A_48, %get3A_49, %get3A_50] : memref<4x512x1024xf32, #tpu.memory_space<vmem>>, vector<1x256x1024xf32>
      %get3A_52 = vector.shape_cast %get3A_51 : vector<1x256x1024xf32> to vector<256x1024xf32>
      %slice3A_53 = vector.extract_strided_slice %get3A_40 {offsets = [0, 1024], sizes = [256, 1024], strides = [1, 1]} : vector<256x4096xf32> to vector<256x1024xf32>
      %dot_general3A_54 = arith.constant dense<0.000000e+00> : vector<256x256xf32>
      %dot_general3A_55 = tpu.matmul %get3A_52, %slice3A_53, %dot_general3A_54 {dimension_numbers = #tpu.dot_dimension_numbers<[1], [1], [0], [0], [0, 0, 1, 0], [], []>, transpose_lhs_hint = false} : vector<256x1024xf32>, vector<256x1024xf32>, vector<256x256xf32> -> vector<256x256xf32>
      %add3A_56 = arith.addf %add3A, %dot_general3A_55 : vector<256x256xf32>
      %get3A_57 = arith.constant 2 : index
      %get3A_58 = arith.constant 256 : index
      %get3A_59 = arith.constant 0 : index
      %get3A_60 = vector.load %arg15[%get3A_57, %get3A_58, %get3A_59] : memref<4x512x1024xf32, #tpu.memory_space<vmem>>, vector<1x256x1024xf32>
      %get3A_61 = vector.shape_cast %get3A_60 : vector<1x256x1024xf32> to vector<256x1024xf32>
      %slice3A_62 = vector.extract_strided_slice %get3A_40 {offsets = [0, 2048], sizes = [256, 1024], strides = [1, 1]} : vector<256x4096xf32> to vector<256x1024xf32>
      %dot_general3A_63 = arith.constant dense<0.000000e+00> : vector<256x256xf32>
      %dot_general3A_64 = tpu.matmul %get3A_61, %slice3A_62, %dot_general3A_63 {dimension_numbers = #tpu.dot_dimension_numbers<[1], [1], [0], [0], [0, 0, 1, 0], [], []>, transpose_lhs_hint = false} : vector<256x1024xf32>, vector<256x1024xf32>, vector<256x256xf32> -> vector<256x256xf32>
      %add3A_65 = arith.addf %add3A_56, %dot_general3A_64 : vector<256x256xf32>
      %get3A_66 = arith.constant 3 : index
      %get3A_67 = arith.constant 256 : index
      %get3A_68 = arith.constant 0 : index
      %get3A_69 = vector.load %arg15[%get3A_66, %get3A_67, %get3A_68] : memref<4x512x1024xf32, #tpu.memory_space<vmem>>, vector<1x256x1024xf32>
      %get3A_70 = vector.shape_cast %get3A_69 : vector<1x256x1024xf32> to vector<256x1024xf32>
      %slice3A_71 = vector.extract_strided_slice %get3A_40 {offsets = [0, 3072], sizes = [256, 1024], strides = [1, 1]} : vector<256x4096xf32> to vector<256x1024xf32>
      %dot_general3A_72 = arith.constant dense<0.000000e+00> : vector<256x256xf32>
      %dot_general3A_73 = tpu.matmul %get3A_70, %slice3A_71, %dot_general3A_72 {dimension_numbers = #tpu.dot_dimension_numbers<[1], [1], [0], [0], [0, 0, 1, 0], [], []>, transpose_lhs_hint = false} : vector<256x1024xf32>, vector<256x1024xf32>, vector<256x256xf32> -> vector<256x256xf32>
      %add3A_74 = arith.addf %add3A_65, %dot_general3A_73 : vector<256x256xf32>
      %get3A_75 = arith.constant 256 : index
      %get3A_76 = arith.constant 0 : index
      %get3A_77 = vector.load %arg16[%get3A_75, %get3A_76] : memref<512x1xf32, #tpu.memory_space<vmem>>, vector<256x1xf32>
      %mul3A = vector.broadcast %get3A_77 : vector<256x1xf32> to vector<256x256xf32>
      %mul3A_78 = arith.mulf %add3A_74, %mul3A : vector<256x256xf32>
      %swap3A = arith.constant 256 : index
      %swap3A_79 = arith.constant 0 : index
      %swap3A_80 = vector.load %arg13[%swap3A, %swap3A_79] : memref<512x256xf32, #tpu.memory_space<vmem>>, vector<256x256xf32>
      tpu.vector_store %arg13[%swap3A, %swap3A_79], %mul3A_78 {strides = array<i32>} : memref<512x256xf32, #tpu.memory_space<vmem>>, vector<256x256xf32>,
    } else {
    }
    return
  }
  func.func @transform_0(%arg0: i32, %arg1: i32, %arg2: memref<16xi32, #tpu.memory_space<smem>>, %arg3: memref<16xi32, #tpu.memory_space<smem>>, %arg4: memref<16xi32, #tpu.memory_space<smem>>, %arg5: memref<16xi32, #tpu.memory_space<smem>>) -> (i32, i32) {
    %c0_i32 = arith.constant 0 : i32
    %c0_i32_0 = arith.constant 0 : i32
    %c0_i32_1 = arith.constant 0 : i32
    return %c0_i32, %c0_i32_0 : i32, i32
  }
  func.func @transform_1(%arg0: i32, %arg1: i32, %arg2: memref<16xi32, #tpu.memory_space<smem>>, %arg3: memref<16xi32, #tpu.memory_space<smem>>, %arg4: memref<16xi32, #tpu.memory_space<smem>>, %arg5: memref<16xi32, #tpu.memory_space<smem>>) -> (i32, i32, i32) {
    %c0_i32 = arith.constant 0 : i32
    %c0_i32_0 = arith.constant 0 : i32
    %c0_i32_1 = arith.constant 0 : i32
    %c0_i32_2 = arith.constant 0 : i32
    return %c0_i32, %c0_i32_0, %c0_i32_1 : i32, i32, i32
  }
  func.func @transform_2(%arg0: i32, %arg1: i32, %arg2: memref<16xi32, #tpu.memory_space<smem>>, %arg3: memref<16xi32, #tpu.memory_space<smem>>, %arg4: memref<16xi32, #tpu.memory_space<smem>>, %arg5: memref<16xi32, #tpu.memory_space<smem>>) -> (i32, i32, i32) {
    %c0_i32 = arith.constant 0 : i32
    %c0_i32_0 = arith.constant 0 : i32
    %c0_i32_1 = arith.constant 0 : i32
    %c0_i32_2 = arith.constant 0 : i32
    return %c0_i32, %c0_i32_0, %c0_i32_1 : i32, i32, i32
  }
  func.func @transform_3(%arg0: i32, %arg1: i32, %arg2: memref<16xi32, #tpu.memory_space<smem>>, %arg3: memref<16xi32, #tpu.memory_space<smem>>, %arg4: memref<16xi32, #tpu.memory_space<smem>>, %arg5: memref<16xi32, #tpu.memory_space<smem>>) -> (i32, i32, i32) {
    %c0_i32 = arith.constant 0 : i32
    %c0_i32_0 = arith.constant 0 : i32
    %c0_i32_1 = arith.constant 0 : i32
    %c0_i32_2 = arith.constant 0 : i32
    return %c0_i32, %c0_i32_0, %c0_i32_1 : i32, i32, i32
  }
  func.func @transform_4(%arg0: i32, %arg1: i32, %arg2: memref<16xi32, #tpu.memory_space<smem>>, %arg3: memref<16xi32, #tpu.memory_space<smem>>, %arg4: memref<16xi32, #tpu.memory_space<smem>>, %arg5: memref<16xi32, #tpu.memory_space<smem>>) -> (i32, i32, i32) {
    %c0_i32 = arith.constant 0 : i32
    %c0_i32_0 = arith.constant 0 : i32
    %c0_i32_1 = arith.constant 0 : i32
    %c0_i32_2 = arith.constant 0 : i32
    return %c0_i32, %c0_i32_0, %c0_i32_1 : i32, i32, i32
  }
  func.func @transform_5(%arg0: i32, %arg1: i32, %arg2: memref<16xi32, #tpu.memory_space<smem>>, %arg3: memref<16xi32, #tpu.memory_space<smem>>, %arg4: memref<16xi32, #tpu.memory_space<smem>>, %arg5: memref<16xi32, #tpu.memory_space<smem>>) -> (i32, i32, i32) {
    %get3A = arith.index_cast %arg0 : i32 to index
    %get3A_0 = memref.load %arg2[%get3A] : memref<16xi32, #tpu.memory_space<smem>>
    %get3A_1 = arith.index_cast %arg0 : i32 to index
    %get3A_2 = memref.load %arg3[%get3A_1] : memref<16xi32, #tpu.memory_space<smem>>
    %eq3A = arith.constant 1 : i32
    %eq3A_3 = arith.cmpi eq, %get3A_2, %eq3A : i32
    %min3A = arith.constant 3 : i32
    %min3A_4 = arith.minsi %arg1, %min3A : i32
    %jit3A = arith.constant 3 : i32
    %select_n3A = arith.select %eq3A_3, %min3A_4, %jit3A : i32
    %c0_i32 = arith.constant 0 : i32
    %c0_i32_5 = arith.constant 0 : i32
    return %get3A_0, %select_n3A, %c0_i32 : i32, i32, i32
  }
  func.func @transform_6(%arg0: i32, %arg1: i32, %arg2: memref<16xi32, #tpu.memory_space<smem>>, %arg3: memref<16xi32, #tpu.memory_space<smem>>, %arg4: memref<16xi32, #tpu.memory_space<smem>>, %arg5: memref<16xi32, #tpu.memory_space<smem>>) -> (i32, i32, i32) {
    %get3A = arith.index_cast %arg0 : i32 to index
    %get3A_0 = memref.load %arg2[%get3A] : memref<16xi32, #tpu.memory_space<smem>>
    %get3A_1 = arith.index_cast %arg0 : i32 to index
    %get3A_2 = memref.load %arg3[%get3A_1] : memref<16xi32, #tpu.memory_space<smem>>
    %eq3A = arith.constant 1 : i32
    %eq3A_3 = arith.cmpi eq, %get3A_2, %eq3A : i32
    %sub3A = arith.constant 4 : i32
    %sub3A_4 = arith.subi %arg1, %sub3A : i32
    %max3A = arith.constant 0 : i32
    %max3A_5 = arith.maxsi %sub3A_4, %max3A : i32
    %jit3A = arith.constant 3 : i32
    %select_n3A = arith.select %eq3A_3, %max3A_5, %jit3A : i32
    %c0_i32 = arith.constant 0 : i32
    %c0_i32_6 = arith.constant 0 : i32
    return %get3A_0, %select_n3A, %c0_i32 : i32, i32, i32
  }
  func.func @transform_7(%arg0: i32, %arg1: i32, %arg2: memref<16xi32, #tpu.memory_space<smem>>, %arg3: memref<16xi32, #tpu.memory_space<smem>>, %arg4: memref<16xi32, #tpu.memory_space<smem>>, %arg5: memref<16xi32, #tpu.memory_space<smem>>) -> (i32, i32) {
    %get3A = arith.index_cast %arg0 : i32 to index
    %get3A_0 = memref.load %arg4[%get3A] : memref<16xi32, #tpu.memory_space<smem>>
    %get3A_1 = arith.index_cast %arg0 : i32 to index
    %get3A_2 = memref.load %arg3[%get3A_1] : memref<16xi32, #tpu.memory_space<smem>>
    %eq3A = arith.constant 1 : i32
    %eq3A_3 = arith.cmpi eq, %get3A_2, %eq3A : i32
    %sub3A = arith.constant 4 : i32
    %sub3A_4 = arith.subi %arg1, %sub3A : i32
    %max3A = arith.constant 0 : i32
    %max3A_5 = arith.maxsi %sub3A_4, %max3A : i32
    %jit3A = arith.constant 3 : i32
    %select_n3A = arith.select %eq3A_3, %max3A_5, %jit3A : i32
    %c0_i32 = arith.constant 0 : i32
    return %get3A_0, %select_n3A : i32, i32
  }
}

</mosaic_0001>

<sc_bundles>
// kernel: gather_offload_async_start
scs
__scs_entry_jumppad:
0x0: {  	(pc) =	sbr.rel $0x88, $3  }
0x1: {  	(tag) =	ssettag $0x0;
	lr =	simm.s32 $0x1  }
0x2: {  	[smem:$0x3F9B] =	sst lr;
	_ =	strace $0xD0000000  }
0x3: {  	_ = 	snop  }
0x4: {  	_ = 	snop  }
0x5: {  	_ = 	snop  }
0x6: {  	_ = 	snop  }
0x7: {  	_ = 	snop  }
__scs_overlays_trampoline_lowered:
0x8: {  	[smem:$0x3FAA] =	sst s0  }
0x9: {  	[smem:$0x3FAB] =	sst s1  }
0xa: {  	[smem:$0x3FAC] =	sst s2  }
0xb: {  	[smem:$0x3FAD] =	sst s3  }
0xc: {  	[smem:$0x3FAE] =	sst s4  }
0xd: {  	[smem:$0x3FAF] =	sst s5  }
0xe: {  	[smem:$0x3FB0] =	sst s6  }
0xf: {  	[smem:$0x3FB1] =	sst s7  }
0x10: {  	[smem:$0x3FB2] =	sst s8  }
0x11: {  	[smem:$0x3FB3] =	sst s9;
	s0 =	simm.s32 @!p0 $0x0  }
0x12: {  	s1 =	sld [smem:$0x3F99];
	s0 =	simm.s32 @p0 $0x1  }
0x13: {  	[smem:$0x3FB4] =	sst s0;
	s0 =	simm.s32 @!p1 $0x0  }
0x14: {  	s2 =	sld [smem:$0x3F98];
	s0 =	simm.s32 @p1 $0x1  }
0x15: {  	[smem:$0x3FB5] =	sst s0;
	s0 =	simm.s32 @!p2 $0x0  }
0x16: {  	s3 =	sld [smem:$0x3FDB];
	s0 =	simm.s32 @p2 $0x1  }
0x17: {  	s4 =	simm.s32 $0x1BF5;
	[smem:$0x3FB7] =	sst s0  }
0x18: {  	s0 =	sld [smem:$0x3F9A];
	_ =	swait.ge [sflag:s4], $0x0  }
0x19: {  	s7 =	sld [smem:$0x3F9B]  }
0x1a: {  	s8 =	sadd.s32 $0xFFFFE003, lr  }
0x1b: {  	s9 =	sadd.s32 $0xFFFFFEF7, lr;
	s5 =	simm.s32 $0xFFFFFFFF;
	p2 =	slt.u32 s8, $0xFFFFF086  }
0x1c: {  	p1 =	slt.u32 s9, $0xF7A;
	s5 =	simm.s32 @!p2 $0x0  }
0x1d: {  	s5 =	simm.s32 @p1 $0x1;
	p0 =	seq.s32 s7, s2  }
0x1e: {  	s7 =	smul.u32 @!p0 $0xF7A, s2;
	p2 =	seq.s32 @!p0 s5, $0x0  }
0x1f: {  	s9 =	smul.u32 $0xF7A, s1;
	s8 =	simm.s32 @!p0 $0x1BF5;
	p2 =	por !p2, p0  }
0x20: {  	[sflag:s8] =	ssyncset.s32 @!p0 $0xFFFFF086;
	s6 =	sadd.s32 @!p0 s3, s7;
	s7 =	simm.s32 @!p0 $0x108  }
0x21: {  	s3 =	sadd.s32 s3, s9;
	s6 =	sadd.s32 @!p0 $0x88, s6;
	s7 =	simm.s32 @p2 $0x1082  }
0x22: {  	[simem:s7], [sflag:s8] =	dma.local @!p0 [hbm:s6], $0xF7A  }
0x23: {  	s9 =	sor.u32 $0xD0000000, s2;
	s6 =	simm.s32 $0x108;
	_ =	swait.ge @!p0 [sflag:s8], $0x0  }
0x24: {  	s3 =	sadd.s32 $0x88, s3;
	s6 =	simm.s32 @!p1 $0x1082;
	[sflag:s4] =	ssyncset.s32 $0xFFFFF086  }
0x25: {  	[simem:s6], [sflag:s4] =	dma.local [hbm:s3], $0xF7A  }
0x26: {  	[smem:$0x3F9B] =	sst s1;
	(tag) =	ssettag s2;
	_ =	strace s9  }
0x27: {  	s1 =	sld [smem:$0x3FAB]  }
0x28: {  	s2 =	sld [smem:$0x3FAC]  }
0x29: {  	s4 =	sld [smem:$0x3FAE]  }
0x2a: {  	p0 =	seq.s32 s5, $0x0;
	s5 =	sld [smem:$0x3FAF]  }
0x2b: {  	s6 =	sld [smem:$0x3FB0]  }
0x2c: {  	s7 =	sld [smem:$0x3FB1]  }
0x2d: {  	s3 =	simm.s32 $0x108;
	s8 =	sld [smem:$0x3FB2]  }
0x2e: {  	s3 =	simm.s32 @!p0 $0x1082;
	s9 =	sld [smem:$0x3FB3]  }
0x2f: {  	lr =	sadd.s32 s0, s3;
	s0 =	sld [smem:$0x3FAA]  }
0x30: {  	s3 =	sld [smem:$0x3FAD]  }
0x31: {  	[smem:$0x3FB6] =	sst s10  }
0x32: {  	s10 =	sld [smem:$0x3FB4];
	_ =	sdelay $0x3  }
0x33: {  	p0 =	seq.s32 s10, $0x1;
	s10 =	sld [smem:$0x3FB6];
	_ =	sdelay $0x3  }
0x34: {  	[smem:$0x3FB6] =	sst s10  }
0x35: {  	s10 =	sld [smem:$0x3FB5];
	_ =	sdelay $0x3  }
0x36: {  	p1 =	seq.s32 s10, $0x1;
	s10 =	sld [smem:$0x3FB6];
	_ =	sdelay $0x3  }
0x37: {  	[smem:$0x3FB6] =	sst s10  }
0x38: {  	s10 =	sld [smem:$0x3FB7]  }
0x39: {  	_ = 	snop;
	(pc) =	sbr.ind lr, $3  }
0x3a: {  	_ = 	snop  }
0x3b: {  	_ = 	snop  }
0x3c: {  	p2 =	seq.s32 s10, $0x1;
	s10 =	sld [smem:$0x3FB6]  }
0x3d: {  	_ =	shalt  }
0x3e: {  	_ =	shalt  }
0x3f: {  	_ =	shalt  }
0x40: {  	_ =	shalt  }
0x41: {  	_ =	shalt  }
0x42: {  	_ =	shalt  }
0x43: {  	_ =	shalt  }
0x44: {  	_ =	shalt  }
0x45: {  	_ =	shalt  }
0x46: {  	_ =	shalt  }
0x47: {  	_ =	shalt  }
0x48: {  	_ =	shalt  }
0x49: {  	_ =	shalt  }
0x4a: {  	_ =	shalt  }
0x4b: {  	_ =	shalt  }
0x4c: {  	_ =	shalt  }
0x4d: {  	_ =	shalt  }
0x4e: {  	_ =	shalt  }
0x4f: {  	_ =	shalt  }
0x50: {  	_ =	shalt  }
0x51: {  	_ =	shalt  }
0x52: {  	_ =	shalt  }
0x53: {  	_ =	shalt  }
0x54: {  	_ =	shalt  }
0x55: {  	_ =	shalt  }
0x56: {  	_ =	shalt  }
0x57: {  	_ =	shalt  }
0x58: {  	_ =	shalt  }
0x59: {  	_ =	shalt  }
0x5a: {  	_ =	shalt  }
0x5b: {  	_ =	shalt  }
0x5c: {  	_ =	shalt  }
0x5d: {  	_ =	shalt  }
0x5e: {  	_ =	shalt  }
0x5f: {  	_ =	shalt  }
0x60: {  	_ =	shalt  }
0x61: {  	_ =	shalt  }
0x62: {  	_ =	shalt  }
0x63: {  	_ =	shalt  }
0x64: {  	_ =	shalt  }
0x65: {  	_ =	shalt  }
0x66: {  	_ =	shalt  }
0x67: {  	_ =	shalt  }
0x68: {  	_ =	shalt  }
0x69: {  	_ =	shalt  }
0x6a: {  	_ =	shalt  }
0x6b: {  	_ =	shalt  }
0x6c: {  	_ =	shalt  }
0x6d: {  	_ =	shalt  }
0x6e: {  	_ =	shalt  }
0x6f: {  	_ =	shalt  }
0x70: {  	_ =	shalt  }
0x71: {  	_ =	shalt  }
0x72: {  	_ =	shalt  }
0x73: {  	_ =	shalt  }
0x74: {  	_ =	shalt  }
0x75: {  	_ =	shalt  }
0x76: {  	_ =	shalt  }
0x77: {  	_ =	shalt  }
0x78: {  	_ =	shalt  }
0x79: {  	_ =	shalt  }
0x7a: {  	_ =	shalt  }
0x7b: {  	_ =	shalt  }
0x7c: {  	_ =	shalt  }
0x7d: {  	_ =	shalt  }
0x7e: {  	_ =	shalt  }
0x7f: {  	_ =	shalt  }
0x80: {  	_ =	shalt  }
0x81: {  	_ =	shalt  }
0x82: {  	_ =	shalt  }
0x83: {  	_ =	shalt  }
0x84: {  	_ =	shalt  }
0x85: {  	_ =	shalt  }
0x86: {  	_ =	shalt  }
0x87: {  	_ =	shalt  }
.Lfunc_end0:
.L_simem_size_0:
called_computation_lowered:
.L_overlay_start_0:
0x88: {  	s2 =	sld [smem:$0x3FD9]  }
0x89: {  	s3 =	sld [smem:$0x3FFE];
	_ =	sdelay $0x1  }
0x8a: {  	s1 =	srdreg.scid  }
0x8b: {  	s0 =	sand.u32 $0x1, s1  }
0x8c: {  	s17 =	sshll.u32 s0, $0xA;
	s2 =	sadd.s32 s3, s2  }
0x8d: {  	s2 =	sadd.s32 s2, s17  }
0x8e: {  	[smem:$0x3FC2] =	sst s2  }
0x8f: {  	_ = 	snop  }
0x90: {  	s2 =	sld [smem:$0x3FD0];
	(tm) =	ssettm $0x1  }
0x91: {  	s18 =	sld [smem:$0x3FFB];
	_ =	sdelay $0x3  }
0x92: {  	_ =	strace s18  }
0x93: {  	s3 =	sld [smem:$0x3FFC];
	_ =	sdelay $0x3  }
0x94: {  	_ =	strace s3  }
0x95: {  	s3 =	sld [smem:$0x3FFD];
	_ =	sdelay $0x3  }
0x96: {  	_ =	strace s3  }
0x97: {  	_ =	strace $0x8FFFFFFF  }
0x98: {  	s19 =	sld [smem:$0x3FDB];
	_ =	sdelay $0x1  }
0x99: {  	s4 =	simm.s32 $_scs_section_size  }
0x9a: {  	s5 =	simm.s32 $_size__tile_overlayer_lowered;
	s6 =	simm.s32 $_tile_overlayer_lowered  }
0x9b: {  	s22 =	simm.s32 $0x1BFF;
	s21 =	sshll.u32 s6, $0x1;
	s3 =	sadd.s32 s4, s19  }
0x9c: {  	s7 =	simm.s32 $0x0;
	s20 =	sshll.u32 s5, $0x1;
	s5 =	sadd.s32 s21, s3  }
0x9d: {  	[timem:s7], [sflag:s22] =	dma.local [hbm:s5], s20  }
0x9e: {  	_ =	swait.ge [sflag:s22], s20  }
0x9f: {  	s4 =	ssub.s32 $0x0, s20;
	[sflag:s22] =	ssyncset.done $0x0  }
0xa0: {  	[sflag:s22] =	ssyncadd.s32 s4;
	_ =	sdelay $0x1  }
0xa1: {  	s23 =	simm.s32 $0x1B8B  }
0xa2: {  	_ =	swait.ge [sflag:s23], $0x1  }
0xa3: {  	[sflag:s23] =	ssyncset.done $0x0  }
0xa4: {  	s25 =	simm.s32 $0x1B8E;
	s24 =	sld [smem:$0x3FFE];
	[sflag:s23] =	ssyncadd.s32 $0xFFFFFFFF  }
0xa5: {  	s26 =	simm.s32 $execute0_lowered;
	[smem:$0x3FD2] =	sst s25  }
0xa6: {  	s5 =	sshll.u32 s26, $0x1;
	_ =	strace $0x80000046;
	[dreg:$0x1] =	wrdreg $0xFFFFFFFF  }
0xa7: {  	s28 =	simm.s32 $_size_execute0_lowered;
	s3 =	sadd.s32 s3, s5;
	[dreg:$0x0] =	wrdreg $0x0  }
0xa8: {  	s5 =	sshll.u32 s28, $0x1;
	[dreg:$0x2] =	wrdreg s3  }
0xa9: {  	[dreg:$0x3] =	wrdreg s5  }
0xaa: {  	[dreg:$0x4] =	wrdreg $0xC0  }
0xab: {  	_ =	task [dreg:s7], $0x5FFFF  }
0xac: {  	[dreg:$0x1] =	wrdreg $0xFFFFFFFF  }
0xad: {  	[dreg:$0x0] =	wrdreg $0x60  }
0xae: {  	[dreg:$0x2] =	wrdreg s2  }
0xaf: {  	[dreg:$0x3] =	wrdreg s24  }
0xb0: {  	[dreg:$0x4] =	wrdreg $0x9  }
0xb1: {  	_ =	task.clear_ibuf [dreg:s7], $0x5FFFF;
	_ =	strace $0x90000046  }
0xb2: {  	s29 =	simm.s32 $0x9;
	_ =	strace $0x80000048  }
0xb3: {  	_ =	swait.ge [sflag:s29], $0x1  }
0xb4: {  	[sflag:s29] =	ssyncadd.s32 $0xFFFFFFFF  }
0xb5: {  	_ =	strace $0x90000048  }
0xb6: {  	_ =	sfence  }
0xb7: {  	s30 =	sld [smem:$0x0];
	_ =	sdelay $0x2  }
0xb8: {  	s31 =	sshll.u32 s1, $0xD;
	s1 =	sshrl.u32 s1, $0x2  }
0xb9: {  	s3 =	sand.u32 $0x4000, s31;
	s1 =	sadd.s32 s1, s30  }
0xba: {  	s0 =	sor.u32 s3, s0;
	s1 =	sshll.u32 s1, $0x11  }
0xbb: {  	s0 =	sor.u32 s1, s0  }
0xbc: {  	s0 =	sadd.s32 $0x8F2B, s0  }
0xbd: {  	[sflag:s0] =	ssyncadd.remote.s32 $0x1  }
0xbe: {  	_ =	sfence.sel $0xFFFF  }
0xbf: {  	[dreg:$0x0] =	wrdreg $0xFFFFFFFF;
	(pc) =	sbr.abs _section_cstart, $3  }
0xc0: {  	[dreg:$0x1] =	wrdreg $0xFFFFFFFF  }
0xc1: {  	_ =	task.clear_ibuf [dreg:s7], $0x2FFFF;
	_ =	strace $0x9FFFFFFF  }
0xc2: {  	(tm) =	ssettm $0x7FFFFFFF  }
0xc3: {  	_ =	shalt  }
tec
execute0_lowered:
.L_overlay_start_1:
0x0: {  	(tag) =	ssettag $0x1  }
0x1: {  	s1 =	srdreg.scid;
	s2 =	rddreg [dreg:$0x0]  }
0x2: {  	s0 =	stileid.u32;
	s5 =	rddreg [dreg:$0x1];
	s6 =	simm.s32 $0x1  }
0x3: {  	s9 =	simm.s32 $0x1;
	s10 =	simm.s32 $0x3;
	s1 =	sshll.u32 s1, $0x6  }
0x4: {  	s13 =	simm.s32 $0x0;
	s3 =	sshll.u32 s0, $0x7;
	s4 =	sand.u32 $0x40, s1  }
0x5: {  	s12 =	simm.s32 $0x0;
	s1 =	rddreg [dreg:$0x2];
	s3 =	sor.u32 s3, s4  }
0x6: {  	_ =	strace $0x80000047;
	s4 =	sadd.s32 $0x200, s5;
	s8 =	ssub.s32 $0x1000, s3  }
.Ltmp0:
0x7: {  	s5 =	sadd.s32 $0x600, s5;
	s7 =	sand.u32 $0x7C0, s8;
	(pc) =	sbr.rel .LBB2_1-.Ltmp0, $4  }
0x8: {  	[sflag:s6] =	ssyncpa.u1 $0x0;
	s11 =	smov.u32 s3;
	p0 =	sne.s32 s7, $0x0  }
0x9: {  	s8 =	sshrl.u32 s8, $0xB;
	s7 =	simm.s32 $0x2;
	s9 =	simm.s32 @!p0 $0x0  }
0xa: {  	[sflag:s7] =	ssyncpa.u1 $0x0;
	p0 =	por $0x0, $0x0;
	s8 =	sadd.s32 s9, s8  }
0xb: {  	vm0 =	vmmov $0xffff;
	[sflag:s10] =	ssyncpa.u1 $0x0;
	s10 =	simm.s32 $0x0;
	s9 =	sadd.s32 $0x1, s8  }
.LBB2_4:
0xc: {  	v5 =	vshrl.u32 v1, $0xC;
	v6 =	vshll.u32 v1, $0x7  }
0xd: {  	vm1 =	veq.s32 v1, $0x80000000;
	v58 =	vand.u32 $0x7, v5;
	v59 =	vand.u32 $0x7FF80, v6  }
0xe: {  	v1 =	vsel vm1, $0xFFFFFFFF, v58;
	v5 =	vsel vm1, $0xFFFFFF80, v59  }
0xf: {  	v3 =	vor.u32 v4, v3;
	v60 =	vand.u32 $0xFFFFFC00, v5;
	v61 =	vand.u32 $0xFFFFFC00, v1  }
0x10: {  	v2 =	vor.u32 v2, v3;
	v63 =	vand.u32 $0x380, v5;
	v62 =	vadd.s32 v61, v60  }
0x11: {  	v1 =	vand.u32 $0x7F, v1;
	v3 =	vor.u32 v63, v62  }
0x12: {  	v1 =	vor.u32 v1, v3  }
0x13: {  	[tilespmem:s15], [sflag:$0x1] =	stream.indirect_vreg.gather [hbm4b:s2+s10], $0x1, v0, vm0, $0x4038;
	[tilespmem:$0x100] =	vst v63  }
0x14: {  	(ifvalue) =	ssetifvalue $0x7FFFFFFF  }
0x15: {  	[tilespmem:s16], [sflag:$0x1] =	stream.indirect_vreg.gather [hbm4b:s2+s10], $0x1, v2, vm0, $0x4038;
	[tilespmem:$0x100] =	vst v63  }
0x16: {  	s29 =	sadd.s32 $0x10, s16;
	(ifvalue) =	ssetifvalue $0x7FFFFFFF  }
0x17: {  	[tilespmem:s29], [sflag:$0x1] =	stream.indirect_vreg.gather [hbm4b:s2+s10], $0x1, v1, vm0, $0x4038;
	[tilespmem:$0x100] =	vst v63  }
0x18: {  	_ =	swait.ge [sflag:s6], $0x40  }
0x19: {  	s30 =	sshrl.u32 s13, $0x3;
	[sflag:s6] =	ssyncset.done $0x0  }
0x1a: {  	s31 =	sand.u32 $0x7, s13;
	s15 =	sadd.s32 s5, s30;
	[sflag:s6] =	ssyncadd.s32 $0xFFFFFFC0  }
0x1b: {  	[hbm4b:s15+s31] =	stream.linear.scatter [tilespmem:s14], [sflag:$0x3], $0x40, $0x38;
	[tilespmem:$0x100] =	vst v63  }
.LBB2_5:
0x1c: {  	s15 =	sadd.s32 $0x800, s11  }
0x1d: {  	p2 =	sgt.s32 s15, $0xFFF  }
0x1e: {  	s15 =	smov.u32 @p2 s3;
	p2 =	sne.s32 s12, s9  }
.Ltmp1:
0x1f: {  	p1 =	slt.u32 s12, $0x2;
	(pc) =	sbr.rel @!p2 .LBB2_6-.Ltmp1, $4  }
0x20: {  	s14 =	simm.s32 @!p1 $0x3  }
0x21: {  	s16 =	sadd.s32 $0x1, s12;
	_ =	swait.ge @!p1 [sflag:s14], $0x40  }
0x22: {  	s13 =	smov.u32 s11;
	p0 =	por !p0, !p0;
	[sflag:s14] =	ssyncset.done @!p1 $0x0  }
0x23: {  	s12 =	smov.u32 s16;
	s11 =	smov.u32 s15;
	[sflag:s14] =	ssyncadd.s32 @!p1 $0xFFFFFFC0  }
.LBB2_1:
0x24: {  	p1 =	sge.u32 s12, s8  }
0x25: {  	s14 =	sxor.u32 @!p1 $0xFFFFFFFF, s12  }
0x26: {  	s31 =	sadd.s32 $0xFFFFFFFF, s12;
	s15 =	sshrl.u32 @!p1 s11, $0x3;
	s14 =	sshll.u32 @!p1 s14, $0x6  }
0x27: {  	s16 =	sand.u32 @!p1 $0x7, s11;
	s15 =	sadd.s32 @!p1 s4, s15;
	s14 =	sand.u32 @!p1 $0x40, s14  }
0x28: {  	[tilespmem:s14], [sflag:$0x2] =	stream.linear.gather @!p1 [hbm4b:s15+s16], $0x40, $0x38;
	[tilespmem:$0x100] =	vst v63  }
0x29: {  	p1 =	sge.u32 s31, s8  }
.Ltmp2:
0x2a: {  	_ = 	snop;
	(pc) =	sbr.rel @p1 .LBB2_5-.Ltmp2, $1  }
0x2b: {  	_ =	sdelay $0x3  }
0x2c: {  	s14 =	simm.s32 $0x1  }
0x2d: {  	_ =	swait.ge [sflag:s7], $0x40;
	s14 =	simm.s32 @!p0 $0x0  }
0x2e: {  	[sflag:s7] =	ssyncset.done $0x0;
	s14 =	sshll.u32 s14, $0x6  }
0x2f: {  	[sflag:s7] =	ssyncadd.s32 $0xFFFFFFC0;
	(ifvalue) =	ssetifvalue $0x7FFFFFFF;
	v0 =	vld.msk [tilespmem:s14+$0x0 ss:$0x1], $0xffff;
	_ =	sdelay $0x4  }
0x30: {  	s15 =	sadd.s32 $0x10, s14;
	v2 =	vshrl.u32 v0, $0xC;
	v3 =	vshll.u32 v0, $0x7  }
0x31: {  	v1 =	vld.msk [tilespmem:s15+$0x0 ss:$0x1], $0xffff;
	vm1 =	veq.s32 v0, $0x80000000;
	v0 =	vand.u32 $0x7, v2;
	v2 =	vand.u32 $0x7FF80, v3  }
0x32: {  	v0 =	vsel vm1, $0xFFFFFFFF, v0;
	v2 =	vsel vm1, $0xFFFFFF80, v2  }
0x33: {  	v3 =	vand.u32 $0xFFFFFC00, v2;
	v4 =	vand.u32 $0xFFFFFC00, v0  }
0x34: {  	v2 =	vand.u32 $0x380, v2;
	v3 =	vadd.s32 v4, v3  }
0x35: {  	v0 =	vand.u32 $0x7F, v0;
	v2 =	vor.u32 v2, v3  }
0x36: {  	v5 =	vshll.u32 v1, $0x7;
	v4 =	vshrl.u32 v1, $0xC;
	v0 =	vor.u32 v0, v2  }
0x37: {  	s16 =	sshll.u32 s12, $0x6;
	vm1 =	veq.s32 v1, $0x80000000;
	v1 =	vand.u32 $0x7, v4;
	v4 =	vand.u32 $0x7FF80, v5  }
0x38: {  	s16 =	sand.u32 $0x40, s16;
	s18 =	sadd.s32 $0x10, s15;
	v3 =	vsel vm1, $0xFFFFFFFF, v1;
	v4 =	vsel vm1, $0xFFFFFF80, v4  }
0x39: {  	s17 =	simm.s32 $0x20;
	s15 =	sor.u32 $0x80, s14;
	s14 =	sor.u32 $0x80, s16;
	v1 =	vld.msk [tilespmem:s18+$0x0 ss:$0x1], $0xffff;
	v5 =	vand.u32 $0xFFFFFC00, v4;
	v6 =	vand.u32 $0xFFFFFC00, v3  }
0x3a: {  	s16 =	sadd.s32 $0x10, s15;
	s18 =	sadd.s32 $0x10, s18;
	(ifvalue) =	ssetifvalue $0x7FFFFFFF;
	v2 =	vand.u32 $0x7F, v3;
	v4 =	vand.u32 $0x380, v4;
	v3 =	vadd.s32 v6, v5  }
.LBB2_3:
0x3b: {  	[tilespmem:s15], [sflag:$0x1] =	stream.indirect_vreg.gather [hbm4b:s2+s10], $0x1, v0, vm0, $0x4038;
	[tilespmem:$0x100] =	vst v63  }
0x3c: {  	s17 =	sadd.s32 $0x10, s17  }
0x3d: {  	v3 =	vor.u32 v4, v3;
	p1 =	slt.u32 s17, $0x30  }
.Ltmp3:
0x3e: {  	v4 =	vshrl.u32 v1, $0xC;
	v5 =	vshll.u32 v1, $0x7;
	s15 =	smov.u32 s16;
	v0 =	vor.u32 v2, v3;
	v2 =	vmovc v1;
	v1 =	vld.msk [tilespmem:s18+$0x0 ss:$0x1], $0xffff;
	(pc) =	sbr.rel @p1 .LBB2_3-.Ltmp3, $4  }
0x3f: {  	v3 =	vand.u32 $0x7FF80, v5;
	vm1 =	veq.s32 v2, $0x80000000;
	v2 =	vand.u32 $0x7, v4  }
0x40: {  	v4 =	vsel vm1, $0xFFFFFFFF, v2;
	v5 =	vsel vm1, $0xFFFFFF80, v3  }
0x41: {  	v2 =	vand.u32 $0x7F, v4;
	v3 =	vand.u32 $0xFFFFFC00, v5;
	v4 =	vand.u32 $0xFFFFFC00, v4  }
0x42: {  	s16 =	sadd.s32 $0x10, s16;
	s18 =	sadd.s32 $0x10, s18;
	v3 =	vadd.s32 v4, v3;
	v4 =	vand.u32 $0x380, v5;
	(ifvalue) =	ssetifvalue $0x7FFFFFFF  }
.Ltmp4:
0x43: {  	_ = 	snop;
	(pc) =	sbr.rel .LBB2_4-.Ltmp4, $1  }
0x44: {  	_ =	sdelay $0x3  }
.LBB2_6:
0x45: {  	_ =	sfence.sel $0x180000  }
0x46: {  	s2 =	simm.s32 $0x2;
	[bflag:$0x0] =	sbarrier.arrive $0xFFFF  }
0x47: {  	s30 =	simm.s32 $0x3;
	[sflag:s2] =	ssyncpa.u1 $0x1  }
0x48: {  	s31 =	simm.s32 $0x1;
	[sflag:s30] =	ssyncpa.u1 $0x1  }
0x49: {  	[sflag:s31] =	ssyncpa.u1 $0x1  }
0x4a: {  	p0 =	sne.s32 s0, $0x0;
	_ =	strace $0x90000047  }
0x4b: {  	s0 =	sadd.s32 @!p0 $0x100000, s1;
	[bflag:$0x2] =	sbarrier.arrive $0xFFFF  }
0x4c: {  	[sflag:s0] =	ssyncadd.tile.s32 @!p0 $0x1;
	_ =	shalt  }
.Lfunc_end2:
_tile_overlayer_lowered:
.L_overlay_start_2:
0x4d: {  	(tag) =	ssettag $0x2  }
0x4e: {  	s0 =	rddreg [dreg:$0x0];
	s2 =	stileid.u32  }
0x4f: {  	s1 =	rddreg [dreg:$0x1];
	p0 =	sne.s32 s2, $0x0  }
0x50: {  	s3 =	rddreg [dreg:$0x2];
	[bflag:$0x3] =	sbarrier.arrive $0xFFFF;
	s2 =	simm.s32 @!p0 $0x1C01  }
0x51: {  	[timem:s3], [sflag:s2] =	dma.local @!p0 [hbm:s0], s1  }
0x52: {  	s0 =	simm.s32 @!p0 $0x1  }
0x53: {  	_ =	swait.ge @!p0 [sflag:s0], s1  }
0x54: {  	s1 =	ssub.s32 @!p0 $0x0, s1;
	[sflag:s0] =	ssyncset.done @!p0 $0x0  }
0x55: {  	[sflag:s0] =	ssyncadd.s32 @!p0 s1  }
0x56: {  	[bflag:$0x3] =	sbarrier.arrive $0xFFFF  }
0x57: {  	_ =	shalt  }

// kernel: kernel.5.cloned.1.call-start
scs
__scs_entry_jumppad:
0x0: {  	(pc) =	sbr.rel $0x88, $3  }
0x1: {  	(tag) =	ssettag $0x0;
	lr =	simm.s32 $0x1  }
0x2: {  	[smem:$0x3F9B] =	sst lr;
	_ =	strace $0xD0000000  }
0x3: {  	_ = 	snop  }
0x4: {  	_ = 	snop  }
0x5: {  	_ = 	snop  }
0x6: {  	_ = 	snop  }
0x7: {  	_ = 	snop  }
__scs_overlays_trampoline_lowered:
0x8: {  	[smem:$0x3FAA] =	sst s0  }
0x9: {  	[smem:$0x3FAB] =	sst s1  }
0xa: {  	[smem:$0x3FAC] =	sst s2  }
0xb: {  	[smem:$0x3FAD] =	sst s3  }
0xc: {  	[smem:$0x3FAE] =	sst s4  }
0xd: {  	[smem:$0x3FAF] =	sst s5  }
0xe: {  	[smem:$0x3FB0] =	sst s6  }
0xf: {  	[smem:$0x3FB1] =	sst s7  }
0x10: {  	[smem:$0x3FB2] =	sst s8  }
0x11: {  	[smem:$0x3FB3] =	sst s9;
	s0 =	simm.s32 @!p0 $0x0  }
0x12: {  	s1 =	sld [smem:$0x3F99];
	s0 =	simm.s32 @p0 $0x1  }
0x13: {  	[smem:$0x3FB4] =	sst s0;
	s0 =	simm.s32 @!p1 $0x0  }
0x14: {  	s2 =	sld [smem:$0x3F98];
	s0 =	simm.s32 @p1 $0x1  }
0x15: {  	[smem:$0x3FB5] =	sst s0;
	s0 =	simm.s32 @!p2 $0x0  }
0x16: {  	s3 =	sld [smem:$0x3FDB];
	s0 =	simm.s32 @p2 $0x1  }
0x17: {  	s4 =	simm.s32 $0x1BF5;
	[smem:$0x3FB7] =	sst s0  }
0x18: {  	s0 =	sld [smem:$0x3F9A];
	_ =	swait.ge [sflag:s4], $0x0  }
0x19: {  	s7 =	sld [smem:$0x3F9B]  }
0x1a: {  	s8 =	sadd.s32 $0xFFFFE003, lr  }
0x1b: {  	s9 =	sadd.s32 $0xFFFFFEF7, lr;
	s5 =	simm.s32 $0xFFFFFFFF;
	p2 =	slt.u32 s8, $0xFFFFF086  }
0x1c: {  	p1 =	slt.u32 s9, $0xF7A;
	s5 =	simm.s32 @!p2 $0x0  }
0x1d: {  	s5 =	simm.s32 @p1 $0x1;
	p0 =	seq.s32 s7, s2  }
0x1e: {  	s7 =	smul.u32 @!p0 $0xF7A, s2;
	p2 =	seq.s32 @!p0 s5, $0x0  }
0x1f: {  	s9 =	smul.u32 $0xF7A, s1;
	s8 =	simm.s32 @!p0 $0x1BF5;
	p2 =	por !p2, p0  }
0x20: {  	[sflag:s8] =	ssyncset.s32 @!p0 $0xFFFFF086;
	s6 =	sadd.s32 @!p0 s3, s7;
	s7 =	simm.s32 @!p0 $0x108  }
0x21: {  	s3 =	sadd.s32 s3, s9;
	s6 =	sadd.s32 @!p0 $0x88, s6;
	s7 =	simm.s32 @p2 $0x1082  }
0x22: {  	[simem:s7], [sflag:s8] =	dma.local @!p0 [hbm:s6], $0xF7A  }
0x23: {  	s9 =	sor.u32 $0xD0000000, s2;
	s6 =	simm.s32 $0x108;
	_ =	swait.ge @!p0 [sflag:s8], $0x0  }
0x24: {  	s3 =	sadd.s32 $0x88, s3;
	s6 =	simm.s32 @!p1 $0x1082;
	[sflag:s4] =	ssyncset.s32 $0xFFFFF086  }
0x25: {  	[simem:s6], [sflag:s4] =	dma.local [hbm:s3], $0xF7A  }
0x26: {  	[smem:$0x3F9B] =	sst s1;
	(tag) =	ssettag s2;
	_ =	strace s9  }
0x27: {  	s1 =	sld [smem:$0x3FAB]  }
0x28: {  	s2 =	sld [smem:$0x3FAC]  }
0x29: {  	s4 =	sld [smem:$0x3FAE]  }
0x2a: {  	p0 =	seq.s32 s5, $0x0;
	s5 =	sld [smem:$0x3FAF]  }
0x2b: {  	s6 =	sld [smem:$0x3FB0]  }
0x2c: {  	s7 =	sld [smem:$0x3FB1]  }
0x2d: {  	s3 =	simm.s32 $0x108;
	s8 =	sld [smem:$0x3FB2]  }
0x2e: {  	s3 =	simm.s32 @!p0 $0x1082;
	s9 =	sld [smem:$0x3FB3]  }
0x2f: {  	lr =	sadd.s32 s0, s3;
	s0 =	sld [smem:$0x3FAA]  }
0x30: {  	s3 =	sld [smem:$0x3FAD]  }
0x31: {  	[smem:$0x3FB6] =	sst s10  }
0x32: {  	s10 =	sld [smem:$0x3FB4];
	_ =	sdelay $0x3  }
0x33: {  	p0 =	seq.s32 s10, $0x1;
	s10 =	sld [smem:$0x3FB6];
	_ =	sdelay $0x3  }
0x34: {  	[smem:$0x3FB6] =	sst s10  }
0x35: {  	s10 =	sld [smem:$0x3FB5];
	_ =	sdelay $0x3  }
0x36: {  	p1 =	seq.s32 s10, $0x1;
	s10 =	sld [smem:$0x3FB6];
	_ =	sdelay $0x3  }
0x37: {  	[smem:$0x3FB6] =	sst s10  }
0x38: {  	s10 =	sld [smem:$0x3FB7]  }
0x39: {  	_ = 	snop;
	(pc) =	sbr.ind lr, $3  }
0x3a: {  	_ = 	snop  }
0x3b: {  	_ = 	snop  }
0x3c: {  	p2 =	seq.s32 s10, $0x1;
	s10 =	sld [smem:$0x3FB6]  }
0x3d: {  	_ =	shalt  }
0x3e: {  	_ =	shalt  }
0x3f: {  	_ =	shalt  }
0x40: {  	_ =	shalt  }
0x41: {  	_ =	shalt  }
0x42: {  	_ =	shalt  }
0x43: {  	_ =	shalt  }
0x44: {  	_ =	shalt  }
0x45: {  	_ =	shalt  }
0x46: {  	_ =	shalt  }
0x47: {  	_ =	shalt  }
0x48: {  	_ =	shalt  }
0x49: {  	_ =	shalt  }
0x4a: {  	_ =	shalt  }
0x4b: {  	_ =	shalt  }
0x4c: {  	_ =	shalt  }
0x4d: {  	_ =	shalt  }
0x4e: {  	_ =	shalt  }
0x4f: {  	_ =	shalt  }
0x50: {  	_ =	shalt  }
0x51: {  	_ =	shalt  }
0x52: {  	_ =	shalt  }
0x53: {  	_ =	shalt  }
0x54: {  	_ =	shalt  }
0x55: {  	_ =	shalt  }
0x56: {  	_ =	shalt  }
0x57: {  	_ =	shalt  }
0x58: {  	_ =	shalt  }
0x59: {  	_ =	shalt  }
0x5a: {  	_ =	shalt  }
0x5b: {  	_ =	shalt  }
0x5c: {  	_ =	shalt  }
0x5d: {  	_ =	shalt  }
0x5e: {  	_ =	shalt  }
0x5f: {  	_ =	shalt  }
0x60: {  	_ =	shalt  }
0x61: {  	_ =	shalt  }
0x62: {  	_ =	shalt  }
0x63: {  	_ =	shalt  }
0x64: {  	_ =	shalt  }
0x65: {  	_ =	shalt  }
0x66: {  	_ =	shalt  }
0x67: {  	_ =	shalt  }
0x68: {  	_ =	shalt  }
0x69: {  	_ =	shalt  }
0x6a: {  	_ =	shalt  }
0x6b: {  	_ =	shalt  }
0x6c: {  	_ =	shalt  }
0x6d: {  	_ =	shalt  }
0x6e: {  	_ =	shalt  }
0x6f: {  	_ =	shalt  }
0x70: {  	_ =	shalt  }
0x71: {  	_ =	shalt  }
0x72: {  	_ =	shalt  }
0x73: {  	_ =	shalt  }
0x74: {  	_ =	shalt  }
0x75: {  	_ =	shalt  }
0x76: {  	_ =	shalt  }
0x77: {  	_ =	shalt  }
0x78: {  	_ =	shalt  }
0x79: {  	_ =	shalt  }
0x7a: {  	_ =	shalt  }
0x7b: {  	_ =	shalt  }
0x7c: {  	_ =	shalt  }
0x7d: {  	_ =	shalt  }
0x7e: {  	_ =	shalt  }
0x7f: {  	_ =	shalt  }
0x80: {  	_ =	shalt  }
0x81: {  	_ =	shalt  }
0x82: {  	_ =	shalt  }
0x83: {  	_ =	shalt  }
0x84: {  	_ =	shalt  }
0x85: {  	_ =	shalt  }
0x86: {  	_ =	shalt  }
0x87: {  	_ =	shalt  }
.Lfunc_end0:
.L_simem_size_0:
called_computation.1_lowered:
.L_overlay_start_0:
0x88: {  	s2 =	sld [smem:$0x3FD9]  }
0x89: {  	s3 =	sld [smem:$0x3FFE];
	_ =	sdelay $0x1  }
0x8a: {  	s1 =	srdreg.scid  }
0x8b: {  	s0 =	sand.u32 $0x1, s1  }
0x8c: {  	s17 =	sshll.u32 s0, $0xA;
	s2 =	sadd.s32 s3, s2  }
0x8d: {  	s2 =	sadd.s32 s2, s17  }
0x8e: {  	[smem:$0x3FC2] =	sst s2  }
0x8f: {  	_ = 	snop  }
0x90: {  	s2 =	sld [smem:$0x3FC9]  }
0x91: {  	s18 =	sld [smem:$0x3FD0];
	(tm) =	ssettm $0x1  }
0x92: {  	s4 =	sld [smem:$0x3FFB];
	_ =	sdelay $0x3  }
0x93: {  	_ =	strace s4  }
0x94: {  	s4 =	sld [smem:$0x3FFC];
	_ =	sdelay $0x3  }
0x95: {  	_ =	strace s4  }
0x96: {  	s4 =	sld [smem:$0x3FFD];
	_ =	sdelay $0x3  }
0x97: {  	_ =	strace s4  }
0x98: {  	_ =	strace $0x8FFFFFFF  }
0x99: {  	s19 =	sld [smem:$0x3FDB];
	_ =	sdelay $0x1  }
0x9a: {  	s5 =	simm.s32 $_scs_section_size  }
0x9b: {  	s6 =	simm.s32 $_size__tile_overlayer_lowered;
	s7 =	simm.s32 $_tile_overlayer_lowered  }
0x9c: {  	s22 =	simm.s32 $0x1BFF;
	s21 =	sshll.u32 s7, $0x1;
	s4 =	sadd.s32 s5, s19  }
0x9d: {  	s8 =	simm.s32 $0x0;
	s20 =	sshll.u32 s6, $0x1;
	s6 =	sadd.s32 s21, s4  }
0x9e: {  	[timem:s8], [sflag:s22] =	dma.local [hbm:s6], s20  }
0x9f: {  	_ =	swait.ge [sflag:s22], s20  }
0xa0: {  	s5 =	ssub.s32 $0x0, s20;
	[sflag:s22] =	ssyncset.done $0x0  }
0xa1: {  	[sflag:s22] =	ssyncadd.s32 s5;
	_ =	sdelay $0x1  }
0xa2: {  	s23 =	simm.s32 $0x1B8B  }
0xa3: {  	_ =	swait.ge [sflag:s23], $0x1  }
0xa4: {  	[sflag:s23] =	ssyncset.done $0x0  }
0xa5: {  	s25 =	simm.s32 $0x1B8E;
	s24 =	sld [smem:$0x3FFE];
	[sflag:s23] =	ssyncadd.s32 $0xFFFFFFFF  }
0xa6: {  	s26 =	simm.s32 $execute0_lowered;
	[smem:$0x3FD2] =	sst s25  }
0xa7: {  	s6 =	sshll.u32 s26, $0x1;
	_ =	strace $0x80000049;
	[dreg:$0x1] =	wrdreg $0xFFFFFFFF  }
0xa8: {  	s28 =	simm.s32 $_size_execute0_lowered;
	s4 =	sadd.s32 s4, s6;
	[dreg:$0x0] =	wrdreg $0x0  }
0xa9: {  	s6 =	sshll.u32 s28, $0x1;
	[dreg:$0x2] =	wrdreg s4  }
0xaa: {  	[dreg:$0x3] =	wrdreg s6  }
0xab: {  	[dreg:$0x4] =	wrdreg $0xC0  }
0xac: {  	_ =	task [dreg:s8], $0x5FFFF  }
0xad: {  	[dreg:$0x1] =	wrdreg $0xFFFFFFFF  }
0xae: {  	[dreg:$0x0] =	wrdreg $0x60  }
0xaf: {  	[dreg:$0x2] =	wrdreg s24  }
0xb0: {  	[dreg:$0x3] =	wrdreg s2  }
0xb1: {  	[dreg:$0x4] =	wrdreg s18  }
0xb2: {  	[dreg:$0x5] =	wrdreg $0x9  }
0xb3: {  	_ =	task.clear_ibuf [dreg:s8], $0x6FFFF;
	_ =	strace $0x90000049  }
0xb4: {  	s29 =	simm.s32 $0x9;
	_ =	strace $0x8000004B  }
0xb5: {  	_ =	swait.ge [sflag:s29], $0x1  }
0xb6: {  	[sflag:s29] =	ssyncadd.s32 $0xFFFFFFFF  }
0xb7: {  	_ =	strace $0x9000004B  }
0xb8: {  	_ =	sfence  }
0xb9: {  	s30 =	sld [smem:$0x0];
	_ =	sdelay $0x2  }
0xba: {  	s31 =	sshll.u32 s1, $0xD;
	s1 =	sshrl.u32 s1, $0x2  }
0xbb: {  	s3 =	sand.u32 $0x4000, s31;
	s1 =	sadd.s32 s1, s30  }
0xbc: {  	s0 =	sor.u32 s3, s0;
	s1 =	sshll.u32 s1, $0x11  }
0xbd: {  	s0 =	sor.u32 s1, s0  }
0xbe: {  	s0 =	sadd.s32 $0x8F2B, s0  }
0xbf: {  	[sflag:s0] =	ssyncadd.remote.s32 $0x1  }
0xc0: {  	_ =	sfence.sel $0xFFFF  }
0xc1: {  	[dreg:$0x0] =	wrdreg $0xFFFFFFFF;
	(pc) =	sbr.abs _section_cstart, $3  }
0xc2: {  	[dreg:$0x1] =	wrdreg $0xFFFFFFFF  }
0xc3: {  	_ =	task.clear_ibuf [dreg:s8], $0x2FFFF;
	_ =	strace $0x9FFFFFFF  }
0xc4: {  	(tm) =	ssettm $0x7FFFFFFF  }
0xc5: {  	_ =	shalt  }
tec
execute0_lowered:
.L_overlay_start_1:
0x0: {  	(tag) =	ssettag $0x1  }
0x1: {  	s3 =	rddreg [dreg:$0x0]  }
0x2: {  	s1 =	simm.s32 $0x0;
	s0 =	srdreg.scid;
	s4 =	stileid.u32  }
0x3: {  	s13 =	simm.s32 $0x3;
	s19 =	simm.s32 $0x2100;
	s20 =	simm.s32 $0x2900  }
0x4: {  	s21 =	simm.s32 $0x3100;
	s22 =	simm.s32 $0x3900;
	s23 =	simm.s32 $0x4100  }
0x5: {  	s28 =	simm.s32 $0x6100;
	s29 =	simm.s32 $0x6900;
	s30 =	simm.s32 $0x7100  }
0x6: {  	s31 =	simm.s32 $0x7900;
	s5 =	simm.s32 $0x1;
	s12 =	simm.s32 $0x2  }
0x7: {  	[smem:$0x7FF] =	sst s1;
	s0 =	sand.u32 $0x1, s0;
	s6 =	sadd.s32 $0x400, s3  }
0x8: {  	s7 =	sadd.s32 $0x200, s3;
	s25 =	sshll.u32 s4, $0x7;
	s9 =	sadd.s32 $0x500, s3  }
0x9: {  	v0 =	vlaneseq.u32;
	s10 =	sadd.s32 $0x600, s3;
	s11 =	sadd.s32 $0x700, s3;
	s24 =	ssub.s32 $0x2, s0  }
0xa: {  	v1 =	vand.u32 $0x7, v0;
	v63 =	vshrl.u32 v0, $0x3;
	_ =	strace $0x8000004A;
	s0 =	sshll.u32 s0, $0x6;
	s2 =	sshrl.u32 s24, $0x1  }
0xb: {  	v0 =	vor.u32 $0x8, v0;
	[tilespmem:$0x1FFD0] =	vst v1;
	v1 =	vmul.u32 $0x8, v63;
	s8 =	sor.u32 s0, s25;
	s25 =	simm.s32 $0x5100;
	s1 =	ssub.s32 s24, s2  }
0xc: {  	[tilespmem:$0x1FFF0] =	vst v0;
	s0 =	simm.s32 $0x8100;
	s24 =	simm.s32 $0x4900;
	s26 =	smax.u32 s1, $0x1  }
0xd: {  	vm0 =	vmmov $0xffff;
	[tilespmem:$0x1FFE0] =	vst v1;
	s2 =	simm.s32 $0x0;
	[dreg:$0x4] =	wrdreg s26;
	s26 =	simm.s32 $0x5900  }
.LBB2_1:
0xe: {  	[dreg:$0x5] =	wrdreg s2;
	s2 =	simm.s32 $0x0  }
.LBB2_2:
0xf: {  	s1 =	sshll.u32 s2, $0x4  }
0x10: {  	s1 =	sadd.s32 s8, s1  }
0x11: {  	s4 =	sshrl.u32 s1, $0x3  }
0x12: {  	s3 =	simm.s32 $0x0;
	s14 =	sadd.s32 s7, s4  }
0x13: {  	[tilespmem:s3], [sflag:$0x3] =	stream.linear.gather [hbm4b:s14+s3], $0x10, $0x38;
	[tilespmem:$0xC100] =	vst v63  }
0x14: {  	_ =	swait.ge [sflag:s13], $0x10  }
0x15: {  	[sflag:s13] =	ssyncset.done $0x0  }
0x16: {  	[sflag:s13] =	ssyncadd.s32 $0xFFFFFFF0  }
0x17: {  	s17 =	rddreg [dreg:$0x0]  }
0x18: {  	s18 =	simm.s32 $0x80;
	s4 =	sadd.s32 s17, s4  }
0x19: {  	[tilespmem:s18], [sflag:$0x3] =	stream.linear.gather [hbm4b:s4+s3], $0x10, $0x38;
	[tilespmem:$0xC100] =	vst v63  }
0x1a: {  	_ =	swait.ge [sflag:s13], $0x10  }
0x1b: {  	[sflag:s13] =	ssyncset.done $0x0  }
0x1c: {  	[sflag:s13] =	ssyncadd.s32 $0xFFFFFFF0  }
0x1d: {  	v0 =	vld [tilespmem:$0x0];
	_ =	sdelay $0x2  }
0x1e: {  	v2 =	vld [tilespmem:$0x1FFD0];
	_ =	sdelay $0x1  }
0x1f: {  	v3 =	vld [tilespmem:$0x1FFE0];
	v1 =	vshll.u32 v0, $0x3  }
0x20: {  	v0 =	vand.u32 $0x7, v0;
	v1 =	vand.u32 $0xFFFFFFC0, v1  }
0x21: {  	v0 =	vor.u32 v0, v1  }
0x22: {  	v1 =	vperm.xlane v0, v2;
	_ =	sdelay $0x1  }
0x23: {  	v1 =	vadd.s32 v3, v1  }
0x24: {  	v4 =	vld [tilespmem:$0x1FFF0];
	_ =	sdelay $0x2  }
0x25: {  	s14 =	simm.s32 $0x100  }
0x26: {  	[tilespmem:s14], [sflag:$0x1] =	stream.indirect_vreg.gather [hbm4b:s6+s3], $0x80, v1, vm0, $0xb8;
	[tilespmem:$0xC100] =	vst v63  }
0x27: {  	s15 =	simm.s32 $0x900;
	v0 =	vperm.xlane v0, v4  }
0x28: {  	[tilespmem:s15], [sflag:$0x1] =	stream.indirect_vreg.gather [hbm4b:s9+s3], $0x80, v1, vm0, $0xb8;
	[tilespmem:$0xC100] =	vst v63  }
0x29: {  	s16 =	simm.s32 $0x1100;
	v0 =	vadd.s32 v3, v0  }
0x2a: {  	[tilespmem:s16], [sflag:$0x1] =	stream.indirect_vreg.gather [hbm4b:s10+s3], $0x80, v1, vm0, $0xb8;
	[tilespmem:$0xC100] =	vst v63  }
0x2b: {  	s17 =	simm.s32 $0x1900  }
0x2c: {  	[tilespmem:s17], [sflag:$0x1] =	stream.indirect_vreg.gather [hbm4b:s11+s3], $0x80, v1, vm0, $0xb8;
	[tilespmem:$0xC100] =	vst v63  }
0x2d: {  	_ = 	snop  }
0x2e: {  	[tilespmem:s19], [sflag:$0x1] =	stream.indirect_vreg.gather [hbm4b:s6+s3], $0x80, v0, vm0, $0xb8;
	[tilespmem:$0xC100] =	vst v63  }
0x2f: {  	_ = 	snop  }
0x30: {  	[tilespmem:s20], [sflag:$0x1] =	stream.indirect_vreg.gather [hbm4b:s9+s3], $0x80, v0, vm0, $0xb8;
	[tilespmem:$0xC100] =	vst v63  }
0x31: {  	_ = 	snop  }
0x32: {  	[tilespmem:s21], [sflag:$0x1] =	stream.indirect_vreg.gather [hbm4b:s10+s3], $0x80, v0, vm0, $0xb8;
	[tilespmem:$0xC100] =	vst v63  }
0x33: {  	_ = 	snop  }
0x34: {  	[tilespmem:s22], [sflag:$0x1] =	stream.indirect_vreg.gather [hbm4b:s11+s3], $0x80, v0, vm0, $0xb8;
	[tilespmem:$0xC100] =	vst v63  }
0x35: {  	v0 =	vld [tilespmem:$0x80];
	_ =	sdelay $0x4  }
0x36: {  	v63 =	vshll.u32 v0, $0x3  }
0x37: {  	v0 =	vand.u32 $0x7, v0;
	v1 =	vand.u32 $0xFFFFFFC0, v63  }
0x38: {  	v0 =	vor.u32 v0, v1  }
0x39: {  	v1 =	vperm.xlane v0, v2;
	_ =	sdelay $0x1  }
0x3a: {  	v1 =	vadd.s32 v3, v1;
	_ =	sdelay $0x4  }
0x3b: {  	[tilespmem:s23], [sflag:$0x2] =	stream.indirect_vreg.gather [hbm4b:s6+s3], $0x80, v1, vm0, $0xb8;
	[tilespmem:$0xC100] =	vst v63  }
0x3c: {  	v0 =	vperm.xlane v0, v4  }
0x3d: {  	[tilespmem:s24], [sflag:$0x2] =	stream.indirect_vreg.gather [hbm4b:s9+s3], $0x80, v1, vm0, $0xb8;
	[tilespmem:$0xC100] =	vst v63  }
0x3e: {  	v0 =	vadd.s32 v3, v0  }
0x3f: {  	[tilespmem:s25], [sflag:$0x2] =	stream.indirect_vreg.gather [hbm4b:s10+s3], $0x80, v1, vm0, $0xb8;
	[tilespmem:$0xC100] =	vst v63  }
0x40: {  	_ = 	snop  }
0x41: {  	[tilespmem:s26], [sflag:$0x2] =	stream.indirect_vreg.gather [hbm4b:s11+s3], $0x80, v1, vm0, $0xb8;
	[tilespmem:$0xC100] =	vst v63  }
0x42: {  	_ = 	snop  }
0x43: {  	[tilespmem:s28], [sflag:$0x2] =	stream.indirect_vreg.gather [hbm4b:s6+s3], $0x80, v0, vm0, $0xb8;
	[tilespmem:$0xC100] =	vst v63  }
0x44: {  	_ = 	snop  }
0x45: {  	[tilespmem:s29], [sflag:$0x2] =	stream.indirect_vreg.gather [hbm4b:s9+s3], $0x80, v0, vm0, $0xb8;
	[tilespmem:$0xC100] =	vst v63  }
0x46: {  	_ = 	snop  }
0x47: {  	[tilespmem:s30], [sflag:$0x2] =	stream.indirect_vreg.gather [hbm4b:s10+s3], $0x80, v0, vm0, $0xb8;
	[tilespmem:$0xC100] =	vst v63  }
0x48: {  	s1 =	sshll.u32 s1, $0x7;
	s18 =	rddreg [dreg:$0x1]  }
0x49: {  	[tilespmem:s31], [sflag:$0x2] =	stream.indirect_vreg.gather [hbm4b:s11+s3], $0x80, v0, vm0, $0xb8;
	[tilespmem:$0xC100] =	vst v63  }
0x4a: {  	s4 =	sadd.s32 s18, s1  }
0x4b: {  	[tilespmem:s0], [sflag:$0x3] =	stream.linear.gather [hbm4b:s4+s3], $0x4000, $0x38;
	[tilespmem:$0xC100] =	vst v63  }
0x4c: {  	_ =	swait.ge [sflag:s13], $0x4000  }
0x4d: {  	[sflag:s13] =	ssyncset.done $0x0  }
0x4e: {  	[sflag:s13] =	ssyncadd.s32 $0xFFFFC000  }
0x4f: {  	_ =	swait.ge [sflag:s5], $0x4000  }
0x50: {  	[sflag:s5] =	ssyncset.done $0x0  }
0x51: {  	[sflag:s5] =	ssyncadd.s32 $0xFFFFC000  }
0x52: {  	_ =	swait.ge [sflag:s12], $0x4000  }
0x53: {  	s14 =	simm.s32 $0x0;
	[sflag:s12] =	ssyncset.done $0x0  }
0x54: {  	s15 =	simm.s32 $0x0;
	s4 =	simm.s32 $0xFFFFC000;
	[sflag:s12] =	ssyncadd.s32 $0xFFFFC000  }
.LBB2_3:
0x55: {  	s16 =	sadd.s32 $0x4000, s4  }
0x56: {  	s17 =	sand.u32 $0x380, s15;
	s16 =	sand.u32 $0x2000, s16  }
0x57: {  	s16 =	sor.u32 s17, s16  }
0x58: {  	v62 =	vld [tilespmem:s16+$0x4960];
	_ =	sdelay $0x4  }
0x59: {  	[tilespmem:$0x1FCF0] =	vst v62;
	v62 =	vld [tilespmem:s16+$0x8970];
	_ =	sdelay $0x4  }
0x5a: {  	[tilespmem:$0x1FCE0] =	vst v62;
	v62 =	vld [tilespmem:s16+$0x4970];
	_ =	sdelay $0x4  }
0x5b: {  	[tilespmem:$0x1FD20] =	vst v62;
	v62 =	vld [tilespmem:s16+$0x8D00];
	_ =	sdelay $0x4  }
0x5c: {  	[tilespmem:$0x1FD00] =	vst v62;
	v62 =	vld [tilespmem:s16+$0xD00];
	_ =	sdelay $0x4  }
0x5d: {  	[tilespmem:$0x1FD10] =	vst v62;
	v62 =	vld [tilespmem:s16+$0x4D00];
	_ =	sdelay $0x4  }
0x5e: {  	[tilespmem:$0x1FD50] =	vst v62;
	v62 =	vld [tilespmem:s16+$0x8D10];
	_ =	sdelay $0x4  }
0x5f: {  	[tilespmem:$0x1FD30] =	vst v62;
	v62 =	vld [tilespmem:s16+$0xD10];
	_ =	sdelay $0x1  }
0x60: {  	v3 =	vld [tilespmem:s16+$0x8100]  }
0x61: {  	v7 =	vld [tilespmem:s16+$0x100]  }
0x62: {  	v19 =	vld [tilespmem:s16+$0x4100]  }
0x63: {  	[tilespmem:$0x1FD40] =	vst v62;
	v62 =	vld [tilespmem:s16+$0x4D10]  }
0x64: {  	v20 =	vld [tilespmem:s16+$0x8110]  }
0x65: {  	v30 =	vld [tilespmem:s16+$0x110]  }
0x66: {  	v43 =	vld [tilespmem:s16+$0x4110]  }
0x67: {  	v47 =	vld [tilespmem:s16+$0x8120]  }
0x68: {  	[tilespmem:$0x1FD80] =	vst v62;
	v62 =	vld [tilespmem:s16+$0x8D20]  }
0x69: {  	v57 =	vld [tilespmem:s16+$0x120]  }
0x6a: {  	v12 =	vld [tilespmem:s16+$0x4120]  }
0x6b: {  	v1 =	vld [tilespmem:s16+$0x8130]  }
0x6c: {  	v0 =	vld [tilespmem:s16+$0x130]  }
0x6d: {  	[tilespmem:$0x1FD60] =	vst v62;
	v62 =	vld [tilespmem:s16+$0xD20]  }
0x6e: {  	v15 =	vld [tilespmem:s16+$0x4130]  }
0x6f: {  	v4 =	vld [tilespmem:s16+$0x8140]  }
0x70: {  	v2 =	vld [tilespmem:s16+$0x140]  }
0x71: {  	v18 =	vld [tilespmem:s16+$0x4140]  }
0x72: {  	[tilespmem:$0x1FD70] =	vst v62;
	v62 =	vld [tilespmem:s16+$0x4D20]  }
0x73: {  	v6 =	vld [tilespmem:s16+$0x8150]  }
0x74: {  	v5 =	vld [tilespmem:s16+$0x150]  }
0x75: {  	v23 =	vld [tilespmem:s16+$0x4150]  }
0x76: {  	v9 =	vld [tilespmem:s16+$0x8160]  }
0x77: {  	[tilespmem:$0x1FDB0] =	vst v62;
	v62 =	vld [tilespmem:s16+$0x8D30]  }
0x78: {  	v8 =	vld [tilespmem:s16+$0x160]  }
0x79: {  	v26 =	vld [tilespmem:s16+$0x4160]  }
0x7a: {  	v11 =	vld [tilespmem:s16+$0x8170]  }
0x7b: {  	v10 =	vld [tilespmem:s16+$0x170]  }
0x7c: {  	[tilespmem:$0x1FD90] =	vst v62;
	v62 =	vld [tilespmem:s16+$0xD30]  }
0x7d: {  	v29 =	vld [tilespmem:s16+$0x4170]  }
0x7e: {  	v14 =	vld [tilespmem:s16+$0x8500]  }
0x7f: {  	v13 =	vld [tilespmem:s16+$0x500]  }
0x80: {  	v33 =	vld [tilespmem:s16+$0x4500]  }
0x81: {  	[tilespmem:$0x1FDA0] =	vst v62;
	v62 =	vld [tilespmem:s16+$0x4D30]  }
0x82: {  	v17 =	vld [tilespmem:s16+$0x8510]  }
0x83: {  	v16 =	vld [tilespmem:s16+$0x510]  }
0x84: {  	v36 =	vld [tilespmem:s16+$0x4510]  }
0x85: {  	v22 =	vld [tilespmem:s16+$0x8520]  }
0x86: {  	[tilespmem:$0x1FDE0] =	vst v62;
	v62 =	vld [tilespmem:s16+$0x8D40]  }
0x87: {  	v21 =	vld [tilespmem:s16+$0x520]  }
0x88: {  	v39 =	vld [tilespmem:s16+$0x4520]  }
0x89: {  	v25 =	vld [tilespmem:s16+$0x8530]  }
0x8a: {  	v24 =	vld [tilespmem:s16+$0x530]  }
0x8b: {  	[tilespmem:$0x1FDC0] =	vst v62;
	v62 =	vld [tilespmem:s16+$0xD40]  }
0x8c: {  	v42 =	vld [tilespmem:s16+$0x4530]  }
0x8d: {  	v28 =	vld [tilespmem:s16+$0x8540]  }
0x8e: {  	v27 =	vld [tilespmem:s16+$0x540]  }
0x8f: {  	v46 =	vld [tilespmem:s16+$0x4540]  }
0x90: {  	[tilespmem:$0x1FDD0] =	vst v62;
	v62 =	vld [tilespmem:s16+$0x4D40]  }
0x91: {  	v32 =	vld [tilespmem:s16+$0x8550]  }
0x92: {  	v31 =	vld [tilespmem:s16+$0x550]  }
0x93: {  	v49 =	vld [tilespmem:s16+$0x4550]  }
0x94: {  	v35 =	vld [tilespmem:s16+$0x8560]  }
0x95: {  	[tilespmem:$0x1FE10] =	vst v62;
	v62 =	vld [tilespmem:s16+$0x8D50]  }
0x96: {  	v34 =	vld [tilespmem:s16+$0x560]  }
0x97: {  	v52 =	vld [tilespmem:s16+$0x4560]  }
0x98: {  	v38 =	vld [tilespmem:s16+$0x8570]  }
0x99: {  	v37 =	vld [tilespmem:s16+$0x570]  }
0x9a: {  	[tilespmem:$0x1FDF0] =	vst v62;
	v62 =	vld [tilespmem:s16+$0xD50]  }
0x9b: {  	v55 =	vld [tilespmem:s16+$0x4570]  }
0x9c: {  	v41 =	vld [tilespmem:s16+$0x8900]  }
0x9d: {  	v40 =	vld [tilespmem:s16+$0x900]  }
0x9e: {  	v60 =	vld [tilespmem:s16+$0x4900]  }
0x9f: {  	[tilespmem:$0x1FE00] =	vst v62;
	v62 =	vld [tilespmem:s16+$0x4D50]  }
0xa0: {  	v45 =	vld [tilespmem:s16+$0x8910]  }
0xa1: {  	v44 =	vld [tilespmem:s16+$0x910]  }
0xa2: {  	v48 =	vld [tilespmem:s16+$0x4910]  }
0xa3: {  	v50 =	vld [tilespmem:s16+$0x8920]  }
0xa4: {  	[tilespmem:$0x1FE40] =	vst v62;
	v62 =	vld [tilespmem:s16+$0x8D60]  }
0xa5: {  	v51 =	vld [tilespmem:s16+$0x4920]  }
0xa6: {  	v53 =	vld [tilespmem:s16+$0x8930]  }
0xa7: {  	v54 =	vld [tilespmem:s16+$0x4930]  }
0xa8: {  	v56 =	vld [tilespmem:s16+$0x8940]  }
0xa9: {  	[tilespmem:$0x1FE20] =	vst v62;
	v62 =	vld [tilespmem:s16+$0xD60]  }
0xaa: {  	v58 =	vld [tilespmem:s16+$0x4940]  }
0xab: {  	v59 =	vld [tilespmem:s16+$0x8950]  }
0xac: {  	v61 =	vld [tilespmem:s16+$0x4950]  }
0xad: {  	v63 =	vld [tilespmem:s16+$0x970]  }
0xae: {  	[tilespmem:$0x1FE30] =	vst v62;
	v62 =	vld [tilespmem:s16+$0x4D60]  }
0xaf: {  	[tilespmem:$0x1FC80] =	vst v48;
	v48 =	vld [tilespmem:s16+$0x920]  }
0xb0: {  	[tilespmem:$0x1FC90] =	vst v51;
	v51 =	vld [tilespmem:s16+$0x930]  }
0xb1: {  	[tilespmem:$0x1FCA0] =	vst v54;
	v54 =	vld [tilespmem:s16+$0x940]  }
0xb2: {  	[tilespmem:$0x1FCB0] =	vst v58;
	v58 =	vld [tilespmem:s16+$0x950]  }
0xb3: {  	[tilespmem:$0x1FE70] =	vst v62;
	v62 =	vld [tilespmem:s16+$0x8D70]  }
0xb4: {  	[tilespmem:$0x1FCD0] =	vst v61;
	v61 =	vld [tilespmem:s16+$0x8960]  }
0xb5: {  	v3 =	vadd.f32 v7, v3;
	v30 =	vadd.f32 v30, v20;
	v20 =	vld [tilespmem:s16+$0x5170]  }
0xb6: {  	v6 =	vadd.f32 v5, v6;
	v5 =	vld [tilespmem:s16+$0x1510]  }
0xb7: {  	v3 =	vadd.f32 v19, v3;
	v19 =	vld [tilespmem:s16+$0x9170]  }
0xb8: {  	[tilespmem:$0x1FE50] =	vst v62;
	v62 =	vld [tilespmem:s16+$0xD70]  }
0xb9: {  	v47 =	vadd.f32 v57, v47;
	v7 =	vadd.f32 v43, v30;
	v30 =	vld [tilespmem:s16+$0x1170]  }
0xba: {  	v43 =	vld [tilespmem:s16+$0x9500]  }
0xbb: {  	v8 =	vadd.f32 v8, v9;
	v57 =	vadd.f32 v12, v47;
	v47 =	vld [tilespmem:s16+$0x5500]  }
0xbc: {  	v10 =	vadd.f32 v10, v11;
	v9 =	vadd.f32 v23, v6;
	v6 =	vld [tilespmem:s16+$0x9520]  }
0xbd: {  	v11 =	vadd.f32 v26, v8;
	[tilespmem:$0x1FE60] =	vst v62;
	v62 =	vld [tilespmem:s16+$0x4D70]  }
0xbe: {  	v12 =	vadd.f32 v13, v14;
	v13 =	vadd.f32 v29, v10;
	v8 =	vld [tilespmem:s16+$0x1520]  }
0xbf: {  	v14 =	vadd.f32 v16, v17;
	v16 =	vadd.f32 v21, v22;
	v10 =	vld [tilespmem:s16+$0x9530]  }
0xc0: {  	v22 =	vadd.f32 v27, v28;
	v28 =	vadd.f32 v37, v38;
	v38 =	vld [tilespmem:$0x1FC90]  }
0xc1: {  	[tilespmem:s16+$0x8120] =	vst v57;
	v57 =	vld [tilespmem:s16+$0x1500]  }
0xc2: {  	[tilespmem:$0x1FEA0] =	vst v62;
	v62 =	vld [tilespmem:s16+$0x9100]  }
0xc3: {  	[tilespmem:s16+$0x8100] =	vst v3;
	v3 =	vld [tilespmem:s16+$0x5510]  }
0xc4: {  	v0 =	vadd.f32 v0, v1;
	[tilespmem:s16+$0x8150] =	vst v9;
	v9 =	vld [tilespmem:s16+$0x5520]  }
0xc5: {  	[tilespmem:s16+$0x8160] =	vst v11;
	v11 =	vld [tilespmem:s16+$0x1530]  }
0xc6: {  	v0 =	vadd.f32 v15, v0;
	v15 =	vadd.f32 v33, v12;
	v12 =	vld [tilespmem:s16+$0x5530]  }
0xc7: {  	[tilespmem:$0x1FE80] =	vst v62;
	v62 =	vld [tilespmem:s16+$0x1100]  }
0xc8: {  	[tilespmem:s16+$0x8170] =	vst v13;
	v13 =	vld [tilespmem:s16+$0x9540]  }
0xc9: {  	v17 =	vadd.f32 v36, v14;
	v14 =	vld [tilespmem:s16+$0x1540]  }
0xca: {  	v2 =	vadd.f32 v2, v4;
	v36 =	vld [tilespmem:$0x1FC80]  }
0xcb: {  	[tilespmem:s16+$0x8110] =	vst v7;
	v21 =	vadd.f32 v39, v16;
	v16 =	vld [tilespmem:s16+$0x9550]  }
0xcc: {  	v7 =	vadd.f32 v18, v2;
	v18 =	vadd.f32 v24, v25;
	[tilespmem:$0x1FE90] =	vst v62;
	v62 =	vld [tilespmem:s16+$0x5100]  }
0xcd: {  	v24 =	vadd.f32 v31, v32;
	v31 =	vadd.f32 v40, v41;
	v40 =	vld [tilespmem:$0x1FCA0]  }
0xce: {  	v26 =	vadd.f32 v34, v35;
	v33 =	vadd.f32 v44, v45;
	v45 =	vld [tilespmem:$0x1FCD0]  }
0xcf: {  	v25 =	vadd.f32 v46, v22;
	v22 =	vld [tilespmem:s16+$0x1560]  }
0xd0: {  	v29 =	vadd.f32 v52, v26;
	v26 =	vld [tilespmem:s16+$0x5570]  }
0xd1: {  	[tilespmem:$0x1FED0] =	vst v62;
	v62 =	vld [tilespmem:s16+$0x9110]  }
0xd2: {  	[tilespmem:$0x1FCC0] =	vst v61;
	v61 =	vld [tilespmem:s16+$0x960]  }
0xd3: {  	v35 =	vadd.f32 v48, v50;
	v48 =	vld [tilespmem:$0x1FCF0]  }
0xd4: {  	[tilespmem:s16+$0x8140] =	vst v7;
	v7 =	vld [tilespmem:s16+$0x9510]  }
0xd5: {  	[tilespmem:s16+$0x8500] =	vst v15;
	v15 =	vld [tilespmem:s16+$0x5540]  }
0xd6: {  	[tilespmem:$0x1FEB0] =	vst v62;
	v62 =	vld [tilespmem:s16+$0x1110]  }
0xd7: {  	[tilespmem:s16+$0x8510] =	vst v17;
	v17 =	vld [tilespmem:s16+$0x1550]  }
0xd8: {  	v23 =	vadd.f32 v42, v18;
	v42 =	vld [tilespmem:$0x1FCB0]  }
0xd9: {  	v44 =	vld [tilespmem:$0x1FCC0]  }
0xda: {  	v18 =	vld [tilespmem:s16+$0x5550]  }
0xdb: {  	[tilespmem:$0x1FEC0] =	vst v62;
	v62 =	vld [tilespmem:s16+$0x5110]  }
0xdc: {  	v46 =	vld [tilespmem:$0x1FCE0]  }
0xdd: {  	[tilespmem:s16+$0x8520] =	vst v21;
	v21 =	vld [tilespmem:s16+$0x9560]  }
0xde: {  	v27 =	vadd.f32 v49, v24;
	v24 =	vld [tilespmem:s16+$0x9570]  }
0xdf: {  	[tilespmem:s16+$0x8540] =	vst v25;
	v25 =	vld [tilespmem:s16+$0x1570]  }
0xe0: {  	[tilespmem:$0x1FF00] =	vst v62;
	v62 =	vld [tilespmem:s16+$0x9120]  }
0xe1: {  	[tilespmem:s16+$0x8530] =	vst v23;
	v23 =	vld [tilespmem:s16+$0x5560]  }
0xe2: {  	[tilespmem:s16+$0x8550] =	vst v27;
	v27 =	vld [tilespmem:s16+$0x9900]  }
0xe3: {  	v37 =	vadd.f32 v51, v53;
	v51 =	vld [tilespmem:$0x1FD20]  }
0xe4: {  	v49 =	vld [tilespmem:$0x1FD00]  }
0xe5: {  	[tilespmem:$0x1FEE0] =	vst v62;
	v62 =	vld [tilespmem:s16+$0x1120]  }
0xe6: {  	v50 =	vld [tilespmem:$0x1FD10]  }
0xe7: {  	v39 =	vadd.f32 v54, v56;
	v54 =	vld [tilespmem:$0x1FD50]  }
0xe8: {  	v52 =	vld [tilespmem:$0x1FD30]  }
0xe9: {  	[tilespmem:s16+$0x8130] =	vst v0;
	v53 =	vld [tilespmem:$0x1FD40]  }
0xea: {  	v0 =	vadd.f32 v36, v33;
	[tilespmem:$0x1FEF0] =	vst v62;
	v62 =	vld [tilespmem:s16+$0x5120]  }
0xeb: {  	v41 =	vadd.f32 v58, v59;
	v58 =	vld [tilespmem:$0x1FD80]  }
0xec: {  	v32 =	vadd.f32 v55, v28;
	[tilespmem:s16+$0x8910] =	vst v0;
	v0 =	vadd.f32 v40, v37;
	v55 =	vld [tilespmem:$0x1FD60]  }
0xed: {  	v59 =	vld [tilespmem:$0x1FD90]  }
0xee: {  	v34 =	vadd.f32 v60, v31;
	[tilespmem:s16+$0x8930] =	vst v0;
	v60 =	vld [tilespmem:$0x1FDA0]  }
0xef: {  	v4 =	vadd.f32 v63, v46;
	v0 =	vadd.f32 v45, v41;
	[tilespmem:$0x1FF30] =	vst v62;
	v62 =	vld [tilespmem:s16+$0x9130]  }
0xf0: {  	[tilespmem:s16+$0x8560] =	vst v29;
	v1 =	vadd.f32 v38, v35;
	v56 =	vld [tilespmem:$0x1FD70]  }
0xf1: {  	[tilespmem:s16+$0x8950] =	vst v0;
	v0 =	vadd.f32 v51, v4;
	v29 =	vld [tilespmem:$0x1FDE0]  }
0xf2: {  	[tilespmem:s16+$0x8920] =	vst v1;
	v2 =	vadd.f32 v61, v44;
	v4 =	vadd.f32 v53, v52;
	v61 =	vld [tilespmem:$0x1FDB0]  }
0xf3: {  	v1 =	vadd.f32 v42, v39;
	[tilespmem:s16+$0x8970] =	vst v0;
	v63 =	vld [tilespmem:$0x1FDC0]  }
0xf4: {  	v0 =	vadd.f32 v58, v4;
	v4 =	vadd.f32 v60, v59;
	[tilespmem:$0x1FF10] =	vst v62;
	v62 =	vld [tilespmem:s16+$0x1130]  }
0xf5: {  	[tilespmem:s16+$0x8940] =	vst v1;
	v1 =	vadd.f32 v48, v2;
	v28 =	vld [tilespmem:$0x1FDD0]  }
0xf6: {  	v2 =	vadd.f32 v50, v49;
	[tilespmem:s16+$0x8D10] =	vst v0;
	v0 =	vadd.f32 v29, v4;
	v29 =	vld [tilespmem:s16+$0x5900]  }
0xf7: {  	[tilespmem:s16+$0x8570] =	vst v32;
	v33 =	vld [tilespmem:$0x1FE10]  }
0xf8: {  	[tilespmem:s16+$0x8960] =	vst v1;
	v1 =	vadd.f32 v54, v2;
	v2 =	vadd.f32 v56, v55;
	v31 =	vld [tilespmem:$0x1FDF0]  }
0xf9: {  	[tilespmem:$0x1FF20] =	vst v62;
	v62 =	vld [tilespmem:s16+$0x5130]  }
0xfa: {  	[tilespmem:s16+$0x8D00] =	vst v1;
	v1 =	vadd.f32 v61, v2;
	v2 =	vadd.f32 v28, v63;
	v32 =	vld [tilespmem:$0x1FE00]  }
0xfb: {  	v28 =	vld [tilespmem:s16+$0x1900]  }
0xfc: {  	[tilespmem:s16+$0x8D20] =	vst v1;
	v1 =	vadd.f32 v33, v2;
	v33 =	vld [tilespmem:s16+$0x5910]  }
0xfd: {  	v36 =	vld [tilespmem:$0x1FE40]  }
0xfe: {  	[tilespmem:$0x1FF60] =	vst v62;
	v62 =	vld [tilespmem:s16+$0x9140]  }
0xff: {  	v4 =	vadd.f32 v32, v31;
	v31 =	vld [tilespmem:s16+$0x9910]  }
0x100: {  	[tilespmem:s16+$0x8900] =	vst v34;
	v34 =	vld [tilespmem:$0x1FE20]  }
0x101: {  	v35 =	vld [tilespmem:$0x1FE30]  }
0x102: {  	v32 =	vld [tilespmem:s16+$0x1910]  }
0x103: {  	[tilespmem:$0x1FF40] =	vst v62;
	v62 =	vld [tilespmem:s16+$0x1140]  }
0x104: {  	[tilespmem:s16+$0x8D30] =	vst v0;
	v0 =	vadd.f32 v36, v4;
	v36 =	vld [tilespmem:s16+$0x5920]  }
0x105: {  	v39 =	vld [tilespmem:$0x1FE70]  }
0x106: {  	v2 =	vadd.f32 v35, v34;
	v34 =	vld [tilespmem:s16+$0x9920]  }
0x107: {  	v35 =	vld [tilespmem:s16+$0x1920]  }
0x108: {  	[tilespmem:$0x1FF50] =	vst v62;
	v62 =	vld [tilespmem:s16+$0x5140]  }
0x109: {  	v37 =	vld [tilespmem:$0x1FE50]  }
0x10a: {  	v38 =	vld [tilespmem:$0x1FE60]  }
0x10b: {  	v40 =	vld [tilespmem:$0x1FE80]  }
0x10c: {  	v41 =	vld [tilespmem:$0x1FE90]  }
0x10d: {  	[tilespmem:$0x1FF90] =	vst v62;
	v62 =	vld [tilespmem:s16+$0x9150]  }
0x10e: {  	v42 =	vld [tilespmem:$0x1FEA0]  }
0x10f: {  	v46 =	vld [tilespmem:$0x1FED0]  }
0x110: {  	v44 =	vld [tilespmem:$0x1FEB0]  }
0x111: {  	[tilespmem:s16+$0x8D40] =	vst v1;
	v45 =	vld [tilespmem:$0x1FEC0]  }
0x112: {  	v1 =	vadd.f32 v39, v2;
	v2 =	vadd.f32 v41, v40;
	[tilespmem:$0x1FF70] =	vst v62;
	v62 =	vld [tilespmem:s16+$0x1150]  }
0x113: {  	v4 =	vadd.f32 v38, v37;
	v40 =	vld [tilespmem:s16+$0x9930]  }
0x114: {  	[tilespmem:s16+$0x8D60] =	vst v1;
	v1 =	vadd.f32 v46, v2;
	v46 =	vadd.f32 v57, v43;
	v57 =	vld [tilespmem:s16+$0x9950]  }
0x115: {  	v50 =	vld [tilespmem:$0x1FF00]  }
0x116: {  	[tilespmem:s16+$0x8D50] =	vst v0;
	v0 =	vadd.f32 v42, v4;
	v4 =	vadd.f32 v45, v44;
	v44 =	vld [tilespmem:s16+$0x1930]  }
0x117: {  	[tilespmem:$0x1FF80] =	vst v62;
	v62 =	vld [tilespmem:s16+$0x5150]  }
0x118: {  	v48 =	vld [tilespmem:$0x1FEE0]  }
0x119: {  	v49 =	vld [tilespmem:$0x1FEF0]  }
0x11a: {  	v53 =	vld [tilespmem:$0x1FF30]  }
0x11b: {  	v51 =	vld [tilespmem:$0x1FF10]  }
0x11c: {  	[tilespmem:$0x1FFC0] =	vst v62;
	v62 =	vld [tilespmem:s16+$0x9160]  }
0x11d: {  	v52 =	vld [tilespmem:$0x1FF20]  }
0x11e: {  	v56 =	vld [tilespmem:$0x1FF60]  }
0x11f: {  	v54 =	vld [tilespmem:$0x1FF40]  }
0x120: {  	v55 =	vld [tilespmem:$0x1FF50]  }
0x121: {  	v42 =	vadd.f32 v30, v19;
	[tilespmem:$0x1FFA0] =	vst v62;
	v62 =	vld [tilespmem:s16+$0x1160]  }
0x122: {  	[tilespmem:s16+$0x8D70] =	vst v0;
	v0 =	vadd.f32 v50, v4;
	v60 =	vld [tilespmem:$0x1FF90]  }
0x123: {  	[tilespmem:s16+$0x9100] =	vst v1;
	v2 =	vadd.f32 v49, v48;
	v49 =	vadd.f32 v20, v42;
	v58 =	vld [tilespmem:$0x1FF70]  }
0x124: {  	v50 =	vadd.f32 v5, v7;
	[tilespmem:s16+$0x9110] =	vst v0;
	v59 =	vld [tilespmem:$0x1FF80]  }
0x125: {  	[tilespmem:s16+$0x9170] =	vst v49;
	v1 =	vadd.f32 v53, v2;
	v4 =	vadd.f32 v52, v51;
	v41 =	vld [tilespmem:$0x1FFC0]  }
0x126: {  	v52 =	vadd.f32 v47, v46;
	v2 =	vadd.f32 v55, v54;
	v61 =	vld [tilespmem:$0x1FFA0];
	[tilespmem:$0x1FFB0] =	vst v62  }
0x127: {  	v53 =	vadd.f32 v8, v6;
	[tilespmem:s16+$0x9120] =	vst v1;
	v0 =	vadd.f32 v56, v4;
	v63 =	vld [tilespmem:$0x1FFB0]  }
0x128: {  	v48 =	vld [tilespmem:s16+$0x5930];
	[tilespmem:s16+$0x9500] =	vst v52;
	v55 =	vadd.f32 v3, v50;
	v1 =	vadd.f32 v60, v2  }
0x129: {  	[tilespmem:s16+$0x9130] =	vst v0;
	v4 =	vadd.f32 v59, v58;
	v59 =	vadd.f32 v14, v13;
	v62 =	vld [tilespmem:s16+$0x5160]  }
0x12a: {  	v37 =	vadd.f32 v44, v40;
	v51 =	vld [tilespmem:s16+$0x9940];
	[tilespmem:s16+$0x9510] =	vst v55;
	v58 =	vadd.f32 v9, v53  }
0x12b: {  	v56 =	vadd.f32 v11, v10;
	v54 =	vld [tilespmem:s16+$0x1940];
	[tilespmem:s16+$0x9140] =	vst v1;
	v15 =	vadd.f32 v15, v59  }
0x12c: {  	v60 =	vld [tilespmem:s16+$0x1950];
	[tilespmem:s16+$0x9520] =	vst v58;
	v0 =	vadd.f32 v41, v4;
	v2 =	vadd.f32 v63, v61  }
0x12d: {  	v42 =	vadd.f32 v48, v37;
	[tilespmem:s16+$0x9540] =	vst v15;
	v61 =	vadd.f32 v12, v56;
	v63 =	vld [tilespmem:s16+$0x5950]  }
0x12e: {  	[tilespmem:s16+$0x9150] =	vst v0;
	v45 =	vadd.f32 v62, v2;
	v62 =	vadd.f32 v17, v16;
	v17 =	vld [tilespmem:s16+$0x9960]  }
0x12f: {  	[tilespmem:s16+$0x9930] =	vst v42;
	v16 =	vadd.f32 v22, v21;
	v21 =	vadd.f32 v25, v24;
	v22 =	vld [tilespmem:s16+$0x1960]  }
0x130: {  	[tilespmem:s16+$0x9530] =	vst v61;
	v24 =	vadd.f32 v28, v27;
	v25 =	vld [tilespmem:s16+$0x9970];
	v20 =	vadd.f32 v18, v62  }
0x131: {  	v27 =	vadd.f32 v32, v31;
	v28 =	vld [tilespmem:s16+$0x1970];
	[tilespmem:s16+$0x9160] =	vst v45;
	v23 =	vadd.f32 v23, v16  }
0x132: {  	v32 =	vadd.f32 v35, v34;
	v34 =	vld [tilespmem:s16+$0x5960];
	v26 =	vadd.f32 v26, v21;
	[tilespmem:s16+$0x9550] =	vst v20  }
0x133: {  	v38 =	vld [tilespmem:s16+$0x5970];
	v31 =	vadd.f32 v29, v24;
	[tilespmem:s16+$0x9560] =	vst v23  }
0x134: {  	v40 =	vadd.f32 v60, v57;
	v41 =	vld [tilespmem:s16+$0x5940];
	v35 =	vadd.f32 v33, v27;
	[tilespmem:s16+$0x9570] =	vst v26  }
0x135: {  	v39 =	vadd.f32 v36, v32;
	[tilespmem:s16+$0x9900] =	vst v31;
	v43 =	vadd.f32 v22, v17  }
0x136: {  	v44 =	vadd.f32 v63, v40;
	[tilespmem:s16+$0x9910] =	vst v35;
	v45 =	vadd.f32 v28, v25  }
0x137: {  	s18 =	sand.u32 $0x7, s3;
	v46 =	vadd.f32 v54, v51;
	[tilespmem:s16+$0x9920] =	vst v39;
	v3 =	vadd.f32 v34, v43  }
0x138: {  	s17 =	sshll.u32 s18, $0x7;
	[tilespmem:s16+$0x9950] =	vst v44;
	v47 =	vadd.f32 v38, v45  }
0x139: {  	s17 =	sadd.s32 s17, s14;
	v0 =	vadd.f32 v41, v46;
	[tilespmem:s16+$0x9960] =	vst v3  }
0x13a: {  	s18 =	sor.u32 $0x1C00, s17;
	[tilespmem:s16+$0x9970] =	vst v47  }
0x13b: {  	[tilespmem:s16+$0x9940] =	vst v0;
	v48 =	vld [tilespmem:s18+$0x8100]  }
0x13c: {  	v1 =	vld [tilespmem:s18+$0x100];
	_ =	sdelay $0x1  }
0x13d: {  	v49 =	vld [tilespmem:s18+$0x4100];
	_ =	sdelay $0x2  }
0x13e: {  	v0 =	vadd.f32 v1, v48;
	_ =	sdelay $0x1  }
0x13f: {  	v0 =	vadd.f32 v49, v0;
	_ =	sdelay $0x1  }
0x140: {  	[tilespmem:s18+$0x8100] =	vst v0;
	s18 =	sor.u32 $0x1C10, s17  }
0x141: {  	v0 =	vld [tilespmem:s18+$0x8100]  }
0x142: {  	v50 =	vld [tilespmem:s18+$0x100];
	_ =	sdelay $0x1  }
0x143: {  	v51 =	vld [tilespmem:s18+$0x4100];
	_ =	sdelay $0x2  }
0x144: {  	v0 =	vadd.f32 v50, v0;
	_ =	sdelay $0x1  }
0x145: {  	v0 =	vadd.f32 v51, v0;
	_ =	sdelay $0x1  }
0x146: {  	[tilespmem:s18+$0x8100] =	vst v0;
	s18 =	sor.u32 $0x1C20, s17  }
0x147: {  	v0 =	vld [tilespmem:s18+$0x8100]  }
0x148: {  	v52 =	vld [tilespmem:s18+$0x100];
	_ =	sdelay $0x1  }
0x149: {  	v53 =	vld [tilespmem:s18+$0x4100];
	_ =	sdelay $0x2  }
0x14a: {  	v0 =	vadd.f32 v52, v0;
	_ =	sdelay $0x1  }
0x14b: {  	v0 =	vadd.f32 v53, v0;
	_ =	sdelay $0x1  }
0x14c: {  	[tilespmem:s18+$0x8100] =	vst v0;
	s18 =	sor.u32 $0x1C30, s17  }
0x14d: {  	v0 =	vld [tilespmem:s18+$0x8100]  }
0x14e: {  	v54 =	vld [tilespmem:s18+$0x100];
	_ =	sdelay $0x1  }
0x14f: {  	v55 =	vld [tilespmem:s18+$0x4100];
	_ =	sdelay $0x2  }
0x150: {  	v0 =	vadd.f32 v54, v0;
	_ =	sdelay $0x1  }
0x151: {  	v0 =	vadd.f32 v55, v0;
	_ =	sdelay $0x1  }
0x152: {  	[tilespmem:s18+$0x8100] =	vst v0;
	s18 =	sor.u32 $0x1C40, s17  }
0x153: {  	v0 =	vld [tilespmem:s18+$0x8100]  }
0x154: {  	v56 =	vld [tilespmem:s18+$0x100];
	_ =	sdelay $0x1  }
0x155: {  	v57 =	vld [tilespmem:s18+$0x4100];
	_ =	sdelay $0x2  }
0x156: {  	v0 =	vadd.f32 v56, v0;
	_ =	sdelay $0x1  }
0x157: {  	v0 =	vadd.f32 v57, v0;
	_ =	sdelay $0x1  }
0x158: {  	[tilespmem:s18+$0x8100] =	vst v0;
	s18 =	sor.u32 $0x1C50, s17  }
0x159: {  	v0 =	vld [tilespmem:s18+$0x8100]  }
0x15a: {  	v58 =	vld [tilespmem:s18+$0x100];
	_ =	sdelay $0x1  }
0x15b: {  	v59 =	vld [tilespmem:s18+$0x4100];
	_ =	sdelay $0x2  }
0x15c: {  	v0 =	vadd.f32 v58, v0;
	_ =	sdelay $0x1  }
0x15d: {  	v0 =	vadd.f32 v59, v0;
	_ =	sdelay $0x1  }
0x15e: {  	[tilespmem:s18+$0x8100] =	vst v0;
	s18 =	sor.u32 $0x1C60, s17  }
0x15f: {  	v0 =	vld [tilespmem:s18+$0x8100]  }
0x160: {  	v60 =	vld [tilespmem:s18+$0x100];
	_ =	sdelay $0x1  }
0x161: {  	v61 =	vld [tilespmem:s18+$0x4100];
	_ =	sdelay $0x2  }
0x162: {  	v0 =	vadd.f32 v60, v0;
	_ =	sdelay $0x1  }
0x163: {  	v0 =	vadd.f32 v61, v0;
	_ =	sdelay $0x1  }
0x164: {  	[tilespmem:s18+$0x8100] =	vst v0;
	s18 =	sor.u32 $0x1C70, s17  }
0x165: {  	v0 =	vld [tilespmem:s18+$0x8100]  }
0x166: {  	v62 =	vld [tilespmem:s18+$0x100];
	_ =	sdelay $0x1  }
0x167: {  	v63 =	vld [tilespmem:s18+$0x4100];
	_ =	sdelay $0x1  }
0x168: {  	p0 =	sne.s32 s15, $0x780  }
.Ltmp0:
0x169: {  	v0 =	vadd.f32 v62, v0;
	(pc) =	sbr.rel @p0 .LBB2_3-.Ltmp0, $4  }
0x16a: {  	_ = 	snop  }
0x16b: {  	v0 =	vadd.f32 v63, v0  }
0x16c: {  	s3 =	sadd.s32 $0x1, s3  }
0x16d: {  	s4 =	sadd.s32 $0x400, s4;
	s15 =	sadd.s32 $0x80, s15;
	s14 =	sadd.s32 $0x400, s14;
	[tilespmem:s18+$0x8100] =	vst v0  }
0x16e: {  	s2 =	sadd.s32 $0x1, s2  }
0x16f: {  	s3 =	rddreg [dreg:$0x2];
	p0 =	sne.s32 s2, $0x4  }
.Ltmp1:
0x170: {  	s18 =	simm.s32 $0x0;
	s1 =	sadd.s32 s3, s1;
	(pc) =	sbr.rel @p0 .LBB2_2-.Ltmp1, $4  }
0x171: {  	[hbm4b:s1+s18] =	stream.linear.scatter [tilespmem:s0], [sflag:$0x3], $0x4000, $0x38;
	[tilespmem:$0xC100] =	vst v63  }
0x172: {  	_ =	swait.ge [sflag:s13], $0x4000  }
0x173: {  	[sflag:s13] =	ssyncset.done $0x0  }
0x174: {  	[sflag:s13] =	ssyncadd.s32 $0xFFFFC000  }
0x175: {  	s2 =	rddreg [dreg:$0x5]  }
0x176: {  	s1 =	rddreg [dreg:$0x4];
	s2 =	sadd.s32 $0x1, s2  }
0x177: {  	p0 =	sne.s32 s2, s1  }
.Ltmp2:
0x178: {  	_ = 	snop;
	(pc) =	sbr.rel @p0 .LBB2_1-.Ltmp2, $1  }
0x179: {  	_ =	sdelay $0x3  }
0x17a: {  	_ =	sfence.sel $0x180000  }
0x17b: {  	[bflag:$0x0] =	sbarrier.arrive $0xFFFF  }
0x17c: {  	_ =	strace $0x9000004A  }
0x17d: {  	s0 =	stileid.u32;
	[bflag:$0x2] =	sbarrier.arrive $0xFFFF  }
0x17e: {  	p0 =	sne.s32 s0, $0x0;
	s0 =	rddreg [dreg:$0x3]  }
0x17f: {  	s0 =	sadd.s32 @!p0 $0x100000, s0  }
0x180: {  	[sflag:s0] =	ssyncadd.tile.s32 @!p0 $0x1;
	_ =	shalt  }
.Lfunc_end2:
_tile_overlayer_lowered:
.L_overlay_start_2:
0x181: {  	(tag) =	ssettag $0x2  }
0x182: {  	s0 =	rddreg [dreg:$0x0];
	s2 =	stileid.u32  }
0x183: {  	s1 =	rddreg [dreg:$0x1];
	p0 =	sne.s32 s2, $0x0  }
0x184: {  	s3 =	rddreg [dreg:$0x2];
	[bflag:$0x3] =	sbarrier.arrive $0xFFFF;
	s2 =	simm.s32 @!p0 $0x1C03  }
0x185: {  	[timem:s3], [sflag:s2] =	dma.local @!p0 [hbm:s0], s1  }
0x186: {  	s0 =	simm.s32 @!p0 $0x3  }
0x187: {  	_ =	swait.ge @!p0 [sflag:s0], s1  }
0x188: {  	s1 =	ssub.s32 @!p0 $0x0, s1;
	[sflag:s0] =	ssyncset.done @!p0 $0x0  }
0x189: {  	[sflag:s0] =	ssyncadd.s32 @!p0 s1  }
0x18a: {  	[bflag:$0x3] =	sbarrier.arrive $0xFFFF  }
0x18b: {  	_ =	shalt  }

</sc_bundles>
